<compile_context>
chip_gen: v7x
topology: tpu7x:2x2x1
jax: 0.10.2.dev20260603
libtpu: 0.0.44.dev20260713+nightly
codegen_flags: <defaults>
</compile_context>

<pallas_src>
import functools

import jax
import jax.numpy as jnp
from jax import lax
from jax.experimental import pallas as pl
from jax.experimental.pallas import tpu as pltpu
from jax.experimental.pallas import tpu_sc as plsc

FIELDS = 26
DIM = 16
ROW = FIELDS * DIM
NC, NS = 2, 16
NW = NC * NS

G = 4
CROWS = G * FIELDS

PAIRS = [(i, j) for i in range(FIELDS - 1) for j in range(i + 1, FIELDS)]


def _lane_total(v):
    dnums = lax.GatherDimensionNumbers(
        offset_dims=(), collapsed_slice_dims=(0,), start_index_map=(0,))
    for sh in (8, 4, 2, 1):
        perm = jnp.bitwise_xor(lax.iota(jnp.int32, 16), sh)
        v = v + lax.gather(
            v, perm[:, None], dimension_numbers=dnums, slice_sizes=(1,),
            mode=lax.GatherScatterMode.PROMISE_IN_BOUNDS)
    return v


def _ffm_body(batch, tbl, idxs, out, idxbuf, ebuf, outbuf, sem0, sem1):
    epw = batch // NW
    chunks = epw // G
    wid = lax.axis_index("s") * NC + lax.axis_index("c")

    pltpu.sync_copy(idxs.at[pl.ds(wid * epw * FIELDS, epw * FIELDS)], idxbuf)

    def gather(c, half, sem):
        return pltpu.make_async_copy(
            tbl.at[idxbuf.at[pl.ds(c * CROWS, CROWS)]],
            ebuf.at[pl.ds(half * CROWS, CROWS)],
            sem,
        )

    gather(0, 0, sem0).start()

    def elem(el, carry, cc, par):
        outv = carry
        row0 = par * CROWS + el * FIELDS
        accs = [jnp.zeros((DIM,), jnp.float32) for _ in range(4)]
        for delta in range(1, FIELDS):
            n = FIELDS - delta
            d16 = delta * DIM

            def pair2(t, c, delta=delta):
                ra, ca, cb, a0, a1 = c
                x0 = ebuf[ra, pl.ds(ca, DIM)]
                y0 = ebuf[ra + delta, pl.ds(cb, DIM)]
                x1 = ebuf[ra + 1, pl.ds(ca + DIM, DIM)]
                y1 = ebuf[ra + 1 + delta, pl.ds(cb + DIM, DIM)]
                return (ra + 2, ca + 2 * DIM, cb + 2 * DIM,
                        a0 + x0 * y0, a1 + x1 * y1)

            _, _, _, a0, a1 = lax.fori_loop(
                0, n // 2, pair2, (row0, d16, 0, accs[0], accs[1]))
            accs[0], accs[1] = a0, a1
            if n % 2:
                k = n - 1
                x = ebuf[row0 + k, pl.ds((k + delta) * DIM, DIM)]
                y = ebuf[row0 + k + delta, pl.ds(k * DIM, DIM)]
                accs[2 + (delta % 2)] = accs[2 + (delta % 2)] + x * y
        acc = (accs[0] + accs[1]) + (accs[2] + accs[3])
        s = _lane_total(acc)
        eg = cc * G + el
        lane = lax.rem(eg, 16)
        outv = outv + jnp.where(lax.iota(jnp.int32, 16) == lane, s, 0.0)

        @pl.when(lane == 15)
        def _():
            outbuf[pl.ds(eg - 15, 16)] = outv

        return jnp.where(lane == 15, jnp.zeros_like(outv), outv)

    def chunk(cc, outv):
        par = lax.rem(cc, 2)
        nxt = cc + 1

        @pl.when(par == 0)
        def _():
            gather(cc, 0, sem0).wait()

            @pl.when(nxt < chunks)
            def _():
                gather(nxt, 1, sem1).start()

        @pl.when(par == 1)
        def _():
            gather(cc, 1, sem1).wait()

            @pl.when(nxt < chunks)
            def _():
                gather(nxt, 0, sem0).start()

        return lax.fori_loop(
            0, G, functools.partial(elem, cc=cc, par=par), outv)

    lax.fori_loop(0, chunks, chunk, jnp.zeros((16,), jnp.float32))
    pltpu.sync_copy(outbuf, out.at[pl.ds(wid * epw, epw)])


def kernel(inputs, W):
    batch, fields = inputs.shape
    feature = W.shape[0]
    tbl = W.reshape(feature, ROW)
    idx = inputs.reshape(-1)
    epw = batch // NW

    run = functools.partial(
        pl.kernel,
        out_type=jax.ShapeDtypeStruct((batch,), jnp.float32),
        mesh=plsc.VectorSubcoreMesh(core_axis_name="c", subcore_axis_name="s"),
        scratch_types=[
            pltpu.VMEM((epw * FIELDS,), jnp.int32),
            pltpu.VMEM((2 * CROWS, ROW), jnp.float32),
            pltpu.VMEM((epw,), jnp.float32),
            pltpu.SemaphoreType.DMA,
            pltpu.SemaphoreType.DMA,
        ],
        compiler_params=pltpu.CompilerParams(use_tc_tiling_on_sc=False),
    )(functools.partial(_ffm_body, batch))
    out = run(tbl, idx)
    return out.reshape(batch, 1)

# --- scband reference (transcript-rebuilt; emitter-appended) ---
"""Pipeline reference for scband-ffm-47021301957243 (READ-ONLY COPY).

The authoritative reference and input builder live on the scoring server;
editing this copy changes nothing except your own understanding.
"""

import jax, jax.numpy as jnp
import numpy as np

FEATURE_SIZE = 100000
FIELD_SIZE = 26
DIMENSION = 16
BATCH = 4096


def setup_inputs(seed: int = 0) -> dict:
    key = jax.random.key(seed)
    k1, k2 = jax.random.split(key)
    inputs = jax.random.randint(k1, (BATCH, FIELD_SIZE), 0, FEATURE_SIZE, dtype=jnp.int32)
    W = jax.random.normal(k2, (FEATURE_SIZE, FIELD_SIZE, DIMENSION), dtype=jnp.float32) * 0.05
    return {"inputs": inputs, "W": W}


def reference(inputs, W):
    field_size = W.shape[1]
    pairs = np.array([[i, j] for i in range(field_size - 1) for j in range(i + 1, field_size)], dtype=np.int32)  # [P, 2]
    # tf.split(pair_wise_index, 2, axis=1) -> right_field_index = col 0 (i), left_field_index = col 1 (j)
    right_field = jnp.asarray(pairs[:, 0])  # [P]
    left_field = jnp.asarray(pairs[:, 1])   # [P]
    # pair_feature_index = gather(inputs, pairs, axis=1) -> [B, P, 2]; split axis=2 -> left_feature = col 0 (feature of field i), right_feature = col 1 (feature of field j)
    left_feature = inputs[:, pairs[:, 0]]   # [B, P]
    right_feature = inputs[:, pairs[:, 1]]  # [B, P]
    # gather_nd(W, [feature, field])
    left_embedding = W[left_feature, left_field[None, :]]    # [B, P, D] : v_{f_i, j}
    right_embedding = W[right_feature, right_field[None, :]]  # [B, P, D] : v_{f_j, i}
    cross_value = jnp.sum(left_embedding * right_embedding, axis=-1)  # [B, P]
    output = jnp.sum(cross_value, axis=-1, keepdims=True)  # [B, 1]
    return output

if __name__ == "__main__":
    import jax
    _d = setup_inputs()
    print(jax.jit(kernel)(*tuple(_d.values())))

</pallas_src>

<mosaic_0001>
#map = affine_map<(d0, d1) -> (0, 0)>
#map1 = affine_map<(d0, d1) -> (0)>
module attributes {stable_mosaic.version = 14 : i64} {
  func.func @_ffm_body(%arg0: i32, %arg1: i32, %arg2: memref<100000x416xf32, #tpu.memory_space<hbm>>, %arg3: memref<106496xi32, #tpu.memory_space<hbm>>, %arg4: memref<4096xf32, #tpu.memory_space<hbm>>, %arg5: memref<3328xi32, #tpu.memory_space<vmem>>, %arg6: memref<208x416xf32, #tpu.memory_space<vmem>>, %arg7: memref<128xf32, #tpu.memory_space<vmem>>, %arg8: memref<!tpu.dma_semaphore, #tpu.memory_space<semaphore_mem>>, %arg9: memref<!tpu.dma_semaphore, #tpu.memory_space<semaphore_mem>>) attributes {dimension_semantics = [#tpu.dimension_semantics<core_parallel>, #tpu.dimension_semantics<subcore_parallel>], iteration_bounds = array<i64: 2, 16>, scalar_prefetch = 0 : i64, scratch_operands = 5 : i64, tpu.core_type = #tpu.core_type<sc_vector_subcore>, window_params = [{transform_indices = #map}, {transform_indices = #map1}, {transform_indices = #map1}]} {
    %mul3A = arith.constant 2 : i32
    %mul3A_0 = arith.muli %arg1, %mul3A : i32
    %add3A = arith.addi %mul3A_0, %arg0 : i32
    %mul3A_1 = arith.constant 128 : i32
    %mul3A_2 = arith.muli %add3A, %mul3A_1 : i32
    %mul3A_3 = arith.constant 26 : i32
    %mul3A_4 = arith.muli %mul3A_2, %mul3A_3 : i32
    "tpu.region"() ({
      %run_scoped3A = tpu.sem_alloc : memref<!tpu.dma_semaphore, #tpu.memory_space<semaphore_mem>>
      %dma_start3A_20 = tpu.memref_slice %arg3[%mul3A_4] : memref<106496xi32, #tpu.memory_space<hbm>> -> memref<3328xi32, #tpu.memory_space<hbm>>
      %dma_start3A_21 = tpu.memref_slice %arg3[%mul3A_4] : memref<106496xi32, #tpu.memory_space<hbm>> -> memref<3328xi32, #tpu.memory_space<hbm>>
      tpu.enqueue_dma source(%dma_start3A_21 : memref<3328xi32, #tpu.memory_space<hbm>>) target(%arg5 : memref<3328xi32, #tpu.memory_space<vmem>>) target_semaphore(%run_scoped3A : memref<!tpu.dma_semaphore, #tpu.memory_space<semaphore_mem>>)
      %dma_wait3A = tpu.memref_slice %arg3[%mul3A_4] : memref<106496xi32, #tpu.memory_space<hbm>> -> memref<3328xi32, #tpu.memory_space<hbm>>
      %dma_wait3A_22 = tpu.memref_slice %arg3[%mul3A_4] : memref<106496xi32, #tpu.memory_space<hbm>> -> memref<3328xi32, #tpu.memory_space<hbm>>
      tpu.wait_dma2 semaphore(%run_scoped3A : memref<!tpu.dma_semaphore, #tpu.memory_space<semaphore_mem>>) src(%dma_wait3A_22 : memref<3328xi32, #tpu.memory_space<hbm>>) dst(%arg5 : memref<3328xi32, #tpu.memory_space<vmem>>)
      tpu.yield
    }) : () -> ()
    %dma_start3A = arith.constant 0 : i32
    %dma_start3A_5 = arith.constant 0 : i32
    %dma_start3A_6 = tpu.memref_slice %arg6[%dma_start3A, %dma_start3A_5] : memref<208x416xf32, #tpu.memory_space<vmem>> -> memref<104x416xf32, #tpu.memory_space<vmem>>
    %dma_start3A_7 = arith.constant 0 : i32
    %dma_start3A_8 = tpu.memref_slice %arg5[%dma_start3A_7] : memref<3328xi32, #tpu.memory_space<vmem>> -> memref<104xi32, #tpu.memory_space<vmem>>
    %dma_start3A_9 = arith.constant 0 : i32
    %dma_start3A_10 = arith.constant 0 : i32
    %dma_start3A_11 = tpu.memref_slice %arg2[%dma_start3A_9, %dma_start3A_10] : memref<100000x416xf32, #tpu.memory_space<hbm>> -> memref<100000x416xf32, #tpu.memory_space<hbm>>
    tpu.enqueue_indirect_dma source(%dma_start3A_11 : memref<100000x416xf32, #tpu.memory_space<hbm>>) target(%dma_start3A_6 : memref<104x416xf32, #tpu.memory_space<vmem>>) offsets(%dma_start3A_8 : memref<104xi32, #tpu.memory_space<vmem>>) semaphore(%arg8 : memref<!tpu.dma_semaphore, #tpu.memory_space<semaphore_mem>>)
    %broadcast_in_dim3A = arith.constant 0.000000e+00 : f32
    %broadcast_in_dim3A_12 = vector.broadcast %broadcast_in_dim3A : f32 to vector<16xf32>
    %scan3A = arith.constant 0 : i32
    %scan3A_13 = arith.constant 32 : i32
    %scan3A_14 = arith.addi %scan3A, %scan3A_13 : i32
    %scan3A_15 = arith.constant 1 : i32
    %scan3A_16 = scf.for %scan3A_20 = %scan3A to %scan3A_14 step %scan3A_15 iter_args(%scan3A_21 = %broadcast_in_dim3A_12) -> (vector<16xf32>)  : i32 {
      %rem3A = arith.constant 2 : i32
      %rem3A_22 = arith.remsi %scan3A_20, %rem3A : i32
      %add3A_23 = arith.constant 1 : i32
      %add3A_24 = arith.addi %scan3A_20, %add3A_23 : i32
      %eq3A = arith.constant 0 : i32
      %eq3A_25 = arith.cmpi eq, %rem3A_22, %eq3A : i32
      %convert_element_type3A = arith.extui %eq3A_25 : i1 to i32
      %cond3A = arith.constant 0 : i32
      %cond3A_26 = arith.cmpi ne, %convert_element_type3A, %cond3A : i32
      scf.if %cond3A_26 {
        %mul3A_38 = arith.constant 104 : i32
        %mul3A_39 = arith.muli %scan3A_20, %mul3A_38 : i32
        %dma_wait3A = arith.constant 0 : i32
        %dma_wait3A_40 = arith.constant 0 : i32
        %dma_wait3A_41 = tpu.memref_slice %arg6[%dma_wait3A, %dma_wait3A_40] : memref<208x416xf32, #tpu.memory_space<vmem>> -> memref<104x416xf32, #tpu.memory_space<vmem>>
        %dma_wait3A_42 = tpu.memref_slice %arg5[%mul3A_39] : memref<3328xi32, #tpu.memory_space<vmem>> -> memref<104xi32, #tpu.memory_space<vmem>>
        %dma_wait3A_43 = arith.constant 0 : i32
        %dma_wait3A_44 = arith.constant 0 : i32
        %dma_wait3A_45 = tpu.memref_slice %arg2[%dma_wait3A_43, %dma_wait3A_44] : memref<100000x416xf32, #tpu.memory_space<hbm>> -> memref<100000x416xf32, #tpu.memory_space<hbm>>
        tpu.wait_indirect_dma semaphore(%arg8 : memref<!tpu.dma_semaphore, #tpu.memory_space<semaphore_mem>>) src(%dma_wait3A_45 : memref<100000x416xf32, #tpu.memory_space<hbm>>) dst(%dma_wait3A_41 : memref<104x416xf32, #tpu.memory_space<vmem>>)
        %lt3A = arith.constant 32 : i32
        %lt3A_46 = arith.cmpi slt, %add3A_24, %lt3A : i32
        %convert_element_type3A_47 = arith.extui %lt3A_46 : i1 to i32
        %cond3A_48 = arith.constant 0 : i32
        %cond3A_49 = arith.cmpi ne, %convert_element_type3A_47, %cond3A_48 : i32
        scf.if %cond3A_49 {
          %mul3A_50 = arith.constant 104 : i32
          %mul3A_51 = arith.muli %add3A_24, %mul3A_50 : i32
          %dma_start3A_52 = arith.constant 104 : i32
          %dma_start3A_53 = arith.constant 0 : i32
          %dma_start3A_54 = tpu.memref_slice %arg6[%dma_start3A_52, %dma_start3A_53] : memref<208x416xf32, #tpu.memory_space<vmem>> -> memref<104x416xf32, #tpu.memory_space<vmem>>
          %dma_start3A_55 = tpu.memref_slice %arg5[%mul3A_51] : memref<3328xi32, #tpu.memory_space<vmem>> -> memref<104xi32, #tpu.memory_space<vmem>>
          %dma_start3A_56 = arith.constant 0 : i32
          %dma_start3A_57 = arith.constant 0 : i32
          %dma_start3A_58 = tpu.memref_slice %arg2[%dma_start3A_56, %dma_start3A_57] : memref<100000x416xf32, #tpu.memory_space<hbm>> -> memref<100000x416xf32, #tpu.memory_space<hbm>>
          tpu.enqueue_indirect_dma source(%dma_start3A_58 : memref<100000x416xf32, #tpu.memory_space<hbm>>) target(%dma_start3A_54 : memref<104x416xf32, #tpu.memory_space<vmem>>) offsets(%dma_start3A_55 : memref<104xi32, #tpu.memory_space<vmem>>) semaphore(%arg9 : memref<!tpu.dma_semaphore, #tpu.memory_space<semaphore_mem>>)
        } else {
        }
      } else {
      }
      %eq3A_27 = arith.constant 1 : i32
      %eq3A_28 = arith.cmpi eq, %rem3A_22, %eq3A_27 : i32
      %convert_element_type3A_29 = arith.extui %eq3A_28 : i1 to i32
      %cond3A_30 = arith.constant 0 : i32
      %cond3A_31 = arith.cmpi ne, %convert_element_type3A_29, %cond3A_30 : i32
      scf.if %cond3A_31 {
        %mul3A_38 = arith.constant 104 : i32
        %mul3A_39 = arith.muli %scan3A_20, %mul3A_38 : i32
        %dma_wait3A = arith.constant 104 : i32
        %dma_wait3A_40 = arith.constant 0 : i32
        %dma_wait3A_41 = tpu.memref_slice %arg6[%dma_wait3A, %dma_wait3A_40] : memref<208x416xf32, #tpu.memory_space<vmem>> -> memref<104x416xf32, #tpu.memory_space<vmem>>
        %dma_wait3A_42 = tpu.memref_slice %arg5[%mul3A_39] : memref<3328xi32, #tpu.memory_space<vmem>> -> memref<104xi32, #tpu.memory_space<vmem>>
        %dma_wait3A_43 = arith.constant 0 : i32
        %dma_wait3A_44 = arith.constant 0 : i32
        %dma_wait3A_45 = tpu.memref_slice %arg2[%dma_wait3A_43, %dma_wait3A_44] : memref<100000x416xf32, #tpu.memory_space<hbm>> -> memref<100000x416xf32, #tpu.memory_space<hbm>>
        tpu.wait_indirect_dma semaphore(%arg9 : memref<!tpu.dma_semaphore, #tpu.memory_space<semaphore_mem>>) src(%dma_wait3A_45 : memref<100000x416xf32, #tpu.memory_space<hbm>>) dst(%dma_wait3A_41 : memref<104x416xf32, #tpu.memory_space<vmem>>)
        %lt3A = arith.constant 32 : i32
        %lt3A_46 = arith.cmpi slt, %add3A_24, %lt3A : i32
        %convert_element_type3A_47 = arith.extui %lt3A_46 : i1 to i32
        %cond3A_48 = arith.constant 0 : i32
        %cond3A_49 = arith.cmpi ne, %convert_element_type3A_47, %cond3A_48 : i32
        scf.if %cond3A_49 {
          %mul3A_50 = arith.constant 104 : i32
          %mul3A_51 = arith.muli %add3A_24, %mul3A_50 : i32
          %dma_start3A_52 = arith.constant 0 : i32
          %dma_start3A_53 = arith.constant 0 : i32
          %dma_start3A_54 = tpu.memref_slice %arg6[%dma_start3A_52, %dma_start3A_53] : memref<208x416xf32, #tpu.memory_space<vmem>> -> memref<104x416xf32, #tpu.memory_space<vmem>>
          %dma_start3A_55 = tpu.memref_slice %arg5[%mul3A_51] : memref<3328xi32, #tpu.memory_space<vmem>> -> memref<104xi32, #tpu.memory_space<vmem>>
          %dma_start3A_56 = arith.constant 0 : i32
          %dma_start3A_57 = arith.constant 0 : i32
          %dma_start3A_58 = tpu.memref_slice %arg2[%dma_start3A_56, %dma_start3A_57] : memref<100000x416xf32, #tpu.memory_space<hbm>> -> memref<100000x416xf32, #tpu.memory_space<hbm>>
          tpu.enqueue_indirect_dma source(%dma_start3A_58 : memref<100000x416xf32, #tpu.memory_space<hbm>>) target(%dma_start3A_54 : memref<104x416xf32, #tpu.memory_space<vmem>>) offsets(%dma_start3A_55 : memref<104xi32, #tpu.memory_space<vmem>>) semaphore(%arg8 : memref<!tpu.dma_semaphore, #tpu.memory_space<semaphore_mem>>)
        } else {
        }
      } else {
      }
      %scan3A_32 = arith.constant 0 : i32
      %scan3A_33 = arith.constant 4 : i32
      %scan3A_34 = arith.addi %scan3A_32, %scan3A_33 : i32
      %scan3A_35 = arith.constant 1 : i32
      %scan3A_36 = scf.for %scan3A_38 = %scan3A_32 to %scan3A_34 step %scan3A_35 iter_args(%scan3A_39 = %scan3A_21) -> (vector<16xf32>)  : i32 {
        %mul3A_40 = arith.constant 104 : i32
        %mul3A_41 = arith.muli %rem3A_22, %mul3A_40 : i32
        %mul3A_42 = arith.constant 26 : i32
        %mul3A_43 = arith.muli %scan3A_38, %mul3A_42 : i32
        %add3A_44 = arith.addi %mul3A_41, %mul3A_43 : i32
        %broadcast_in_dim3A_45 = arith.constant 0.000000e+00 : f32
        %broadcast_in_dim3A_46 = vector.broadcast %broadcast_in_dim3A_45 : f32 to vector<16xf32>
        %broadcast_in_dim3A_47 = arith.constant 0.000000e+00 : f32
        %broadcast_in_dim3A_48 = vector.broadcast %broadcast_in_dim3A_47 : f32 to vector<16xf32>
        %broadcast_in_dim3A_49 = arith.constant 0.000000e+00 : f32
        %broadcast_in_dim3A_50 = vector.broadcast %broadcast_in_dim3A_49 : f32 to vector<16xf32>
        %broadcast_in_dim3A_51 = arith.constant 0.000000e+00 : f32
        %broadcast_in_dim3A_52 = vector.broadcast %broadcast_in_dim3A_51 : f32 to vector<16xf32>
        %scan3A_53 = arith.constant 16 : i32
        %scan3A_54 = arith.constant 0 : i32
        %scan3A_55 = arith.constant 0 : i32
        %scan3A_56 = arith.constant 12 : i32
        %scan3A_57 = arith.addi %scan3A_55, %scan3A_56 : i32
        %scan3A_58 = arith.constant 1 : i32
        %scan3A_59:5 = scf.for %scan3A_578 = %scan3A_55 to %scan3A_57 step %scan3A_58 iter_args(%scan3A_579 = %add3A_44, %scan3A_580 = %scan3A_53, %scan3A_581 = %scan3A_54, %scan3A_582 = %broadcast_in_dim3A_46, %scan3A_583 = %broadcast_in_dim3A_48) -> (i32, i32, i32, vector<16xf32>, vector<16xf32>)  : i32 {
          %get3A_584 = arith.index_cast %scan3A_579 : i32 to index
          %get3A_585 = arith.index_cast %scan3A_580 : i32 to index
          %get3A_586 = tpu.vector_load %arg6[%get3A_584, %get3A_585] {strides = array<i32>} : memref<208x416xf32, #tpu.memory_space<vmem>>, vector<1x16xf32>,
          %get3A_587 = vector.shape_cast %get3A_586 : vector<1x16xf32> to vector<16xf32>
          %add3A_588 = arith.constant 1 : i32
          %add3A_589 = arith.addi %scan3A_579, %add3A_588 : i32
          %get3A_590 = arith.index_cast %add3A_589 : i32 to index
          %get3A_591 = arith.index_cast %scan3A_581 : i32 to index
          %get3A_592 = tpu.vector_load %arg6[%get3A_590, %get3A_591] {strides = array<i32>} : memref<208x416xf32, #tpu.memory_space<vmem>>, vector<1x16xf32>,
          %get3A_593 = vector.shape_cast %get3A_592 : vector<1x16xf32> to vector<16xf32>
          %add3A_594 = arith.constant 1 : i32
          %add3A_595 = arith.addi %scan3A_579, %add3A_594 : i32
          %add3A_596 = arith.constant 16 : i32
          %add3A_597 = arith.addi %scan3A_580, %add3A_596 : i32
          %get3A_598 = arith.index_cast %add3A_595 : i32 to index
          %get3A_599 = arith.index_cast %add3A_597 : i32 to index
          %get3A_600 = tpu.vector_load %arg6[%get3A_598, %get3A_599] {strides = array<i32>} : memref<208x416xf32, #tpu.memory_space<vmem>>, vector<1x16xf32>,
          %get3A_601 = vector.shape_cast %get3A_600 : vector<1x16xf32> to vector<16xf32>
          %add3A_602 = arith.constant 1 : i32
          %add3A_603 = arith.addi %scan3A_579, %add3A_602 : i32
          %add3A_604 = arith.constant 1 : i32
          %add3A_605 = arith.addi %add3A_603, %add3A_604 : i32
          %add3A_606 = arith.constant 16 : i32
          %add3A_607 = arith.addi %scan3A_581, %add3A_606 : i32
          %get3A_608 = arith.index_cast %add3A_605 : i32 to index
          %get3A_609 = arith.index_cast %add3A_607 : i32 to index
          %get3A_610 = tpu.vector_load %arg6[%get3A_608, %get3A_609] {strides = array<i32>} : memref<208x416xf32, #tpu.memory_space<vmem>>, vector<1x16xf32>,
          %get3A_611 = vector.shape_cast %get3A_610 : vector<1x16xf32> to vector<16xf32>
          %add3A_612 = arith.constant 2 : i32
          %add3A_613 = arith.addi %scan3A_579, %add3A_612 : i32
          %add3A_614 = arith.constant 32 : i32
          %add3A_615 = arith.addi %scan3A_580, %add3A_614 : i32
          %add3A_616 = arith.constant 32 : i32
          %add3A_617 = arith.addi %scan3A_581, %add3A_616 : i32
          %mul3A_618 = arith.mulf %get3A_587, %get3A_593 : vector<16xf32>
          %add3A_619 = arith.addf %scan3A_582, %mul3A_618 : vector<16xf32>
          %mul3A_620 = arith.mulf %get3A_601, %get3A_611 : vector<16xf32>
          %add3A_621 = arith.addf %scan3A_583, %mul3A_620 : vector<16xf32>
          scf.yield %add3A_613, %add3A_615, %add3A_617, %add3A_619, %add3A_621 : i32, i32, i32, vector<16xf32>, vector<16xf32>
        }
        %scan3A_60 = arith.constant 12 : i32
        %add3A_61 = arith.constant 24 : i32
        %add3A_62 = arith.addi %add3A_44, %add3A_61 : i32
        %get3A = arith.index_cast %add3A_62 : i32 to index
        %get3A_63 = arith.constant 400 : index
        %get3A_64 = tpu.vector_load %arg6[%get3A, %get3A_63] {strides = array<i32>} : memref<208x416xf32, #tpu.memory_space<vmem>>, vector<1x16xf32>,
        %get3A_65 = vector.shape_cast %get3A_64 : vector<1x16xf32> to vector<16xf32>
        %add3A_66 = arith.constant 24 : i32
        %add3A_67 = arith.addi %add3A_44, %add3A_66 : i32
        %add3A_68 = arith.constant 1 : i32
        %add3A_69 = arith.addi %add3A_67, %add3A_68 : i32
        %get3A_70 = arith.index_cast %add3A_69 : i32 to index
        %get3A_71 = arith.constant 384 : index
        %get3A_72 = tpu.vector_load %arg6[%get3A_70, %get3A_71] {strides = array<i32>} : memref<208x416xf32, #tpu.memory_space<vmem>>, vector<1x16xf32>,
        %get3A_73 = vector.shape_cast %get3A_72 : vector<1x16xf32> to vector<16xf32>
        %mul3A_74 = arith.mulf %get3A_65, %get3A_73 : vector<16xf32>
        %add3A_75 = arith.addf %broadcast_in_dim3A_52, %mul3A_74 : vector<16xf32>
        %scan3A_76 = arith.constant 32 : i32
        %scan3A_77 = arith.constant 0 : i32
        %scan3A_78 = arith.constant 0 : i32
        %scan3A_79 = arith.constant 12 : i32
        %scan3A_80 = arith.addi %scan3A_78, %scan3A_79 : i32
        %scan3A_81 = arith.constant 1 : i32
        %scan3A_82:5 = scf.for %scan3A_578 = %scan3A_78 to %scan3A_80 step %scan3A_81 iter_args(%scan3A_579 = %add3A_44, %scan3A_580 = %scan3A_76, %scan3A_581 = %scan3A_77, %scan3A_582 = %scan3A_59#3, %scan3A_583 = %scan3A_59#4) -> (i32, i32, i32, vector<16xf32>, vector<16xf32>)  : i32 {
          %get3A_584 = arith.index_cast %scan3A_579 : i32 to index
          %get3A_585 = arith.index_cast %scan3A_580 : i32 to index
          %get3A_586 = tpu.vector_load %arg6[%get3A_584, %get3A_585] {strides = array<i32>} : memref<208x416xf32, #tpu.memory_space<vmem>>, vector<1x16xf32>,
          %get3A_587 = vector.shape_cast %get3A_586 : vector<1x16xf32> to vector<16xf32>
          %add3A_588 = arith.constant 2 : i32
          %add3A_589 = arith.addi %scan3A_579, %add3A_588 : i32
          %get3A_590 = arith.index_cast %add3A_589 : i32 to index
          %get3A_591 = arith.index_cast %scan3A_581 : i32 to index
          %get3A_592 = tpu.vector_load %arg6[%get3A_590, %get3A_591] {strides = array<i32>} : memref<208x416xf32, #tpu.memory_space<vmem>>, vector<1x16xf32>,
          %get3A_593 = vector.shape_cast %get3A_592 : vector<1x16xf32> to vector<16xf32>
          %add3A_594 = arith.constant 1 : i32
          %add3A_595 = arith.addi %scan3A_579, %add3A_594 : i32
          %add3A_596 = arith.constant 16 : i32
          %add3A_597 = arith.addi %scan3A_580, %add3A_596 : i32
          %get3A_598 = arith.index_cast %add3A_595 : i32 to index
          %get3A_599 = arith.index_cast %add3A_597 : i32 to index
          %get3A_600 = tpu.vector_load %arg6[%get3A_598, %get3A_599] {strides = array<i32>} : memref<208x416xf32, #tpu.memory_space<vmem>>, vector<1x16xf32>,
          %get3A_601 = vector.shape_cast %get3A_600 : vector<1x16xf32> to vector<16xf32>
          %add3A_602 = arith.constant 1 : i32
          %add3A_603 = arith.addi %scan3A_579, %add3A_602 : i32
          %add3A_604 = arith.constant 2 : i32
          %add3A_605 = arith.addi %add3A_603, %add3A_604 : i32
          %add3A_606 = arith.constant 16 : i32
          %add3A_607 = arith.addi %scan3A_581, %add3A_606 : i32
          %get3A_608 = arith.index_cast %add3A_605 : i32 to index
          %get3A_609 = arith.index_cast %add3A_607 : i32 to index
          %get3A_610 = tpu.vector_load %arg6[%get3A_608, %get3A_609] {strides = array<i32>} : memref<208x416xf32, #tpu.memory_space<vmem>>, vector<1x16xf32>,
          %get3A_611 = vector.shape_cast %get3A_610 : vector<1x16xf32> to vector<16xf32>
          %add3A_612 = arith.constant 2 : i32
          %add3A_613 = arith.addi %scan3A_579, %add3A_612 : i32
          %add3A_614 = arith.constant 32 : i32
          %add3A_615 = arith.addi %scan3A_580, %add3A_614 : i32
          %add3A_616 = arith.constant 32 : i32
          %add3A_617 = arith.addi %scan3A_581, %add3A_616 : i32
          %mul3A_618 = arith.mulf %get3A_587, %get3A_593 : vector<16xf32>
          %add3A_619 = arith.addf %scan3A_582, %mul3A_618 : vector<16xf32>
          %mul3A_620 = arith.mulf %get3A_601, %get3A_611 : vector<16xf32>
          %add3A_621 = arith.addf %scan3A_583, %mul3A_620 : vector<16xf32>
          scf.yield %add3A_613, %add3A_615, %add3A_617, %add3A_619, %add3A_621 : i32, i32, i32, vector<16xf32>, vector<16xf32>
        }
        %scan3A_83 = arith.constant 12 : i32
        %scan3A_84 = arith.constant 48 : i32
        %scan3A_85 = arith.constant 0 : i32
        %scan3A_86 = arith.constant 0 : i32
        %scan3A_87 = arith.constant 11 : i32
        %scan3A_88 = arith.addi %scan3A_86, %scan3A_87 : i32
        %scan3A_89 = arith.constant 1 : i32
        %scan3A_90:5 = scf.for %scan3A_578 = %scan3A_86 to %scan3A_88 step %scan3A_89 iter_args(%scan3A_579 = %add3A_44, %scan3A_580 = %scan3A_84, %scan3A_581 = %scan3A_85, %scan3A_582 = %scan3A_82#3, %scan3A_583 = %scan3A_82#4) -> (i32, i32, i32, vector<16xf32>, vector<16xf32>)  : i32 {
          %get3A_584 = arith.index_cast %scan3A_579 : i32 to index
          %get3A_585 = arith.index_cast %scan3A_580 : i32 to index
          %get3A_586 = tpu.vector_load %arg6[%get3A_584, %get3A_585] {strides = array<i32>} : memref<208x416xf32, #tpu.memory_space<vmem>>, vector<1x16xf32>,
          %get3A_587 = vector.shape_cast %get3A_586 : vector<1x16xf32> to vector<16xf32>
          %add3A_588 = arith.constant 3 : i32
          %add3A_589 = arith.addi %scan3A_579, %add3A_588 : i32
          %get3A_590 = arith.index_cast %add3A_589 : i32 to index
          %get3A_591 = arith.index_cast %scan3A_581 : i32 to index
          %get3A_592 = tpu.vector_load %arg6[%get3A_590, %get3A_591] {strides = array<i32>} : memref<208x416xf32, #tpu.memory_space<vmem>>, vector<1x16xf32>,
          %get3A_593 = vector.shape_cast %get3A_592 : vector<1x16xf32> to vector<16xf32>
          %add3A_594 = arith.constant 1 : i32
          %add3A_595 = arith.addi %scan3A_579, %add3A_594 : i32
          %add3A_596 = arith.constant 16 : i32
          %add3A_597 = arith.addi %scan3A_580, %add3A_596 : i32
          %get3A_598 = arith.index_cast %add3A_595 : i32 to index
          %get3A_599 = arith.index_cast %add3A_597 : i32 to index
          %get3A_600 = tpu.vector_load %arg6[%get3A_598, %get3A_599] {strides = array<i32>} : memref<208x416xf32, #tpu.memory_space<vmem>>, vector<1x16xf32>,
          %get3A_601 = vector.shape_cast %get3A_600 : vector<1x16xf32> to vector<16xf32>
          %add3A_602 = arith.constant 1 : i32
          %add3A_603 = arith.addi %scan3A_579, %add3A_602 : i32
          %add3A_604 = arith.constant 3 : i32
          %add3A_605 = arith.addi %add3A_603, %add3A_604 : i32
          %add3A_606 = arith.constant 16 : i32
          %add3A_607 = arith.addi %scan3A_581, %add3A_606 : i32
          %get3A_608 = arith.index_cast %add3A_605 : i32 to index
          %get3A_609 = arith.index_cast %add3A_607 : i32 to index
          %get3A_610 = tpu.vector_load %arg6[%get3A_608, %get3A_609] {strides = array<i32>} : memref<208x416xf32, #tpu.memory_space<vmem>>, vector<1x16xf32>,
          %get3A_611 = vector.shape_cast %get3A_610 : vector<1x16xf32> to vector<16xf32>
          %add3A_612 = arith.constant 2 : i32
          %add3A_613 = arith.addi %scan3A_579, %add3A_612 : i32
          %add3A_614 = arith.constant 32 : i32
          %add3A_615 = arith.addi %scan3A_580, %add3A_614 : i32
          %add3A_616 = arith.constant 32 : i32
          %add3A_617 = arith.addi %scan3A_581, %add3A_616 : i32
          %mul3A_618 = arith.mulf %get3A_587, %get3A_593 : vector<16xf32>
          %add3A_619 = arith.addf %scan3A_582, %mul3A_618 : vector<16xf32>
          %mul3A_620 = arith.mulf %get3A_601, %get3A_611 : vector<16xf32>
          %add3A_621 = arith.addf %scan3A_583, %mul3A_620 : vector<16xf32>
          scf.yield %add3A_613, %add3A_615, %add3A_617, %add3A_619, %add3A_621 : i32, i32, i32, vector<16xf32>, vector<16xf32>
        }
        %scan3A_91 = arith.constant 11 : i32
        %add3A_92 = arith.constant 22 : i32
        %add3A_93 = arith.addi %add3A_44, %add3A_92 : i32
        %get3A_94 = arith.index_cast %add3A_93 : i32 to index
        %get3A_95 = arith.constant 400 : index
        %get3A_96 = tpu.vector_load %arg6[%get3A_94, %get3A_95] {strides = array<i32>} : memref<208x416xf32, #tpu.memory_space<vmem>>, vector<1x16xf32>,
        %get3A_97 = vector.shape_cast %get3A_96 : vector<1x16xf32> to vector<16xf32>
        %add3A_98 = arith.constant 22 : i32
        %add3A_99 = arith.addi %add3A_44, %add3A_98 : i32
        %add3A_100 = arith.constant 3 : i32
        %add3A_101 = arith.addi %add3A_99, %add3A_100 : i32
        %get3A_102 = arith.index_cast %add3A_101 : i32 to index
        %get3A_103 = arith.constant 352 : index
        %get3A_104 = tpu.vector_load %arg6[%get3A_102, %get3A_103] {strides = array<i32>} : memref<208x416xf32, #tpu.memory_space<vmem>>, vector<1x16xf32>,
        %get3A_105 = vector.shape_cast %get3A_104 : vector<1x16xf32> to vector<16xf32>
        %mul3A_106 = arith.mulf %get3A_97, %get3A_105 : vector<16xf32>
        %add3A_107 = arith.addf %add3A_75, %mul3A_106 : vector<16xf32>
        %scan3A_108 = arith.constant 64 : i32
        %scan3A_109 = arith.constant 0 : i32
        %scan3A_110 = arith.constant 0 : i32
        %scan3A_111 = arith.constant 11 : i32
        %scan3A_112 = arith.addi %scan3A_110, %scan3A_111 : i32
        %scan3A_113 = arith.constant 1 : i32
        %scan3A_114:5 = scf.for %scan3A_578 = %scan3A_110 to %scan3A_112 step %scan3A_113 iter_args(%scan3A_579 = %add3A_44, %scan3A_580 = %scan3A_108, %scan3A_581 = %scan3A_109, %scan3A_582 = %scan3A_90#3, %scan3A_583 = %scan3A_90#4) -> (i32, i32, i32, vector<16xf32>, vector<16xf32>)  : i32 {
          %get3A_584 = arith.index_cast %scan3A_579 : i32 to index
          %get3A_585 = arith.index_cast %scan3A_580 : i32 to index
          %get3A_586 = tpu.vector_load %arg6[%get3A_584, %get3A_585] {strides = array<i32>} : memref<208x416xf32, #tpu.memory_space<vmem>>, vector<1x16xf32>,
          %get3A_587 = vector.shape_cast %get3A_586 : vector<1x16xf32> to vector<16xf32>
          %add3A_588 = arith.constant 4 : i32
          %add3A_589 = arith.addi %scan3A_579, %add3A_588 : i32
          %get3A_590 = arith.index_cast %add3A_589 : i32 to index
          %get3A_591 = arith.index_cast %scan3A_581 : i32 to index
          %get3A_592 = tpu.vector_load %arg6[%get3A_590, %get3A_591] {strides = array<i32>} : memref<208x416xf32, #tpu.memory_space<vmem>>, vector<1x16xf32>,
          %get3A_593 = vector.shape_cast %get3A_592 : vector<1x16xf32> to vector<16xf32>
          %add3A_594 = arith.constant 1 : i32
          %add3A_595 = arith.addi %scan3A_579, %add3A_594 : i32
          %add3A_596 = arith.constant 16 : i32
          %add3A_597 = arith.addi %scan3A_580, %add3A_596 : i32
          %get3A_598 = arith.index_cast %add3A_595 : i32 to index
          %get3A_599 = arith.index_cast %add3A_597 : i32 to index
          %get3A_600 = tpu.vector_load %arg6[%get3A_598, %get3A_599] {strides = array<i32>} : memref<208x416xf32, #tpu.memory_space<vmem>>, vector<1x16xf32>,
          %get3A_601 = vector.shape_cast %get3A_600 : vector<1x16xf32> to vector<16xf32>
          %add3A_602 = arith.constant 1 : i32
          %add3A_603 = arith.addi %scan3A_579, %add3A_602 : i32
          %add3A_604 = arith.constant 4 : i32
          %add3A_605 = arith.addi %add3A_603, %add3A_604 : i32
          %add3A_606 = arith.constant 16 : i32
          %add3A_607 = arith.addi %scan3A_581, %add3A_606 : i32
          %get3A_608 = arith.index_cast %add3A_605 : i32 to index
          %get3A_609 = arith.index_cast %add3A_607 : i32 to index
          %get3A_610 = tpu.vector_load %arg6[%get3A_608, %get3A_609] {strides = array<i32>} : memref<208x416xf32, #tpu.memory_space<vmem>>, vector<1x16xf32>,
          %get3A_611 = vector.shape_cast %get3A_610 : vector<1x16xf32> to vector<16xf32>
          %add3A_612 = arith.constant 2 : i32
          %add3A_613 = arith.addi %scan3A_579, %add3A_612 : i32
          %add3A_614 = arith.constant 32 : i32
          %add3A_615 = arith.addi %scan3A_580, %add3A_614 : i32
          %add3A_616 = arith.constant 32 : i32
          %add3A_617 = arith.addi %scan3A_581, %add3A_616 : i32
          %mul3A_618 = arith.mulf %get3A_587, %get3A_593 : vector<16xf32>
          %add3A_619 = arith.addf %scan3A_582, %mul3A_618 : vector<16xf32>
          %mul3A_620 = arith.mulf %get3A_601, %get3A_611 : vector<16xf32>
          %add3A_621 = arith.addf %scan3A_583, %mul3A_620 : vector<16xf32>
          scf.yield %add3A_613, %add3A_615, %add3A_617, %add3A_619, %add3A_621 : i32, i32, i32, vector<16xf32>, vector<16xf32>
        }
        %scan3A_115 = arith.constant 11 : i32
        %scan3A_116 = arith.constant 80 : i32
        %scan3A_117 = arith.constant 0 : i32
        %scan3A_118 = arith.constant 0 : i32
        %scan3A_119 = arith.constant 10 : i32
        %scan3A_120 = arith.addi %scan3A_118, %scan3A_119 : i32
        %scan3A_121 = arith.constant 1 : i32
        %scan3A_122:5 = scf.for %scan3A_578 = %scan3A_118 to %scan3A_120 step %scan3A_121 iter_args(%scan3A_579 = %add3A_44, %scan3A_580 = %scan3A_116, %scan3A_581 = %scan3A_117, %scan3A_582 = %scan3A_114#3, %scan3A_583 = %scan3A_114#4) -> (i32, i32, i32, vector<16xf32>, vector<16xf32>)  : i32 {
          %get3A_584 = arith.index_cast %scan3A_579 : i32 to index
          %get3A_585 = arith.index_cast %scan3A_580 : i32 to index
          %get3A_586 = tpu.vector_load %arg6[%get3A_584, %get3A_585] {strides = array<i32>} : memref<208x416xf32, #tpu.memory_space<vmem>>, vector<1x16xf32>,
          %get3A_587 = vector.shape_cast %get3A_586 : vector<1x16xf32> to vector<16xf32>
          %add3A_588 = arith.constant 5 : i32
          %add3A_589 = arith.addi %scan3A_579, %add3A_588 : i32
          %get3A_590 = arith.index_cast %add3A_589 : i32 to index
          %get3A_591 = arith.index_cast %scan3A_581 : i32 to index
          %get3A_592 = tpu.vector_load %arg6[%get3A_590, %get3A_591] {strides = array<i32>} : memref<208x416xf32, #tpu.memory_space<vmem>>, vector<1x16xf32>,
          %get3A_593 = vector.shape_cast %get3A_592 : vector<1x16xf32> to vector<16xf32>
          %add3A_594 = arith.constant 1 : i32
          %add3A_595 = arith.addi %scan3A_579, %add3A_594 : i32
          %add3A_596 = arith.constant 16 : i32
          %add3A_597 = arith.addi %scan3A_580, %add3A_596 : i32
          %get3A_598 = arith.index_cast %add3A_595 : i32 to index
          %get3A_599 = arith.index_cast %add3A_597 : i32 to index
          %get3A_600 = tpu.vector_load %arg6[%get3A_598, %get3A_599] {strides = array<i32>} : memref<208x416xf32, #tpu.memory_space<vmem>>, vector<1x16xf32>,
          %get3A_601 = vector.shape_cast %get3A_600 : vector<1x16xf32> to vector<16xf32>
          %add3A_602 = arith.constant 1 : i32
          %add3A_603 = arith.addi %scan3A_579, %add3A_602 : i32
          %add3A_604 = arith.constant 5 : i32
          %add3A_605 = arith.addi %add3A_603, %add3A_604 : i32
          %add3A_606 = arith.constant 16 : i32
          %add3A_607 = arith.addi %scan3A_581, %add3A_606 : i32
          %get3A_608 = arith.index_cast %add3A_605 : i32 to index
          %get3A_609 = arith.index_cast %add3A_607 : i32 to index
          %get3A_610 = tpu.vector_load %arg6[%get3A_608, %get3A_609] {strides = array<i32>} : memref<208x416xf32, #tpu.memory_space<vmem>>, vector<1x16xf32>,
          %get3A_611 = vector.shape_cast %get3A_610 : vector<1x16xf32> to vector<16xf32>
          %add3A_612 = arith.constant 2 : i32
          %add3A_613 = arith.addi %scan3A_579, %add3A_612 : i32
          %add3A_614 = arith.constant 32 : i32
          %add3A_615 = arith.addi %scan3A_580, %add3A_614 : i32
          %add3A_616 = arith.constant 32 : i32
          %add3A_617 = arith.addi %scan3A_581, %add3A_616 : i32
          %mul3A_618 = arith.mulf %get3A_587, %get3A_593 : vector<16xf32>
          %add3A_619 = arith.addf %scan3A_582, %mul3A_618 : vector<16xf32>
          %mul3A_620 = arith.mulf %get3A_601, %get3A_611 : vector<16xf32>
          %add3A_621 = arith.addf %scan3A_583, %mul3A_620 : vector<16xf32>
          scf.yield %add3A_613, %add3A_615, %add3A_617, %add3A_619, %add3A_621 : i32, i32, i32, vector<16xf32>, vector<16xf32>
        }
        %scan3A_123 = arith.constant 10 : i32
        %add3A_124 = arith.constant 20 : i32
        %add3A_125 = arith.addi %add3A_44, %add3A_124 : i32
        %get3A_126 = arith.index_cast %add3A_125 : i32 to index
        %get3A_127 = arith.constant 400 : index
        %get3A_128 = tpu.vector_load %arg6[%get3A_126, %get3A_127] {strides = array<i32>} : memref<208x416xf32, #tpu.memory_space<vmem>>, vector<1x16xf32>,
        %get3A_129 = vector.shape_cast %get3A_128 : vector<1x16xf32> to vector<16xf32>
        %add3A_130 = arith.constant 20 : i32
        %add3A_131 = arith.addi %add3A_44, %add3A_130 : i32
        %add3A_132 = arith.constant 5 : i32
        %add3A_133 = arith.addi %add3A_131, %add3A_132 : i32
        %get3A_134 = arith.index_cast %add3A_133 : i32 to index
        %get3A_135 = arith.constant 320 : index
        %get3A_136 = tpu.vector_load %arg6[%get3A_134, %get3A_135] {strides = array<i32>} : memref<208x416xf32, #tpu.memory_space<vmem>>, vector<1x16xf32>,
        %get3A_137 = vector.shape_cast %get3A_136 : vector<1x16xf32> to vector<16xf32>
        %mul3A_138 = arith.mulf %get3A_129, %get3A_137 : vector<16xf32>
        %add3A_139 = arith.addf %add3A_107, %mul3A_138 : vector<16xf32>
        %scan3A_140 = arith.constant 96 : i32
        %scan3A_141 = arith.constant 0 : i32
        %scan3A_142 = arith.constant 0 : i32
        %scan3A_143 = arith.constant 10 : i32
        %scan3A_144 = arith.addi %scan3A_142, %scan3A_143 : i32
        %scan3A_145 = arith.constant 1 : i32
        %scan3A_146:5 = scf.for %scan3A_578 = %scan3A_142 to %scan3A_144 step %scan3A_145 iter_args(%scan3A_579 = %add3A_44, %scan3A_580 = %scan3A_140, %scan3A_581 = %scan3A_141, %scan3A_582 = %scan3A_122#3, %scan3A_583 = %scan3A_122#4) -> (i32, i32, i32, vector<16xf32>, vector<16xf32>)  : i32 {
          %get3A_584 = arith.index_cast %scan3A_579 : i32 to index
          %get3A_585 = arith.index_cast %scan3A_580 : i32 to index
          %get3A_586 = tpu.vector_load %arg6[%get3A_584, %get3A_585] {strides = array<i32>} : memref<208x416xf32, #tpu.memory_space<vmem>>, vector<1x16xf32>,
          %get3A_587 = vector.shape_cast %get3A_586 : vector<1x16xf32> to vector<16xf32>
          %add3A_588 = arith.constant 6 : i32
          %add3A_589 = arith.addi %scan3A_579, %add3A_588 : i32
          %get3A_590 = arith.index_cast %add3A_589 : i32 to index
          %get3A_591 = arith.index_cast %scan3A_581 : i32 to index
          %get3A_592 = tpu.vector_load %arg6[%get3A_590, %get3A_591] {strides = array<i32>} : memref<208x416xf32, #tpu.memory_space<vmem>>, vector<1x16xf32>,
          %get3A_593 = vector.shape_cast %get3A_592 : vector<1x16xf32> to vector<16xf32>
          %add3A_594 = arith.constant 1 : i32
          %add3A_595 = arith.addi %scan3A_579, %add3A_594 : i32
          %add3A_596 = arith.constant 16 : i32
          %add3A_597 = arith.addi %scan3A_580, %add3A_596 : i32
          %get3A_598 = arith.index_cast %add3A_595 : i32 to index
          %get3A_599 = arith.index_cast %add3A_597 : i32 to index
          %get3A_600 = tpu.vector_load %arg6[%get3A_598, %get3A_599] {strides = array<i32>} : memref<208x416xf32, #tpu.memory_space<vmem>>, vector<1x16xf32>,
          %get3A_601 = vector.shape_cast %get3A_600 : vector<1x16xf32> to vector<16xf32>
          %add3A_602 = arith.constant 1 : i32
          %add3A_603 = arith.addi %scan3A_579, %add3A_602 : i32
          %add3A_604 = arith.constant 6 : i32
          %add3A_605 = arith.addi %add3A_603, %add3A_604 : i32
          %add3A_606 = arith.constant 16 : i32
          %add3A_607 = arith.addi %scan3A_581, %add3A_606 : i32
          %get3A_608 = arith.index_cast %add3A_605 : i32 to index
          %get3A_609 = arith.index_cast %add3A_607 : i32 to index
          %get3A_610 = tpu.vector_load %arg6[%get3A_608, %get3A_609] {strides = array<i32>} : memref<208x416xf32, #tpu.memory_space<vmem>>, vector<1x16xf32>,
          %get3A_611 = vector.shape_cast %get3A_610 : vector<1x16xf32> to vector<16xf32>
          %add3A_612 = arith.constant 2 : i32
          %add3A_613 = arith.addi %scan3A_579, %add3A_612 : i32
          %add3A_614 = arith.constant 32 : i32
          %add3A_615 = arith.addi %scan3A_580, %add3A_614 : i32
          %add3A_616 = arith.constant 32 : i32
          %add3A_617 = arith.addi %scan3A_581, %add3A_616 : i32
          %mul3A_618 = arith.mulf %get3A_587, %get3A_593 : vector<16xf32>
          %add3A_619 = arith.addf %scan3A_582, %mul3A_618 : vector<16xf32>
          %mul3A_620 = arith.mulf %get3A_601, %get3A_611 : vector<16xf32>
          %add3A_621 = arith.addf %scan3A_583, %mul3A_620 : vector<16xf32>
          scf.yield %add3A_613, %add3A_615, %add3A_617, %add3A_619, %add3A_621 : i32, i32, i32, vector<16xf32>, vector<16xf32>
        }
        %scan3A_147 = arith.constant 10 : i32
        %scan3A_148 = arith.constant 112 : i32
        %scan3A_149 = arith.constant 0 : i32
        %scan3A_150 = arith.constant 0 : i32
        %scan3A_151 = arith.constant 9 : i32
        %scan3A_152 = arith.addi %scan3A_150, %scan3A_151 : i32
        %scan3A_153 = arith.constant 1 : i32
        %scan3A_154:5 = scf.for %scan3A_578 = %scan3A_150 to %scan3A_152 step %scan3A_153 iter_args(%scan3A_579 = %add3A_44, %scan3A_580 = %scan3A_148, %scan3A_581 = %scan3A_149, %scan3A_582 = %scan3A_146#3, %scan3A_583 = %scan3A_146#4) -> (i32, i32, i32, vector<16xf32>, vector<16xf32>)  : i32 {
          %get3A_584 = arith.index_cast %scan3A_579 : i32 to index
          %get3A_585 = arith.index_cast %scan3A_580 : i32 to index
          %get3A_586 = tpu.vector_load %arg6[%get3A_584, %get3A_585] {strides = array<i32>} : memref<208x416xf32, #tpu.memory_space<vmem>>, vector<1x16xf32>,
          %get3A_587 = vector.shape_cast %get3A_586 : vector<1x16xf32> to vector<16xf32>
          %add3A_588 = arith.constant 7 : i32
          %add3A_589 = arith.addi %scan3A_579, %add3A_588 : i32
          %get3A_590 = arith.index_cast %add3A_589 : i32 to index
          %get3A_591 = arith.index_cast %scan3A_581 : i32 to index
          %get3A_592 = tpu.vector_load %arg6[%get3A_590, %get3A_591] {strides = array<i32>} : memref<208x416xf32, #tpu.memory_space<vmem>>, vector<1x16xf32>,
          %get3A_593 = vector.shape_cast %get3A_592 : vector<1x16xf32> to vector<16xf32>
          %add3A_594 = arith.constant 1 : i32
          %add3A_595 = arith.addi %scan3A_579, %add3A_594 : i32
          %add3A_596 = arith.constant 16 : i32
          %add3A_597 = arith.addi %scan3A_580, %add3A_596 : i32
          %get3A_598 = arith.index_cast %add3A_595 : i32 to index
          %get3A_599 = arith.index_cast %add3A_597 : i32 to index
          %get3A_600 = tpu.vector_load %arg6[%get3A_598, %get3A_599] {strides = array<i32>} : memref<208x416xf32, #tpu.memory_space<vmem>>, vector<1x16xf32>,
          %get3A_601 = vector.shape_cast %get3A_600 : vector<1x16xf32> to vector<16xf32>
          %add3A_602 = arith.constant 1 : i32
          %add3A_603 = arith.addi %scan3A_579, %add3A_602 : i32
          %add3A_604 = arith.constant 7 : i32
          %add3A_605 = arith.addi %add3A_603, %add3A_604 : i32
          %add3A_606 = arith.constant 16 : i32
          %add3A_607 = arith.addi %scan3A_581, %add3A_606 : i32
          %get3A_608 = arith.index_cast %add3A_605 : i32 to index
          %get3A_609 = arith.index_cast %add3A_607 : i32 to index
          %get3A_610 = tpu.vector_load %arg6[%get3A_608, %get3A_609] {strides = array<i32>} : memref<208x416xf32, #tpu.memory_space<vmem>>, vector<1x16xf32>,
          %get3A_611 = vector.shape_cast %get3A_610 : vector<1x16xf32> to vector<16xf32>
          %add3A_612 = arith.constant 2 : i32
          %add3A_613 = arith.addi %scan3A_579, %add3A_612 : i32
          %add3A_614 = arith.constant 32 : i32
          %add3A_615 = arith.addi %scan3A_580, %add3A_614 : i32
          %add3A_616 = arith.constant 32 : i32
          %add3A_617 = arith.addi %scan3A_581, %add3A_616 : i32
          %mul3A_618 = arith.mulf %get3A_587, %get3A_593 : vector<16xf32>
          %add3A_619 = arith.addf %scan3A_582, %mul3A_618 : vector<16xf32>
          %mul3A_620 = arith.mulf %get3A_601, %get3A_611 : vector<16xf32>
          %add3A_621 = arith.addf %scan3A_583, %mul3A_620 : vector<16xf32>
          scf.yield %add3A_613, %add3A_615, %add3A_617, %add3A_619, %add3A_621 : i32, i32, i32, vector<16xf32>, vector<16xf32>
        }
        %scan3A_155 = arith.constant 9 : i32
        %add3A_156 = arith.constant 18 : i32
        %add3A_157 = arith.addi %add3A_44, %add3A_156 : i32
        %get3A_158 = arith.index_cast %add3A_157 : i32 to index
        %get3A_159 = arith.constant 400 : index
        %get3A_160 = tpu.vector_load %arg6[%get3A_158, %get3A_159] {strides = array<i32>} : memref<208x416xf32, #tpu.memory_space<vmem>>, vector<1x16xf32>,
        %get3A_161 = vector.shape_cast %get3A_160 : vector<1x16xf32> to vector<16xf32>
        %add3A_162 = arith.constant 18 : i32
        %add3A_163 = arith.addi %add3A_44, %add3A_162 : i32
        %add3A_164 = arith.constant 7 : i32
        %add3A_165 = arith.addi %add3A_163, %add3A_164 : i32
        %get3A_166 = arith.index_cast %add3A_165 : i32 to index
        %get3A_167 = arith.constant 288 : index
        %get3A_168 = tpu.vector_load %arg6[%get3A_166, %get3A_167] {strides = array<i32>} : memref<208x416xf32, #tpu.memory_space<vmem>>, vector<1x16xf32>,
        %get3A_169 = vector.shape_cast %get3A_168 : vector<1x16xf32> to vector<16xf32>
        %mul3A_170 = arith.mulf %get3A_161, %get3A_169 : vector<16xf32>
        %add3A_171 = arith.addf %add3A_139, %mul3A_170 : vector<16xf32>
        %scan3A_172 = arith.constant 128 : i32
        %scan3A_173 = arith.constant 0 : i32
        %scan3A_174 = arith.constant 0 : i32
        %scan3A_175 = arith.constant 9 : i32
        %scan3A_176 = arith.addi %scan3A_174, %scan3A_175 : i32
        %scan3A_177 = arith.constant 1 : i32
        %scan3A_178:5 = scf.for %scan3A_578 = %scan3A_174 to %scan3A_176 step %scan3A_177 iter_args(%scan3A_579 = %add3A_44, %scan3A_580 = %scan3A_172, %scan3A_581 = %scan3A_173, %scan3A_582 = %scan3A_154#3, %scan3A_583 = %scan3A_154#4) -> (i32, i32, i32, vector<16xf32>, vector<16xf32>)  : i32 {
          %get3A_584 = arith.index_cast %scan3A_579 : i32 to index
          %get3A_585 = arith.index_cast %scan3A_580 : i32 to index
          %get3A_586 = tpu.vector_load %arg6[%get3A_584, %get3A_585] {strides = array<i32>} : memref<208x416xf32, #tpu.memory_space<vmem>>, vector<1x16xf32>,
          %get3A_587 = vector.shape_cast %get3A_586 : vector<1x16xf32> to vector<16xf32>
          %add3A_588 = arith.constant 8 : i32
          %add3A_589 = arith.addi %scan3A_579, %add3A_588 : i32
          %get3A_590 = arith.index_cast %add3A_589 : i32 to index
          %get3A_591 = arith.index_cast %scan3A_581 : i32 to index
          %get3A_592 = tpu.vector_load %arg6[%get3A_590, %get3A_591] {strides = array<i32>} : memref<208x416xf32, #tpu.memory_space<vmem>>, vector<1x16xf32>,
          %get3A_593 = vector.shape_cast %get3A_592 : vector<1x16xf32> to vector<16xf32>
          %add3A_594 = arith.constant 1 : i32
          %add3A_595 = arith.addi %scan3A_579, %add3A_594 : i32
          %add3A_596 = arith.constant 16 : i32
          %add3A_597 = arith.addi %scan3A_580, %add3A_596 : i32
          %get3A_598 = arith.index_cast %add3A_595 : i32 to index
          %get3A_599 = arith.index_cast %add3A_597 : i32 to index
          %get3A_600 = tpu.vector_load %arg6[%get3A_598, %get3A_599] {strides = array<i32>} : memref<208x416xf32, #tpu.memory_space<vmem>>, vector<1x16xf32>,
          %get3A_601 = vector.shape_cast %get3A_600 : vector<1x16xf32> to vector<16xf32>
          %add3A_602 = arith.constant 1 : i32
          %add3A_603 = arith.addi %scan3A_579, %add3A_602 : i32
          %add3A_604 = arith.constant 8 : i32
          %add3A_605 = arith.addi %add3A_603, %add3A_604 : i32
          %add3A_606 = arith.constant 16 : i32
          %add3A_607 = arith.addi %scan3A_581, %add3A_606 : i32
          %get3A_608 = arith.index_cast %add3A_605 : i32 to index
          %get3A_609 = arith.index_cast %add3A_607 : i32 to index
          %get3A_610 = tpu.vector_load %arg6[%get3A_608, %get3A_609] {strides = array<i32>} : memref<208x416xf32, #tpu.memory_space<vmem>>, vector<1x16xf32>,
          %get3A_611 = vector.shape_cast %get3A_610 : vector<1x16xf32> to vector<16xf32>
          %add3A_612 = arith.constant 2 : i32
          %add3A_613 = arith.addi %scan3A_579, %add3A_612 : i32
          %add3A_614 = arith.constant 32 : i32
          %add3A_615 = arith.addi %scan3A_580, %add3A_614 : i32
          %add3A_616 = arith.constant 32 : i32
          %add3A_617 = arith.addi %scan3A_581, %add3A_616 : i32
          %mul3A_618 = arith.mulf %get3A_587, %get3A_593 : vector<16xf32>
          %add3A_619 = arith.addf %scan3A_582, %mul3A_618 : vector<16xf32>
          %mul3A_620 = arith.mulf %get3A_601, %get3A_611 : vector<16xf32>
          %add3A_621 = arith.addf %scan3A_583, %mul3A_620 : vector<16xf32>
          scf.yield %add3A_613, %add3A_615, %add3A_617, %add3A_619, %add3A_621 : i32, i32, i32, vector<16xf32>, vector<16xf32>
        }
        %scan3A_179 = arith.constant 9 : i32
        %scan3A_180 = arith.constant 144 : i32
        %scan3A_181 = arith.constant 0 : i32
        %scan3A_182 = arith.constant 0 : i32
        %scan3A_183 = arith.constant 8 : i32
        %scan3A_184 = arith.addi %scan3A_182, %scan3A_183 : i32
        %scan3A_185 = arith.constant 1 : i32
        %scan3A_186:5 = scf.for %scan3A_578 = %scan3A_182 to %scan3A_184 step %scan3A_185 iter_args(%scan3A_579 = %add3A_44, %scan3A_580 = %scan3A_180, %scan3A_581 = %scan3A_181, %scan3A_582 = %scan3A_178#3, %scan3A_583 = %scan3A_178#4) -> (i32, i32, i32, vector<16xf32>, vector<16xf32>)  : i32 {
          %get3A_584 = arith.index_cast %scan3A_579 : i32 to index
          %get3A_585 = arith.index_cast %scan3A_580 : i32 to index
          %get3A_586 = tpu.vector_load %arg6[%get3A_584, %get3A_585] {strides = array<i32>} : memref<208x416xf32, #tpu.memory_space<vmem>>, vector<1x16xf32>,
          %get3A_587 = vector.shape_cast %get3A_586 : vector<1x16xf32> to vector<16xf32>
          %add3A_588 = arith.constant 9 : i32
          %add3A_589 = arith.addi %scan3A_579, %add3A_588 : i32
          %get3A_590 = arith.index_cast %add3A_589 : i32 to index
          %get3A_591 = arith.index_cast %scan3A_581 : i32 to index
          %get3A_592 = tpu.vector_load %arg6[%get3A_590, %get3A_591] {strides = array<i32>} : memref<208x416xf32, #tpu.memory_space<vmem>>, vector<1x16xf32>,
          %get3A_593 = vector.shape_cast %get3A_592 : vector<1x16xf32> to vector<16xf32>
          %add3A_594 = arith.constant 1 : i32
          %add3A_595 = arith.addi %scan3A_579, %add3A_594 : i32
          %add3A_596 = arith.constant 16 : i32
          %add3A_597 = arith.addi %scan3A_580, %add3A_596 : i32
          %get3A_598 = arith.index_cast %add3A_595 : i32 to index
          %get3A_599 = arith.index_cast %add3A_597 : i32 to index
          %get3A_600 = tpu.vector_load %arg6[%get3A_598, %get3A_599] {strides = array<i32>} : memref<208x416xf32, #tpu.memory_space<vmem>>, vector<1x16xf32>,
          %get3A_601 = vector.shape_cast %get3A_600 : vector<1x16xf32> to vector<16xf32>
          %add3A_602 = arith.constant 1 : i32
          %add3A_603 = arith.addi %scan3A_579, %add3A_602 : i32
          %add3A_604 = arith.constant 9 : i32
          %add3A_605 = arith.addi %add3A_603, %add3A_604 : i32
          %add3A_606 = arith.constant 16 : i32
          %add3A_607 = arith.addi %scan3A_581, %add3A_606 : i32
          %get3A_608 = arith.index_cast %add3A_605 : i32 to index
          %get3A_609 = arith.index_cast %add3A_607 : i32 to index
          %get3A_610 = tpu.vector_load %arg6[%get3A_608, %get3A_609] {strides = array<i32>} : memref<208x416xf32, #tpu.memory_space<vmem>>, vector<1x16xf32>,
          %get3A_611 = vector.shape_cast %get3A_610 : vector<1x16xf32> to vector<16xf32>
          %add3A_612 = arith.constant 2 : i32
          %add3A_613 = arith.addi %scan3A_579, %add3A_612 : i32
          %add3A_614 = arith.constant 32 : i32
          %add3A_615 = arith.addi %scan3A_580, %add3A_614 : i32
          %add3A_616 = arith.constant 32 : i32
          %add3A_617 = arith.addi %scan3A_581, %add3A_616 : i32
          %mul3A_618 = arith.mulf %get3A_587, %get3A_593 : vector<16xf32>
          %add3A_619 = arith.addf %scan3A_582, %mul3A_618 : vector<16xf32>
          %mul3A_620 = arith.mulf %get3A_601, %get3A_611 : vector<16xf32>
          %add3A_621 = arith.addf %scan3A_583, %mul3A_620 : vector<16xf32>
          scf.yield %add3A_613, %add3A_615, %add3A_617, %add3A_619, %add3A_621 : i32, i32, i32, vector<16xf32>, vector<16xf32>
        }
        %scan3A_187 = arith.constant 8 : i32
        %add3A_188 = arith.constant 16 : i32
        %add3A_189 = arith.addi %add3A_44, %add3A_188 : i32
        %get3A_190 = arith.index_cast %add3A_189 : i32 to index
        %get3A_191 = arith.constant 400 : index
        %get3A_192 = tpu.vector_load %arg6[%get3A_190, %get3A_191] {strides = array<i32>} : memref<208x416xf32, #tpu.memory_space<vmem>>, vector<1x16xf32>,
        %get3A_193 = vector.shape_cast %get3A_192 : vector<1x16xf32> to vector<16xf32>
        %add3A_194 = arith.constant 16 : i32
        %add3A_195 = arith.addi %add3A_44, %add3A_194 : i32
        %add3A_196 = arith.constant 9 : i32
        %add3A_197 = arith.addi %add3A_195, %add3A_196 : i32
        %get3A_198 = arith.index_cast %add3A_197 : i32 to index
        %get3A_199 = arith.constant 256 : index
        %get3A_200 = tpu.vector_load %arg6[%get3A_198, %get3A_199] {strides = array<i32>} : memref<208x416xf32, #tpu.memory_space<vmem>>, vector<1x16xf32>,
        %get3A_201 = vector.shape_cast %get3A_200 : vector<1x16xf32> to vector<16xf32>
        %mul3A_202 = arith.mulf %get3A_193, %get3A_201 : vector<16xf32>
        %add3A_203 = arith.addf %add3A_171, %mul3A_202 : vector<16xf32>
        %scan3A_204 = arith.constant 160 : i32
        %scan3A_205 = arith.constant 0 : i32
        %scan3A_206 = arith.constant 0 : i32
        %scan3A_207 = arith.constant 8 : i32
        %scan3A_208 = arith.addi %scan3A_206, %scan3A_207 : i32
        %scan3A_209 = arith.constant 1 : i32
        %scan3A_210:5 = scf.for %scan3A_578 = %scan3A_206 to %scan3A_208 step %scan3A_209 iter_args(%scan3A_579 = %add3A_44, %scan3A_580 = %scan3A_204, %scan3A_581 = %scan3A_205, %scan3A_582 = %scan3A_186#3, %scan3A_583 = %scan3A_186#4) -> (i32, i32, i32, vector<16xf32>, vector<16xf32>)  : i32 {
          %get3A_584 = arith.index_cast %scan3A_579 : i32 to index
          %get3A_585 = arith.index_cast %scan3A_580 : i32 to index
          %get3A_586 = tpu.vector_load %arg6[%get3A_584, %get3A_585] {strides = array<i32>} : memref<208x416xf32, #tpu.memory_space<vmem>>, vector<1x16xf32>,
          %get3A_587 = vector.shape_cast %get3A_586 : vector<1x16xf32> to vector<16xf32>
          %add3A_588 = arith.constant 10 : i32
          %add3A_589 = arith.addi %scan3A_579, %add3A_588 : i32
          %get3A_590 = arith.index_cast %add3A_589 : i32 to index
          %get3A_591 = arith.index_cast %scan3A_581 : i32 to index
          %get3A_592 = tpu.vector_load %arg6[%get3A_590, %get3A_591] {strides = array<i32>} : memref<208x416xf32, #tpu.memory_space<vmem>>, vector<1x16xf32>,
          %get3A_593 = vector.shape_cast %get3A_592 : vector<1x16xf32> to vector<16xf32>
          %add3A_594 = arith.constant 1 : i32
          %add3A_595 = arith.addi %scan3A_579, %add3A_594 : i32
          %add3A_596 = arith.constant 16 : i32
          %add3A_597 = arith.addi %scan3A_580, %add3A_596 : i32
          %get3A_598 = arith.index_cast %add3A_595 : i32 to index
          %get3A_599 = arith.index_cast %add3A_597 : i32 to index
          %get3A_600 = tpu.vector_load %arg6[%get3A_598, %get3A_599] {strides = array<i32>} : memref<208x416xf32, #tpu.memory_space<vmem>>, vector<1x16xf32>,
          %get3A_601 = vector.shape_cast %get3A_600 : vector<1x16xf32> to vector<16xf32>
          %add3A_602 = arith.constant 1 : i32
          %add3A_603 = arith.addi %scan3A_579, %add3A_602 : i32
          %add3A_604 = arith.constant 10 : i32
          %add3A_605 = arith.addi %add3A_603, %add3A_604 : i32
          %add3A_606 = arith.constant 16 : i32
          %add3A_607 = arith.addi %scan3A_581, %add3A_606 : i32
          %get3A_608 = arith.index_cast %add3A_605 : i32 to index
          %get3A_609 = arith.index_cast %add3A_607 : i32 to index
          %get3A_610 = tpu.vector_load %arg6[%get3A_608, %get3A_609] {strides = array<i32>} : memref<208x416xf32, #tpu.memory_space<vmem>>, vector<1x16xf32>,
          %get3A_611 = vector.shape_cast %get3A_610 : vector<1x16xf32> to vector<16xf32>
          %add3A_612 = arith.constant 2 : i32
          %add3A_613 = arith.addi %scan3A_579, %add3A_612 : i32
          %add3A_614 = arith.constant 32 : i32
          %add3A_615 = arith.addi %scan3A_580, %add3A_614 : i32
          %add3A_616 = arith.constant 32 : i32
          %add3A_617 = arith.addi %scan3A_581, %add3A_616 : i32
          %mul3A_618 = arith.mulf %get3A_587, %get3A_593 : vector<16xf32>
          %add3A_619 = arith.addf %scan3A_582, %mul3A_618 : vector<16xf32>
          %mul3A_620 = arith.mulf %get3A_601, %get3A_611 : vector<16xf32>
          %add3A_621 = arith.addf %scan3A_583, %mul3A_620 : vector<16xf32>
          scf.yield %add3A_613, %add3A_615, %add3A_617, %add3A_619, %add3A_621 : i32, i32, i32, vector<16xf32>, vector<16xf32>
        }
        %scan3A_211 = arith.constant 8 : i32
        %scan3A_212 = arith.constant 176 : i32
        %scan3A_213 = arith.constant 0 : i32
        %scan3A_214 = arith.constant 0 : i32
        %scan3A_215 = arith.constant 7 : i32
        %scan3A_216 = arith.addi %scan3A_214, %scan3A_215 : i32
        %scan3A_217 = arith.constant 1 : i32
        %scan3A_218:5 = scf.for %scan3A_578 = %scan3A_214 to %scan3A_216 step %scan3A_217 iter_args(%scan3A_579 = %add3A_44, %scan3A_580 = %scan3A_212, %scan3A_581 = %scan3A_213, %scan3A_582 = %scan3A_210#3, %scan3A_583 = %scan3A_210#4) -> (i32, i32, i32, vector<16xf32>, vector<16xf32>)  : i32 {
          %get3A_584 = arith.index_cast %scan3A_579 : i32 to index
          %get3A_585 = arith.index_cast %scan3A_580 : i32 to index
          %get3A_586 = tpu.vector_load %arg6[%get3A_584, %get3A_585] {strides = array<i32>} : memref<208x416xf32, #tpu.memory_space<vmem>>, vector<1x16xf32>,
          %get3A_587 = vector.shape_cast %get3A_586 : vector<1x16xf32> to vector<16xf32>
          %add3A_588 = arith.constant 11 : i32
          %add3A_589 = arith.addi %scan3A_579, %add3A_588 : i32
          %get3A_590 = arith.index_cast %add3A_589 : i32 to index
          %get3A_591 = arith.index_cast %scan3A_581 : i32 to index
          %get3A_592 = tpu.vector_load %arg6[%get3A_590, %get3A_591] {strides = array<i32>} : memref<208x416xf32, #tpu.memory_space<vmem>>, vector<1x16xf32>,
          %get3A_593 = vector.shape_cast %get3A_592 : vector<1x16xf32> to vector<16xf32>
          %add3A_594 = arith.constant 1 : i32
          %add3A_595 = arith.addi %scan3A_579, %add3A_594 : i32
          %add3A_596 = arith.constant 16 : i32
          %add3A_597 = arith.addi %scan3A_580, %add3A_596 : i32
          %get3A_598 = arith.index_cast %add3A_595 : i32 to index
          %get3A_599 = arith.index_cast %add3A_597 : i32 to index
          %get3A_600 = tpu.vector_load %arg6[%get3A_598, %get3A_599] {strides = array<i32>} : memref<208x416xf32, #tpu.memory_space<vmem>>, vector<1x16xf32>,
          %get3A_601 = vector.shape_cast %get3A_600 : vector<1x16xf32> to vector<16xf32>
          %add3A_602 = arith.constant 1 : i32
          %add3A_603 = arith.addi %scan3A_579, %add3A_602 : i32
          %add3A_604 = arith.constant 11 : i32
          %add3A_605 = arith.addi %add3A_603, %add3A_604 : i32
          %add3A_606 = arith.constant 16 : i32
          %add3A_607 = arith.addi %scan3A_581, %add3A_606 : i32
          %get3A_608 = arith.index_cast %add3A_605 : i32 to index
          %get3A_609 = arith.index_cast %add3A_607 : i32 to index
          %get3A_610 = tpu.vector_load %arg6[%get3A_608, %get3A_609] {strides = array<i32>} : memref<208x416xf32, #tpu.memory_space<vmem>>, vector<1x16xf32>,
          %get3A_611 = vector.shape_cast %get3A_610 : vector<1x16xf32> to vector<16xf32>
          %add3A_612 = arith.constant 2 : i32
          %add3A_613 = arith.addi %scan3A_579, %add3A_612 : i32
          %add3A_614 = arith.constant 32 : i32
          %add3A_615 = arith.addi %scan3A_580, %add3A_614 : i32
          %add3A_616 = arith.constant 32 : i32
          %add3A_617 = arith.addi %scan3A_581, %add3A_616 : i32
          %mul3A_618 = arith.mulf %get3A_587, %get3A_593 : vector<16xf32>
          %add3A_619 = arith.addf %scan3A_582, %mul3A_618 : vector<16xf32>
          %mul3A_620 = arith.mulf %get3A_601, %get3A_611 : vector<16xf32>
          %add3A_621 = arith.addf %scan3A_583, %mul3A_620 : vector<16xf32>
          scf.yield %add3A_613, %add3A_615, %add3A_617, %add3A_619, %add3A_621 : i32, i32, i32, vector<16xf32>, vector<16xf32>
        }
        %scan3A_219 = arith.constant 7 : i32
        %add3A_220 = arith.constant 14 : i32
        %add3A_221 = arith.addi %add3A_44, %add3A_220 : i32
        %get3A_222 = arith.index_cast %add3A_221 : i32 to index
        %get3A_223 = arith.constant 400 : index
        %get3A_224 = tpu.vector_load %arg6[%get3A_222, %get3A_223] {strides = array<i32>} : memref<208x416xf32, #tpu.memory_space<vmem>>, vector<1x16xf32>,
        %get3A_225 = vector.shape_cast %get3A_224 : vector<1x16xf32> to vector<16xf32>
        %add3A_226 = arith.constant 14 : i32
        %add3A_227 = arith.addi %add3A_44, %add3A_226 : i32
        %add3A_228 = arith.constant 11 : i32
        %add3A_229 = arith.addi %add3A_227, %add3A_228 : i32
        %get3A_230 = arith.index_cast %add3A_229 : i32 to index
        %get3A_231 = arith.constant 224 : index
        %get3A_232 = tpu.vector_load %arg6[%get3A_230, %get3A_231] {strides = array<i32>} : memref<208x416xf32, #tpu.memory_space<vmem>>, vector<1x16xf32>,
        %get3A_233 = vector.shape_cast %get3A_232 : vector<1x16xf32> to vector<16xf32>
        %mul3A_234 = arith.mulf %get3A_225, %get3A_233 : vector<16xf32>
        %add3A_235 = arith.addf %add3A_203, %mul3A_234 : vector<16xf32>
        %scan3A_236 = arith.constant 192 : i32
        %scan3A_237 = arith.constant 0 : i32
        %scan3A_238 = arith.constant 0 : i32
        %scan3A_239 = arith.constant 7 : i32
        %scan3A_240 = arith.addi %scan3A_238, %scan3A_239 : i32
        %scan3A_241 = arith.constant 1 : i32
        %scan3A_242:5 = scf.for %scan3A_578 = %scan3A_238 to %scan3A_240 step %scan3A_241 iter_args(%scan3A_579 = %add3A_44, %scan3A_580 = %scan3A_236, %scan3A_581 = %scan3A_237, %scan3A_582 = %scan3A_218#3, %scan3A_583 = %scan3A_218#4) -> (i32, i32, i32, vector<16xf32>, vector<16xf32>)  : i32 {
          %get3A_584 = arith.index_cast %scan3A_579 : i32 to index
          %get3A_585 = arith.index_cast %scan3A_580 : i32 to index
          %get3A_586 = tpu.vector_load %arg6[%get3A_584, %get3A_585] {strides = array<i32>} : memref<208x416xf32, #tpu.memory_space<vmem>>, vector<1x16xf32>,
          %get3A_587 = vector.shape_cast %get3A_586 : vector<1x16xf32> to vector<16xf32>
          %add3A_588 = arith.constant 12 : i32
          %add3A_589 = arith.addi %scan3A_579, %add3A_588 : i32
          %get3A_590 = arith.index_cast %add3A_589 : i32 to index
          %get3A_591 = arith.index_cast %scan3A_581 : i32 to index
          %get3A_592 = tpu.vector_load %arg6[%get3A_590, %get3A_591] {strides = array<i32>} : memref<208x416xf32, #tpu.memory_space<vmem>>, vector<1x16xf32>,
          %get3A_593 = vector.shape_cast %get3A_592 : vector<1x16xf32> to vector<16xf32>
          %add3A_594 = arith.constant 1 : i32
          %add3A_595 = arith.addi %scan3A_579, %add3A_594 : i32
          %add3A_596 = arith.constant 16 : i32
          %add3A_597 = arith.addi %scan3A_580, %add3A_596 : i32
          %get3A_598 = arith.index_cast %add3A_595 : i32 to index
          %get3A_599 = arith.index_cast %add3A_597 : i32 to index
          %get3A_600 = tpu.vector_load %arg6[%get3A_598, %get3A_599] {strides = array<i32>} : memref<208x416xf32, #tpu.memory_space<vmem>>, vector<1x16xf32>,
          %get3A_601 = vector.shape_cast %get3A_600 : vector<1x16xf32> to vector<16xf32>
          %add3A_602 = arith.constant 1 : i32
          %add3A_603 = arith.addi %scan3A_579, %add3A_602 : i32
          %add3A_604 = arith.constant 12 : i32
          %add3A_605 = arith.addi %add3A_603, %add3A_604 : i32
          %add3A_606 = arith.constant 16 : i32
          %add3A_607 = arith.addi %scan3A_581, %add3A_606 : i32
          %get3A_608 = arith.index_cast %add3A_605 : i32 to index
          %get3A_609 = arith.index_cast %add3A_607 : i32 to index
          %get3A_610 = tpu.vector_load %arg6[%get3A_608, %get3A_609] {strides = array<i32>} : memref<208x416xf32, #tpu.memory_space<vmem>>, vector<1x16xf32>,
          %get3A_611 = vector.shape_cast %get3A_610 : vector<1x16xf32> to vector<16xf32>
          %add3A_612 = arith.constant 2 : i32
          %add3A_613 = arith.addi %scan3A_579, %add3A_612 : i32
          %add3A_614 = arith.constant 32 : i32
          %add3A_615 = arith.addi %scan3A_580, %add3A_614 : i32
          %add3A_616 = arith.constant 32 : i32
          %add3A_617 = arith.addi %scan3A_581, %add3A_616 : i32
          %mul3A_618 = arith.mulf %get3A_587, %get3A_593 : vector<16xf32>
          %add3A_619 = arith.addf %scan3A_582, %mul3A_618 : vector<16xf32>
          %mul3A_620 = arith.mulf %get3A_601, %get3A_611 : vector<16xf32>
          %add3A_621 = arith.addf %scan3A_583, %mul3A_620 : vector<16xf32>
          scf.yield %add3A_613, %add3A_615, %add3A_617, %add3A_619, %add3A_621 : i32, i32, i32, vector<16xf32>, vector<16xf32>
        }
        %scan3A_243 = arith.constant 7 : i32
        %scan3A_244 = arith.constant 208 : i32
        %scan3A_245 = arith.constant 0 : i32
        %scan3A_246 = arith.constant 0 : i32
        %scan3A_247 = arith.constant 6 : i32
        %scan3A_248 = arith.addi %scan3A_246, %scan3A_247 : i32
        %scan3A_249 = arith.constant 1 : i32
        %scan3A_250:5 = scf.for %scan3A_578 = %scan3A_246 to %scan3A_248 step %scan3A_249 iter_args(%scan3A_579 = %add3A_44, %scan3A_580 = %scan3A_244, %scan3A_581 = %scan3A_245, %scan3A_582 = %scan3A_242#3, %scan3A_583 = %scan3A_242#4) -> (i32, i32, i32, vector<16xf32>, vector<16xf32>)  : i32 {
          %get3A_584 = arith.index_cast %scan3A_579 : i32 to index
          %get3A_585 = arith.index_cast %scan3A_580 : i32 to index
          %get3A_586 = tpu.vector_load %arg6[%get3A_584, %get3A_585] {strides = array<i32>} : memref<208x416xf32, #tpu.memory_space<vmem>>, vector<1x16xf32>,
          %get3A_587 = vector.shape_cast %get3A_586 : vector<1x16xf32> to vector<16xf32>
          %add3A_588 = arith.constant 13 : i32
          %add3A_589 = arith.addi %scan3A_579, %add3A_588 : i32
          %get3A_590 = arith.index_cast %add3A_589 : i32 to index
          %get3A_591 = arith.index_cast %scan3A_581 : i32 to index
          %get3A_592 = tpu.vector_load %arg6[%get3A_590, %get3A_591] {strides = array<i32>} : memref<208x416xf32, #tpu.memory_space<vmem>>, vector<1x16xf32>,
          %get3A_593 = vector.shape_cast %get3A_592 : vector<1x16xf32> to vector<16xf32>
          %add3A_594 = arith.constant 1 : i32
          %add3A_595 = arith.addi %scan3A_579, %add3A_594 : i32
          %add3A_596 = arith.constant 16 : i32
          %add3A_597 = arith.addi %scan3A_580, %add3A_596 : i32
          %get3A_598 = arith.index_cast %add3A_595 : i32 to index
          %get3A_599 = arith.index_cast %add3A_597 : i32 to index
          %get3A_600 = tpu.vector_load %arg6[%get3A_598, %get3A_599] {strides = array<i32>} : memref<208x416xf32, #tpu.memory_space<vmem>>, vector<1x16xf32>,
          %get3A_601 = vector.shape_cast %get3A_600 : vector<1x16xf32> to vector<16xf32>
          %add3A_602 = arith.constant 1 : i32
          %add3A_603 = arith.addi %scan3A_579, %add3A_602 : i32
          %add3A_604 = arith.constant 13 : i32
          %add3A_605 = arith.addi %add3A_603, %add3A_604 : i32
          %add3A_606 = arith.constant 16 : i32
          %add3A_607 = arith.addi %scan3A_581, %add3A_606 : i32
          %get3A_608 = arith.index_cast %add3A_605 : i32 to index
          %get3A_609 = arith.index_cast %add3A_607 : i32 to index
          %get3A_610 = tpu.vector_load %arg6[%get3A_608, %get3A_609] {strides = array<i32>} : memref<208x416xf32, #tpu.memory_space<vmem>>, vector<1x16xf32>,
          %get3A_611 = vector.shape_cast %get3A_610 : vector<1x16xf32> to vector<16xf32>
          %add3A_612 = arith.constant 2 : i32
          %add3A_613 = arith.addi %scan3A_579, %add3A_612 : i32
          %add3A_614 = arith.constant 32 : i32
          %add3A_615 = arith.addi %scan3A_580, %add3A_614 : i32
          %add3A_616 = arith.constant 32 : i32
          %add3A_617 = arith.addi %scan3A_581, %add3A_616 : i32
          %mul3A_618 = arith.mulf %get3A_587, %get3A_593 : vector<16xf32>
          %add3A_619 = arith.addf %scan3A_582, %mul3A_618 : vector<16xf32>
          %mul3A_620 = arith.mulf %get3A_601, %get3A_611 : vector<16xf32>
          %add3A_621 = arith.addf %scan3A_583, %mul3A_620 : vector<16xf32>
          scf.yield %add3A_613, %add3A_615, %add3A_617, %add3A_619, %add3A_621 : i32, i32, i32, vector<16xf32>, vector<16xf32>
        }
        %scan3A_251 = arith.constant 6 : i32
        %add3A_252 = arith.constant 12 : i32
        %add3A_253 = arith.addi %add3A_44, %add3A_252 : i32
        %get3A_254 = arith.index_cast %add3A_253 : i32 to index
        %get3A_255 = arith.constant 400 : index
        %get3A_256 = tpu.vector_load %arg6[%get3A_254, %get3A_255] {strides = array<i32>} : memref<208x416xf32, #tpu.memory_space<vmem>>, vector<1x16xf32>,
        %get3A_257 = vector.shape_cast %get3A_256 : vector<1x16xf32> to vector<16xf32>
        %add3A_258 = arith.constant 12 : i32
        %add3A_259 = arith.addi %add3A_44, %add3A_258 : i32
        %add3A_260 = arith.constant 13 : i32
        %add3A_261 = arith.addi %add3A_259, %add3A_260 : i32
        %get3A_262 = arith.index_cast %add3A_261 : i32 to index
        %get3A_263 = arith.constant 192 : index
        %get3A_264 = tpu.vector_load %arg6[%get3A_262, %get3A_263] {strides = array<i32>} : memref<208x416xf32, #tpu.memory_space<vmem>>, vector<1x16xf32>,
        %get3A_265 = vector.shape_cast %get3A_264 : vector<1x16xf32> to vector<16xf32>
        %mul3A_266 = arith.mulf %get3A_257, %get3A_265 : vector<16xf32>
        %add3A_267 = arith.addf %add3A_235, %mul3A_266 : vector<16xf32>
        %scan3A_268 = arith.constant 224 : i32
        %scan3A_269 = arith.constant 0 : i32
        %scan3A_270 = arith.constant 0 : i32
        %scan3A_271 = arith.constant 6 : i32
        %scan3A_272 = arith.addi %scan3A_270, %scan3A_271 : i32
        %scan3A_273 = arith.constant 1 : i32
        %scan3A_274:5 = scf.for %scan3A_578 = %scan3A_270 to %scan3A_272 step %scan3A_273 iter_args(%scan3A_579 = %add3A_44, %scan3A_580 = %scan3A_268, %scan3A_581 = %scan3A_269, %scan3A_582 = %scan3A_250#3, %scan3A_583 = %scan3A_250#4) -> (i32, i32, i32, vector<16xf32>, vector<16xf32>)  : i32 {
          %get3A_584 = arith.index_cast %scan3A_579 : i32 to index
          %get3A_585 = arith.index_cast %scan3A_580 : i32 to index
          %get3A_586 = tpu.vector_load %arg6[%get3A_584, %get3A_585] {strides = array<i32>} : memref<208x416xf32, #tpu.memory_space<vmem>>, vector<1x16xf32>,
          %get3A_587 = vector.shape_cast %get3A_586 : vector<1x16xf32> to vector<16xf32>
          %add3A_588 = arith.constant 14 : i32
          %add3A_589 = arith.addi %scan3A_579, %add3A_588 : i32
          %get3A_590 = arith.index_cast %add3A_589 : i32 to index
          %get3A_591 = arith.index_cast %scan3A_581 : i32 to index
          %get3A_592 = tpu.vector_load %arg6[%get3A_590, %get3A_591] {strides = array<i32>} : memref<208x416xf32, #tpu.memory_space<vmem>>, vector<1x16xf32>,
          %get3A_593 = vector.shape_cast %get3A_592 : vector<1x16xf32> to vector<16xf32>
          %add3A_594 = arith.constant 1 : i32
          %add3A_595 = arith.addi %scan3A_579, %add3A_594 : i32
          %add3A_596 = arith.constant 16 : i32
          %add3A_597 = arith.addi %scan3A_580, %add3A_596 : i32
          %get3A_598 = arith.index_cast %add3A_595 : i32 to index
          %get3A_599 = arith.index_cast %add3A_597 : i32 to index
          %get3A_600 = tpu.vector_load %arg6[%get3A_598, %get3A_599] {strides = array<i32>} : memref<208x416xf32, #tpu.memory_space<vmem>>, vector<1x16xf32>,
          %get3A_601 = vector.shape_cast %get3A_600 : vector<1x16xf32> to vector<16xf32>
          %add3A_602 = arith.constant 1 : i32
          %add3A_603 = arith.addi %scan3A_579, %add3A_602 : i32
          %add3A_604 = arith.constant 14 : i32
          %add3A_605 = arith.addi %add3A_603, %add3A_604 : i32
          %add3A_606 = arith.constant 16 : i32
          %add3A_607 = arith.addi %scan3A_581, %add3A_606 : i32
          %get3A_608 = arith.index_cast %add3A_605 : i32 to index
          %get3A_609 = arith.index_cast %add3A_607 : i32 to index
          %get3A_610 = tpu.vector_load %arg6[%get3A_608, %get3A_609] {strides = array<i32>} : memref<208x416xf32, #tpu.memory_space<vmem>>, vector<1x16xf32>,
          %get3A_611 = vector.shape_cast %get3A_610 : vector<1x16xf32> to vector<16xf32>
          %add3A_612 = arith.constant 2 : i32
          %add3A_613 = arith.addi %scan3A_579, %add3A_612 : i32
          %add3A_614 = arith.constant 32 : i32
          %add3A_615 = arith.addi %scan3A_580, %add3A_614 : i32
          %add3A_616 = arith.constant 32 : i32
          %add3A_617 = arith.addi %scan3A_581, %add3A_616 : i32
          %mul3A_618 = arith.mulf %get3A_587, %get3A_593 : vector<16xf32>
          %add3A_619 = arith.addf %scan3A_582, %mul3A_618 : vector<16xf32>
          %mul3A_620 = arith.mulf %get3A_601, %get3A_611 : vector<16xf32>
          %add3A_621 = arith.addf %scan3A_583, %mul3A_620 : vector<16xf32>
          scf.yield %add3A_613, %add3A_615, %add3A_617, %add3A_619, %add3A_621 : i32, i32, i32, vector<16xf32>, vector<16xf32>
        }
        %scan3A_275 = arith.constant 6 : i32
        %scan3A_276 = arith.constant 240 : i32
        %scan3A_277 = arith.constant 0 : i32
        %scan3A_278 = arith.constant 0 : i32
        %scan3A_279 = arith.constant 5 : i32
        %scan3A_280 = arith.addi %scan3A_278, %scan3A_279 : i32
        %scan3A_281 = arith.constant 1 : i32
        %scan3A_282:5 = scf.for %scan3A_578 = %scan3A_278 to %scan3A_280 step %scan3A_281 iter_args(%scan3A_579 = %add3A_44, %scan3A_580 = %scan3A_276, %scan3A_581 = %scan3A_277, %scan3A_582 = %scan3A_274#3, %scan3A_583 = %scan3A_274#4) -> (i32, i32, i32, vector<16xf32>, vector<16xf32>)  : i32 {
          %get3A_584 = arith.index_cast %scan3A_579 : i32 to index
          %get3A_585 = arith.index_cast %scan3A_580 : i32 to index
          %get3A_586 = tpu.vector_load %arg6[%get3A_584, %get3A_585] {strides = array<i32>} : memref<208x416xf32, #tpu.memory_space<vmem>>, vector<1x16xf32>,
          %get3A_587 = vector.shape_cast %get3A_586 : vector<1x16xf32> to vector<16xf32>
          %add3A_588 = arith.constant 15 : i32
          %add3A_589 = arith.addi %scan3A_579, %add3A_588 : i32
          %get3A_590 = arith.index_cast %add3A_589 : i32 to index
          %get3A_591 = arith.index_cast %scan3A_581 : i32 to index
          %get3A_592 = tpu.vector_load %arg6[%get3A_590, %get3A_591] {strides = array<i32>} : memref<208x416xf32, #tpu.memory_space<vmem>>, vector<1x16xf32>,
          %get3A_593 = vector.shape_cast %get3A_592 : vector<1x16xf32> to vector<16xf32>
          %add3A_594 = arith.constant 1 : i32
          %add3A_595 = arith.addi %scan3A_579, %add3A_594 : i32
          %add3A_596 = arith.constant 16 : i32
          %add3A_597 = arith.addi %scan3A_580, %add3A_596 : i32
          %get3A_598 = arith.index_cast %add3A_595 : i32 to index
          %get3A_599 = arith.index_cast %add3A_597 : i32 to index
          %get3A_600 = tpu.vector_load %arg6[%get3A_598, %get3A_599] {strides = array<i32>} : memref<208x416xf32, #tpu.memory_space<vmem>>, vector<1x16xf32>,
          %get3A_601 = vector.shape_cast %get3A_600 : vector<1x16xf32> to vector<16xf32>
          %add3A_602 = arith.constant 1 : i32
          %add3A_603 = arith.addi %scan3A_579, %add3A_602 : i32
          %add3A_604 = arith.constant 15 : i32
          %add3A_605 = arith.addi %add3A_603, %add3A_604 : i32
          %add3A_606 = arith.constant 16 : i32
          %add3A_607 = arith.addi %scan3A_581, %add3A_606 : i32
          %get3A_608 = arith.index_cast %add3A_605 : i32 to index
          %get3A_609 = arith.index_cast %add3A_607 : i32 to index
          %get3A_610 = tpu.vector_load %arg6[%get3A_608, %get3A_609] {strides = array<i32>} : memref<208x416xf32, #tpu.memory_space<vmem>>, vector<1x16xf32>,
          %get3A_611 = vector.shape_cast %get3A_610 : vector<1x16xf32> to vector<16xf32>
          %add3A_612 = arith.constant 2 : i32
          %add3A_613 = arith.addi %scan3A_579, %add3A_612 : i32
          %add3A_614 = arith.constant 32 : i32
          %add3A_615 = arith.addi %scan3A_580, %add3A_614 : i32
          %add3A_616 = arith.constant 32 : i32
          %add3A_617 = arith.addi %scan3A_581, %add3A_616 : i32
          %mul3A_618 = arith.mulf %get3A_587, %get3A_593 : vector<16xf32>
          %add3A_619 = arith.addf %scan3A_582, %mul3A_618 : vector<16xf32>
          %mul3A_620 = arith.mulf %get3A_601, %get3A_611 : vector<16xf32>
          %add3A_621 = arith.addf %scan3A_583, %mul3A_620 : vector<16xf32>
          scf.yield %add3A_613, %add3A_615, %add3A_617, %add3A_619, %add3A_621 : i32, i32, i32, vector<16xf32>, vector<16xf32>
        }
        %scan3A_283 = arith.constant 5 : i32
        %add3A_284 = arith.constant 10 : i32
        %add3A_285 = arith.addi %add3A_44, %add3A_284 : i32
        %get3A_286 = arith.index_cast %add3A_285 : i32 to index
        %get3A_287 = arith.constant 400 : index
        %get3A_288 = tpu.vector_load %arg6[%get3A_286, %get3A_287] {strides = array<i32>} : memref<208x416xf32, #tpu.memory_space<vmem>>, vector<1x16xf32>,
        %get3A_289 = vector.shape_cast %get3A_288 : vector<1x16xf32> to vector<16xf32>
        %add3A_290 = arith.constant 10 : i32
        %add3A_291 = arith.addi %add3A_44, %add3A_290 : i32
        %add3A_292 = arith.constant 15 : i32
        %add3A_293 = arith.addi %add3A_291, %add3A_292 : i32
        %get3A_294 = arith.index_cast %add3A_293 : i32 to index
        %get3A_295 = arith.constant 160 : index
        %get3A_296 = tpu.vector_load %arg6[%get3A_294, %get3A_295] {strides = array<i32>} : memref<208x416xf32, #tpu.memory_space<vmem>>, vector<1x16xf32>,
        %get3A_297 = vector.shape_cast %get3A_296 : vector<1x16xf32> to vector<16xf32>
        %mul3A_298 = arith.mulf %get3A_289, %get3A_297 : vector<16xf32>
        %add3A_299 = arith.addf %add3A_267, %mul3A_298 : vector<16xf32>
        %scan3A_300 = arith.constant 256 : i32
        %scan3A_301 = arith.constant 0 : i32
        %scan3A_302 = arith.constant 0 : i32
        %scan3A_303 = arith.constant 5 : i32
        %scan3A_304 = arith.addi %scan3A_302, %scan3A_303 : i32
        %scan3A_305 = arith.constant 1 : i32
        %scan3A_306:5 = scf.for %scan3A_578 = %scan3A_302 to %scan3A_304 step %scan3A_305 iter_args(%scan3A_579 = %add3A_44, %scan3A_580 = %scan3A_300, %scan3A_581 = %scan3A_301, %scan3A_582 = %scan3A_282#3, %scan3A_583 = %scan3A_282#4) -> (i32, i32, i32, vector<16xf32>, vector<16xf32>)  : i32 {
          %get3A_584 = arith.index_cast %scan3A_579 : i32 to index
          %get3A_585 = arith.index_cast %scan3A_580 : i32 to index
          %get3A_586 = tpu.vector_load %arg6[%get3A_584, %get3A_585] {strides = array<i32>} : memref<208x416xf32, #tpu.memory_space<vmem>>, vector<1x16xf32>,
          %get3A_587 = vector.shape_cast %get3A_586 : vector<1x16xf32> to vector<16xf32>
          %add3A_588 = arith.constant 16 : i32
          %add3A_589 = arith.addi %scan3A_579, %add3A_588 : i32
          %get3A_590 = arith.index_cast %add3A_589 : i32 to index
          %get3A_591 = arith.index_cast %scan3A_581 : i32 to index
          %get3A_592 = tpu.vector_load %arg6[%get3A_590, %get3A_591] {strides = array<i32>} : memref<208x416xf32, #tpu.memory_space<vmem>>, vector<1x16xf32>,
          %get3A_593 = vector.shape_cast %get3A_592 : vector<1x16xf32> to vector<16xf32>
          %add3A_594 = arith.constant 1 : i32
          %add3A_595 = arith.addi %scan3A_579, %add3A_594 : i32
          %add3A_596 = arith.constant 16 : i32
          %add3A_597 = arith.addi %scan3A_580, %add3A_596 : i32
          %get3A_598 = arith.index_cast %add3A_595 : i32 to index
          %get3A_599 = arith.index_cast %add3A_597 : i32 to index
          %get3A_600 = tpu.vector_load %arg6[%get3A_598, %get3A_599] {strides = array<i32>} : memref<208x416xf32, #tpu.memory_space<vmem>>, vector<1x16xf32>,
          %get3A_601 = vector.shape_cast %get3A_600 : vector<1x16xf32> to vector<16xf32>
          %add3A_602 = arith.constant 1 : i32
          %add3A_603 = arith.addi %scan3A_579, %add3A_602 : i32
          %add3A_604 = arith.constant 16 : i32
          %add3A_605 = arith.addi %add3A_603, %add3A_604 : i32
          %add3A_606 = arith.constant 16 : i32
          %add3A_607 = arith.addi %scan3A_581, %add3A_606 : i32
          %get3A_608 = arith.index_cast %add3A_605 : i32 to index
          %get3A_609 = arith.index_cast %add3A_607 : i32 to index
          %get3A_610 = tpu.vector_load %arg6[%get3A_608, %get3A_609] {strides = array<i32>} : memref<208x416xf32, #tpu.memory_space<vmem>>, vector<1x16xf32>,
          %get3A_611 = vector.shape_cast %get3A_610 : vector<1x16xf32> to vector<16xf32>
          %add3A_612 = arith.constant 2 : i32
          %add3A_613 = arith.addi %scan3A_579, %add3A_612 : i32
          %add3A_614 = arith.constant 32 : i32
          %add3A_615 = arith.addi %scan3A_580, %add3A_614 : i32
          %add3A_616 = arith.constant 32 : i32
          %add3A_617 = arith.addi %scan3A_581, %add3A_616 : i32
          %mul3A_618 = arith.mulf %get3A_587, %get3A_593 : vector<16xf32>
          %add3A_619 = arith.addf %scan3A_582, %mul3A_618 : vector<16xf32>
          %mul3A_620 = arith.mulf %get3A_601, %get3A_611 : vector<16xf32>
          %add3A_621 = arith.addf %scan3A_583, %mul3A_620 : vector<16xf32>
          scf.yield %add3A_613, %add3A_615, %add3A_617, %add3A_619, %add3A_621 : i32, i32, i32, vector<16xf32>, vector<16xf32>
        }
        %scan3A_307 = arith.constant 5 : i32
        %scan3A_308 = arith.constant 272 : i32
        %scan3A_309 = arith.constant 0 : i32
        %scan3A_310 = arith.constant 0 : i32
        %scan3A_311 = arith.constant 4 : i32
        %scan3A_312 = arith.addi %scan3A_310, %scan3A_311 : i32
        %scan3A_313 = arith.constant 1 : i32
        %scan3A_314:5 = scf.for %scan3A_578 = %scan3A_310 to %scan3A_312 step %scan3A_313 iter_args(%scan3A_579 = %add3A_44, %scan3A_580 = %scan3A_308, %scan3A_581 = %scan3A_309, %scan3A_582 = %scan3A_306#3, %scan3A_583 = %scan3A_306#4) -> (i32, i32, i32, vector<16xf32>, vector<16xf32>)  : i32 {
          %get3A_584 = arith.index_cast %scan3A_579 : i32 to index
          %get3A_585 = arith.index_cast %scan3A_580 : i32 to index
          %get3A_586 = tpu.vector_load %arg6[%get3A_584, %get3A_585] {strides = array<i32>} : memref<208x416xf32, #tpu.memory_space<vmem>>, vector<1x16xf32>,
          %get3A_587 = vector.shape_cast %get3A_586 : vector<1x16xf32> to vector<16xf32>
          %add3A_588 = arith.constant 17 : i32
          %add3A_589 = arith.addi %scan3A_579, %add3A_588 : i32
          %get3A_590 = arith.index_cast %add3A_589 : i32 to index
          %get3A_591 = arith.index_cast %scan3A_581 : i32 to index
          %get3A_592 = tpu.vector_load %arg6[%get3A_590, %get3A_591] {strides = array<i32>} : memref<208x416xf32, #tpu.memory_space<vmem>>, vector<1x16xf32>,
          %get3A_593 = vector.shape_cast %get3A_592 : vector<1x16xf32> to vector<16xf32>
          %add3A_594 = arith.constant 1 : i32
          %add3A_595 = arith.addi %scan3A_579, %add3A_594 : i32
          %add3A_596 = arith.constant 16 : i32
          %add3A_597 = arith.addi %scan3A_580, %add3A_596 : i32
          %get3A_598 = arith.index_cast %add3A_595 : i32 to index
          %get3A_599 = arith.index_cast %add3A_597 : i32 to index
          %get3A_600 = tpu.vector_load %arg6[%get3A_598, %get3A_599] {strides = array<i32>} : memref<208x416xf32, #tpu.memory_space<vmem>>, vector<1x16xf32>,
          %get3A_601 = vector.shape_cast %get3A_600 : vector<1x16xf32> to vector<16xf32>
          %add3A_602 = arith.constant 1 : i32
          %add3A_603 = arith.addi %scan3A_579, %add3A_602 : i32
          %add3A_604 = arith.constant 17 : i32
          %add3A_605 = arith.addi %add3A_603, %add3A_604 : i32
          %add3A_606 = arith.constant 16 : i32
          %add3A_607 = arith.addi %scan3A_581, %add3A_606 : i32
          %get3A_608 = arith.index_cast %add3A_605 : i32 to index
          %get3A_609 = arith.index_cast %add3A_607 : i32 to index
          %get3A_610 = tpu.vector_load %arg6[%get3A_608, %get3A_609] {strides = array<i32>} : memref<208x416xf32, #tpu.memory_space<vmem>>, vector<1x16xf32>,
          %get3A_611 = vector.shape_cast %get3A_610 : vector<1x16xf32> to vector<16xf32>
          %add3A_612 = arith.constant 2 : i32
          %add3A_613 = arith.addi %scan3A_579, %add3A_612 : i32
          %add3A_614 = arith.constant 32 : i32
          %add3A_615 = arith.addi %scan3A_580, %add3A_614 : i32
          %add3A_616 = arith.constant 32 : i32
          %add3A_617 = arith.addi %scan3A_581, %add3A_616 : i32
          %mul3A_618 = arith.mulf %get3A_587, %get3A_593 : vector<16xf32>
          %add3A_619 = arith.addf %scan3A_582, %mul3A_618 : vector<16xf32>
          %mul3A_620 = arith.mulf %get3A_601, %get3A_611 : vector<16xf32>
          %add3A_621 = arith.addf %scan3A_583, %mul3A_620 : vector<16xf32>
          scf.yield %add3A_613, %add3A_615, %add3A_617, %add3A_619, %add3A_621 : i32, i32, i32, vector<16xf32>, vector<16xf32>
        }
        %scan3A_315 = arith.constant 4 : i32
        %add3A_316 = arith.constant 8 : i32
        %add3A_317 = arith.addi %add3A_44, %add3A_316 : i32
        %get3A_318 = arith.index_cast %add3A_317 : i32 to index
        %get3A_319 = arith.constant 400 : index
        %get3A_320 = tpu.vector_load %arg6[%get3A_318, %get3A_319] {strides = array<i32>} : memref<208x416xf32, #tpu.memory_space<vmem>>, vector<1x16xf32>,
        %get3A_321 = vector.shape_cast %get3A_320 : vector<1x16xf32> to vector<16xf32>
        %add3A_322 = arith.constant 8 : i32
        %add3A_323 = arith.addi %add3A_44, %add3A_322 : i32
        %add3A_324 = arith.constant 17 : i32
        %add3A_325 = arith.addi %add3A_323, %add3A_324 : i32
        %get3A_326 = arith.index_cast %add3A_325 : i32 to index
        %get3A_327 = arith.constant 128 : index
        %get3A_328 = tpu.vector_load %arg6[%get3A_326, %get3A_327] {strides = array<i32>} : memref<208x416xf32, #tpu.memory_space<vmem>>, vector<1x16xf32>,
        %get3A_329 = vector.shape_cast %get3A_328 : vector<1x16xf32> to vector<16xf32>
        %mul3A_330 = arith.mulf %get3A_321, %get3A_329 : vector<16xf32>
        %add3A_331 = arith.addf %add3A_299, %mul3A_330 : vector<16xf32>
        %scan3A_332 = arith.constant 288 : i32
        %scan3A_333 = arith.constant 0 : i32
        %scan3A_334 = arith.constant 0 : i32
        %scan3A_335 = arith.constant 4 : i32
        %scan3A_336 = arith.addi %scan3A_334, %scan3A_335 : i32
        %scan3A_337 = arith.constant 1 : i32
        %scan3A_338:5 = scf.for %scan3A_578 = %scan3A_334 to %scan3A_336 step %scan3A_337 iter_args(%scan3A_579 = %add3A_44, %scan3A_580 = %scan3A_332, %scan3A_581 = %scan3A_333, %scan3A_582 = %scan3A_314#3, %scan3A_583 = %scan3A_314#4) -> (i32, i32, i32, vector<16xf32>, vector<16xf32>)  : i32 {
          %get3A_584 = arith.index_cast %scan3A_579 : i32 to index
          %get3A_585 = arith.index_cast %scan3A_580 : i32 to index
          %get3A_586 = tpu.vector_load %arg6[%get3A_584, %get3A_585] {strides = array<i32>} : memref<208x416xf32, #tpu.memory_space<vmem>>, vector<1x16xf32>,
          %get3A_587 = vector.shape_cast %get3A_586 : vector<1x16xf32> to vector<16xf32>
          %add3A_588 = arith.constant 18 : i32
          %add3A_589 = arith.addi %scan3A_579, %add3A_588 : i32
          %get3A_590 = arith.index_cast %add3A_589 : i32 to index
          %get3A_591 = arith.index_cast %scan3A_581 : i32 to index
          %get3A_592 = tpu.vector_load %arg6[%get3A_590, %get3A_591] {strides = array<i32>} : memref<208x416xf32, #tpu.memory_space<vmem>>, vector<1x16xf32>,
          %get3A_593 = vector.shape_cast %get3A_592 : vector<1x16xf32> to vector<16xf32>
          %add3A_594 = arith.constant 1 : i32
          %add3A_595 = arith.addi %scan3A_579, %add3A_594 : i32
          %add3A_596 = arith.constant 16 : i32
          %add3A_597 = arith.addi %scan3A_580, %add3A_596 : i32
          %get3A_598 = arith.index_cast %add3A_595 : i32 to index
          %get3A_599 = arith.index_cast %add3A_597 : i32 to index
          %get3A_600 = tpu.vector_load %arg6[%get3A_598, %get3A_599] {strides = array<i32>} : memref<208x416xf32, #tpu.memory_space<vmem>>, vector<1x16xf32>,
          %get3A_601 = vector.shape_cast %get3A_600 : vector<1x16xf32> to vector<16xf32>
          %add3A_602 = arith.constant 1 : i32
          %add3A_603 = arith.addi %scan3A_579, %add3A_602 : i32
          %add3A_604 = arith.constant 18 : i32
          %add3A_605 = arith.addi %add3A_603, %add3A_604 : i32
          %add3A_606 = arith.constant 16 : i32
          %add3A_607 = arith.addi %scan3A_581, %add3A_606 : i32
          %get3A_608 = arith.index_cast %add3A_605 : i32 to index
          %get3A_609 = arith.index_cast %add3A_607 : i32 to index
          %get3A_610 = tpu.vector_load %arg6[%get3A_608, %get3A_609] {strides = array<i32>} : memref<208x416xf32, #tpu.memory_space<vmem>>, vector<1x16xf32>,
          %get3A_611 = vector.shape_cast %get3A_610 : vector<1x16xf32> to vector<16xf32>
          %add3A_612 = arith.constant 2 : i32
          %add3A_613 = arith.addi %scan3A_579, %add3A_612 : i32
          %add3A_614 = arith.constant 32 : i32
          %add3A_615 = arith.addi %scan3A_580, %add3A_614 : i32
          %add3A_616 = arith.constant 32 : i32
          %add3A_617 = arith.addi %scan3A_581, %add3A_616 : i32
          %mul3A_618 = arith.mulf %get3A_587, %get3A_593 : vector<16xf32>
          %add3A_619 = arith.addf %scan3A_582, %mul3A_618 : vector<16xf32>
          %mul3A_620 = arith.mulf %get3A_601, %get3A_611 : vector<16xf32>
          %add3A_621 = arith.addf %scan3A_583, %mul3A_620 : vector<16xf32>
          scf.yield %add3A_613, %add3A_615, %add3A_617, %add3A_619, %add3A_621 : i32, i32, i32, vector<16xf32>, vector<16xf32>
        }
        %scan3A_339 = arith.constant 4 : i32
        %scan3A_340 = arith.constant 304 : i32
        %scan3A_341 = arith.constant 0 : i32
        %scan3A_342 = arith.constant 0 : i32
        %scan3A_343 = arith.constant 3 : i32
        %scan3A_344 = arith.addi %scan3A_342, %scan3A_343 : i32
        %scan3A_345 = arith.constant 1 : i32
        %scan3A_346:5 = scf.for %scan3A_578 = %scan3A_342 to %scan3A_344 step %scan3A_345 iter_args(%scan3A_579 = %add3A_44, %scan3A_580 = %scan3A_340, %scan3A_581 = %scan3A_341, %scan3A_582 = %scan3A_338#3, %scan3A_583 = %scan3A_338#4) -> (i32, i32, i32, vector<16xf32>, vector<16xf32>)  : i32 {
          %get3A_584 = arith.index_cast %scan3A_579 : i32 to index
          %get3A_585 = arith.index_cast %scan3A_580 : i32 to index
          %get3A_586 = tpu.vector_load %arg6[%get3A_584, %get3A_585] {strides = array<i32>} : memref<208x416xf32, #tpu.memory_space<vmem>>, vector<1x16xf32>,
          %get3A_587 = vector.shape_cast %get3A_586 : vector<1x16xf32> to vector<16xf32>
          %add3A_588 = arith.constant 19 : i32
          %add3A_589 = arith.addi %scan3A_579, %add3A_588 : i32
          %get3A_590 = arith.index_cast %add3A_589 : i32 to index
          %get3A_591 = arith.index_cast %scan3A_581 : i32 to index
          %get3A_592 = tpu.vector_load %arg6[%get3A_590, %get3A_591] {strides = array<i32>} : memref<208x416xf32, #tpu.memory_space<vmem>>, vector<1x16xf32>,
          %get3A_593 = vector.shape_cast %get3A_592 : vector<1x16xf32> to vector<16xf32>
          %add3A_594 = arith.constant 1 : i32
          %add3A_595 = arith.addi %scan3A_579, %add3A_594 : i32
          %add3A_596 = arith.constant 16 : i32
          %add3A_597 = arith.addi %scan3A_580, %add3A_596 : i32
          %get3A_598 = arith.index_cast %add3A_595 : i32 to index
          %get3A_599 = arith.index_cast %add3A_597 : i32 to index
          %get3A_600 = tpu.vector_load %arg6[%get3A_598, %get3A_599] {strides = array<i32>} : memref<208x416xf32, #tpu.memory_space<vmem>>, vector<1x16xf32>,
          %get3A_601 = vector.shape_cast %get3A_600 : vector<1x16xf32> to vector<16xf32>
          %add3A_602 = arith.constant 1 : i32
          %add3A_603 = arith.addi %scan3A_579, %add3A_602 : i32
          %add3A_604 = arith.constant 19 : i32
          %add3A_605 = arith.addi %add3A_603, %add3A_604 : i32
          %add3A_606 = arith.constant 16 : i32
          %add3A_607 = arith.addi %scan3A_581, %add3A_606 : i32
          %get3A_608 = arith.index_cast %add3A_605 : i32 to index
          %get3A_609 = arith.index_cast %add3A_607 : i32 to index
          %get3A_610 = tpu.vector_load %arg6[%get3A_608, %get3A_609] {strides = array<i32>} : memref<208x416xf32, #tpu.memory_space<vmem>>, vector<1x16xf32>,
          %get3A_611 = vector.shape_cast %get3A_610 : vector<1x16xf32> to vector<16xf32>
          %add3A_612 = arith.constant 2 : i32
          %add3A_613 = arith.addi %scan3A_579, %add3A_612 : i32
          %add3A_614 = arith.constant 32 : i32
          %add3A_615 = arith.addi %scan3A_580, %add3A_614 : i32
          %add3A_616 = arith.constant 32 : i32
          %add3A_617 = arith.addi %scan3A_581, %add3A_616 : i32
          %mul3A_618 = arith.mulf %get3A_587, %get3A_593 : vector<16xf32>
          %add3A_619 = arith.addf %scan3A_582, %mul3A_618 : vector<16xf32>
          %mul3A_620 = arith.mulf %get3A_601, %get3A_611 : vector<16xf32>
          %add3A_621 = arith.addf %scan3A_583, %mul3A_620 : vector<16xf32>
          scf.yield %add3A_613, %add3A_615, %add3A_617, %add3A_619, %add3A_621 : i32, i32, i32, vector<16xf32>, vector<16xf32>
        }
        %scan3A_347 = arith.constant 3 : i32
        %add3A_348 = arith.constant 6 : i32
        %add3A_349 = arith.addi %add3A_44, %add3A_348 : i32
        %get3A_350 = arith.index_cast %add3A_349 : i32 to index
        %get3A_351 = arith.constant 400 : index
        %get3A_352 = tpu.vector_load %arg6[%get3A_350, %get3A_351] {strides = array<i32>} : memref<208x416xf32, #tpu.memory_space<vmem>>, vector<1x16xf32>,
        %get3A_353 = vector.shape_cast %get3A_352 : vector<1x16xf32> to vector<16xf32>
        %add3A_354 = arith.constant 6 : i32
        %add3A_355 = arith.addi %add3A_44, %add3A_354 : i32
        %add3A_356 = arith.constant 19 : i32
        %add3A_357 = arith.addi %add3A_355, %add3A_356 : i32
        %get3A_358 = arith.index_cast %add3A_357 : i32 to index
        %get3A_359 = arith.constant 96 : index
        %get3A_360 = tpu.vector_load %arg6[%get3A_358, %get3A_359] {strides = array<i32>} : memref<208x416xf32, #tpu.memory_space<vmem>>, vector<1x16xf32>,
        %get3A_361 = vector.shape_cast %get3A_360 : vector<1x16xf32> to vector<16xf32>
        %mul3A_362 = arith.mulf %get3A_353, %get3A_361 : vector<16xf32>
        %add3A_363 = arith.addf %add3A_331, %mul3A_362 : vector<16xf32>
        %scan3A_364 = arith.constant 320 : i32
        %scan3A_365 = arith.constant 0 : i32
        %scan3A_366 = arith.constant 0 : i32
        %scan3A_367 = arith.constant 3 : i32
        %scan3A_368 = arith.addi %scan3A_366, %scan3A_367 : i32
        %scan3A_369 = arith.constant 1 : i32
        %scan3A_370:5 = scf.for %scan3A_578 = %scan3A_366 to %scan3A_368 step %scan3A_369 iter_args(%scan3A_579 = %add3A_44, %scan3A_580 = %scan3A_364, %scan3A_581 = %scan3A_365, %scan3A_582 = %scan3A_346#3, %scan3A_583 = %scan3A_346#4) -> (i32, i32, i32, vector<16xf32>, vector<16xf32>)  : i32 {
          %get3A_584 = arith.index_cast %scan3A_579 : i32 to index
          %get3A_585 = arith.index_cast %scan3A_580 : i32 to index
          %get3A_586 = tpu.vector_load %arg6[%get3A_584, %get3A_585] {strides = array<i32>} : memref<208x416xf32, #tpu.memory_space<vmem>>, vector<1x16xf32>,
          %get3A_587 = vector.shape_cast %get3A_586 : vector<1x16xf32> to vector<16xf32>
          %add3A_588 = arith.constant 20 : i32
          %add3A_589 = arith.addi %scan3A_579, %add3A_588 : i32
          %get3A_590 = arith.index_cast %add3A_589 : i32 to index
          %get3A_591 = arith.index_cast %scan3A_581 : i32 to index
          %get3A_592 = tpu.vector_load %arg6[%get3A_590, %get3A_591] {strides = array<i32>} : memref<208x416xf32, #tpu.memory_space<vmem>>, vector<1x16xf32>,
          %get3A_593 = vector.shape_cast %get3A_592 : vector<1x16xf32> to vector<16xf32>
          %add3A_594 = arith.constant 1 : i32
          %add3A_595 = arith.addi %scan3A_579, %add3A_594 : i32
          %add3A_596 = arith.constant 16 : i32
          %add3A_597 = arith.addi %scan3A_580, %add3A_596 : i32
          %get3A_598 = arith.index_cast %add3A_595 : i32 to index
          %get3A_599 = arith.index_cast %add3A_597 : i32 to index
          %get3A_600 = tpu.vector_load %arg6[%get3A_598, %get3A_599] {strides = array<i32>} : memref<208x416xf32, #tpu.memory_space<vmem>>, vector<1x16xf32>,
          %get3A_601 = vector.shape_cast %get3A_600 : vector<1x16xf32> to vector<16xf32>
          %add3A_602 = arith.constant 1 : i32
          %add3A_603 = arith.addi %scan3A_579, %add3A_602 : i32
          %add3A_604 = arith.constant 20 : i32
          %add3A_605 = arith.addi %add3A_603, %add3A_604 : i32
          %add3A_606 = arith.constant 16 : i32
          %add3A_607 = arith.addi %scan3A_581, %add3A_606 : i32
          %get3A_608 = arith.index_cast %add3A_605 : i32 to index
          %get3A_609 = arith.index_cast %add3A_607 : i32 to index
          %get3A_610 = tpu.vector_load %arg6[%get3A_608, %get3A_609] {strides = array<i32>} : memref<208x416xf32, #tpu.memory_space<vmem>>, vector<1x16xf32>,
          %get3A_611 = vector.shape_cast %get3A_610 : vector<1x16xf32> to vector<16xf32>
          %add3A_612 = arith.constant 2 : i32
          %add3A_613 = arith.addi %scan3A_579, %add3A_612 : i32
          %add3A_614 = arith.constant 32 : i32
          %add3A_615 = arith.addi %scan3A_580, %add3A_614 : i32
          %add3A_616 = arith.constant 32 : i32
          %add3A_617 = arith.addi %scan3A_581, %add3A_616 : i32
          %mul3A_618 = arith.mulf %get3A_587, %get3A_593 : vector<16xf32>
          %add3A_619 = arith.addf %scan3A_582, %mul3A_618 : vector<16xf32>
          %mul3A_620 = arith.mulf %get3A_601, %get3A_611 : vector<16xf32>
          %add3A_621 = arith.addf %scan3A_583, %mul3A_620 : vector<16xf32>
          scf.yield %add3A_613, %add3A_615, %add3A_617, %add3A_619, %add3A_621 : i32, i32, i32, vector<16xf32>, vector<16xf32>
        }
        %scan3A_371 = arith.constant 3 : i32
        %scan3A_372 = arith.constant 336 : i32
        %scan3A_373 = arith.constant 0 : i32
        %scan3A_374 = arith.constant 0 : i32
        %scan3A_375 = arith.constant 2 : i32
        %scan3A_376 = arith.addi %scan3A_374, %scan3A_375 : i32
        %scan3A_377 = arith.constant 1 : i32
        %scan3A_378:5 = scf.for %scan3A_578 = %scan3A_374 to %scan3A_376 step %scan3A_377 iter_args(%scan3A_579 = %add3A_44, %scan3A_580 = %scan3A_372, %scan3A_581 = %scan3A_373, %scan3A_582 = %scan3A_370#3, %scan3A_583 = %scan3A_370#4) -> (i32, i32, i32, vector<16xf32>, vector<16xf32>)  : i32 {
          %get3A_584 = arith.index_cast %scan3A_579 : i32 to index
          %get3A_585 = arith.index_cast %scan3A_580 : i32 to index
          %get3A_586 = tpu.vector_load %arg6[%get3A_584, %get3A_585] {strides = array<i32>} : memref<208x416xf32, #tpu.memory_space<vmem>>, vector<1x16xf32>,
          %get3A_587 = vector.shape_cast %get3A_586 : vector<1x16xf32> to vector<16xf32>
          %add3A_588 = arith.constant 21 : i32
          %add3A_589 = arith.addi %scan3A_579, %add3A_588 : i32
          %get3A_590 = arith.index_cast %add3A_589 : i32 to index
          %get3A_591 = arith.index_cast %scan3A_581 : i32 to index
          %get3A_592 = tpu.vector_load %arg6[%get3A_590, %get3A_591] {strides = array<i32>} : memref<208x416xf32, #tpu.memory_space<vmem>>, vector<1x16xf32>,
          %get3A_593 = vector.shape_cast %get3A_592 : vector<1x16xf32> to vector<16xf32>
          %add3A_594 = arith.constant 1 : i32
          %add3A_595 = arith.addi %scan3A_579, %add3A_594 : i32
          %add3A_596 = arith.constant 16 : i32
          %add3A_597 = arith.addi %scan3A_580, %add3A_596 : i32
          %get3A_598 = arith.index_cast %add3A_595 : i32 to index
          %get3A_599 = arith.index_cast %add3A_597 : i32 to index
          %get3A_600 = tpu.vector_load %arg6[%get3A_598, %get3A_599] {strides = array<i32>} : memref<208x416xf32, #tpu.memory_space<vmem>>, vector<1x16xf32>,
          %get3A_601 = vector.shape_cast %get3A_600 : vector<1x16xf32> to vector<16xf32>
          %add3A_602 = arith.constant 1 : i32
          %add3A_603 = arith.addi %scan3A_579, %add3A_602 : i32
          %add3A_604 = arith.constant 21 : i32
          %add3A_605 = arith.addi %add3A_603, %add3A_604 : i32
          %add3A_606 = arith.constant 16 : i32
          %add3A_607 = arith.addi %scan3A_581, %add3A_606 : i32
          %get3A_608 = arith.index_cast %add3A_605 : i32 to index
          %get3A_609 = arith.index_cast %add3A_607 : i32 to index
          %get3A_610 = tpu.vector_load %arg6[%get3A_608, %get3A_609] {strides = array<i32>} : memref<208x416xf32, #tpu.memory_space<vmem>>, vector<1x16xf32>,
          %get3A_611 = vector.shape_cast %get3A_610 : vector<1x16xf32> to vector<16xf32>
          %add3A_612 = arith.constant 2 : i32
          %add3A_613 = arith.addi %scan3A_579, %add3A_612 : i32
          %add3A_614 = arith.constant 32 : i32
          %add3A_615 = arith.addi %scan3A_580, %add3A_614 : i32
          %add3A_616 = arith.constant 32 : i32
          %add3A_617 = arith.addi %scan3A_581, %add3A_616 : i32
          %mul3A_618 = arith.mulf %get3A_587, %get3A_593 : vector<16xf32>
          %add3A_619 = arith.addf %scan3A_582, %mul3A_618 : vector<16xf32>
          %mul3A_620 = arith.mulf %get3A_601, %get3A_611 : vector<16xf32>
          %add3A_621 = arith.addf %scan3A_583, %mul3A_620 : vector<16xf32>
          scf.yield %add3A_613, %add3A_615, %add3A_617, %add3A_619, %add3A_621 : i32, i32, i32, vector<16xf32>, vector<16xf32>
        }
        %scan3A_379 = arith.constant 2 : i32
        %add3A_380 = arith.constant 4 : i32
        %add3A_381 = arith.addi %add3A_44, %add3A_380 : i32
        %get3A_382 = arith.index_cast %add3A_381 : i32 to index
        %get3A_383 = arith.constant 400 : index
        %get3A_384 = tpu.vector_load %arg6[%get3A_382, %get3A_383] {strides = array<i32>} : memref<208x416xf32, #tpu.memory_space<vmem>>, vector<1x16xf32>,
        %get3A_385 = vector.shape_cast %get3A_384 : vector<1x16xf32> to vector<16xf32>
        %add3A_386 = arith.constant 4 : i32
        %add3A_387 = arith.addi %add3A_44, %add3A_386 : i32
        %add3A_388 = arith.constant 21 : i32
        %add3A_389 = arith.addi %add3A_387, %add3A_388 : i32
        %get3A_390 = arith.index_cast %add3A_389 : i32 to index
        %get3A_391 = arith.constant 64 : index
        %get3A_392 = tpu.vector_load %arg6[%get3A_390, %get3A_391] {strides = array<i32>} : memref<208x416xf32, #tpu.memory_space<vmem>>, vector<1x16xf32>,
        %get3A_393 = vector.shape_cast %get3A_392 : vector<1x16xf32> to vector<16xf32>
        %mul3A_394 = arith.mulf %get3A_385, %get3A_393 : vector<16xf32>
        %add3A_395 = arith.addf %add3A_363, %mul3A_394 : vector<16xf32>
        %scan3A_396 = arith.constant 352 : i32
        %scan3A_397 = arith.constant 0 : i32
        %scan3A_398 = arith.constant 0 : i32
        %scan3A_399 = arith.constant 2 : i32
        %scan3A_400 = arith.addi %scan3A_398, %scan3A_399 : i32
        %scan3A_401 = arith.constant 1 : i32
        %scan3A_402:5 = scf.for %scan3A_578 = %scan3A_398 to %scan3A_400 step %scan3A_401 iter_args(%scan3A_579 = %add3A_44, %scan3A_580 = %scan3A_396, %scan3A_581 = %scan3A_397, %scan3A_582 = %scan3A_378#3, %scan3A_583 = %scan3A_378#4) -> (i32, i32, i32, vector<16xf32>, vector<16xf32>)  : i32 {
          %get3A_584 = arith.index_cast %scan3A_579 : i32 to index
          %get3A_585 = arith.index_cast %scan3A_580 : i32 to index
          %get3A_586 = tpu.vector_load %arg6[%get3A_584, %get3A_585] {strides = array<i32>} : memref<208x416xf32, #tpu.memory_space<vmem>>, vector<1x16xf32>,
          %get3A_587 = vector.shape_cast %get3A_586 : vector<1x16xf32> to vector<16xf32>
          %add3A_588 = arith.constant 22 : i32
          %add3A_589 = arith.addi %scan3A_579, %add3A_588 : i32
          %get3A_590 = arith.index_cast %add3A_589 : i32 to index
          %get3A_591 = arith.index_cast %scan3A_581 : i32 to index
          %get3A_592 = tpu.vector_load %arg6[%get3A_590, %get3A_591] {strides = array<i32>} : memref<208x416xf32, #tpu.memory_space<vmem>>, vector<1x16xf32>,
          %get3A_593 = vector.shape_cast %get3A_592 : vector<1x16xf32> to vector<16xf32>
          %add3A_594 = arith.constant 1 : i32
          %add3A_595 = arith.addi %scan3A_579, %add3A_594 : i32
          %add3A_596 = arith.constant 16 : i32
          %add3A_597 = arith.addi %scan3A_580, %add3A_596 : i32
          %get3A_598 = arith.index_cast %add3A_595 : i32 to index
          %get3A_599 = arith.index_cast %add3A_597 : i32 to index
          %get3A_600 = tpu.vector_load %arg6[%get3A_598, %get3A_599] {strides = array<i32>} : memref<208x416xf32, #tpu.memory_space<vmem>>, vector<1x16xf32>,
          %get3A_601 = vector.shape_cast %get3A_600 : vector<1x16xf32> to vector<16xf32>
          %add3A_602 = arith.constant 1 : i32
          %add3A_603 = arith.addi %scan3A_579, %add3A_602 : i32
          %add3A_604 = arith.constant 22 : i32
          %add3A_605 = arith.addi %add3A_603, %add3A_604 : i32
          %add3A_606 = arith.constant 16 : i32
          %add3A_607 = arith.addi %scan3A_581, %add3A_606 : i32
          %get3A_608 = arith.index_cast %add3A_605 : i32 to index
          %get3A_609 = arith.index_cast %add3A_607 : i32 to index
          %get3A_610 = tpu.vector_load %arg6[%get3A_608, %get3A_609] {strides = array<i32>} : memref<208x416xf32, #tpu.memory_space<vmem>>, vector<1x16xf32>,
          %get3A_611 = vector.shape_cast %get3A_610 : vector<1x16xf32> to vector<16xf32>
          %add3A_612 = arith.constant 2 : i32
          %add3A_613 = arith.addi %scan3A_579, %add3A_612 : i32
          %add3A_614 = arith.constant 32 : i32
          %add3A_615 = arith.addi %scan3A_580, %add3A_614 : i32
          %add3A_616 = arith.constant 32 : i32
          %add3A_617 = arith.addi %scan3A_581, %add3A_616 : i32
          %mul3A_618 = arith.mulf %get3A_587, %get3A_593 : vector<16xf32>
          %add3A_619 = arith.addf %scan3A_582, %mul3A_618 : vector<16xf32>
          %mul3A_620 = arith.mulf %get3A_601, %get3A_611 : vector<16xf32>
          %add3A_621 = arith.addf %scan3A_583, %mul3A_620 : vector<16xf32>
          scf.yield %add3A_613, %add3A_615, %add3A_617, %add3A_619, %add3A_621 : i32, i32, i32, vector<16xf32>, vector<16xf32>
        }
        %scan3A_403 = arith.constant 2 : i32
        %scan3A_404 = arith.constant 368 : i32
        %scan3A_405 = arith.constant 0 : i32
        %scan3A_406 = arith.constant 0 : i32
        %get3A_407 = arith.index_cast %add3A_44 : i32 to index
        %get3A_408 = arith.index_cast %scan3A_404 : i32 to index
        %get3A_409 = tpu.vector_load %arg6[%get3A_407, %get3A_408] {strides = array<i32>} : memref<208x416xf32, #tpu.memory_space<vmem>>, vector<1x16xf32>,
        %get3A_410 = vector.shape_cast %get3A_409 : vector<1x16xf32> to vector<16xf32>
        %add3A_411 = arith.constant 23 : i32
        %add3A_412 = arith.addi %add3A_44, %add3A_411 : i32
        %get3A_413 = arith.index_cast %add3A_412 : i32 to index
        %get3A_414 = arith.index_cast %scan3A_405 : i32 to index
        %get3A_415 = tpu.vector_load %arg6[%get3A_413, %get3A_414] {strides = array<i32>} : memref<208x416xf32, #tpu.memory_space<vmem>>, vector<1x16xf32>,
        %get3A_416 = vector.shape_cast %get3A_415 : vector<1x16xf32> to vector<16xf32>
        %add3A_417 = arith.constant 1 : i32
        %add3A_418 = arith.addi %add3A_44, %add3A_417 : i32
        %add3A_419 = arith.constant 16 : i32
        %add3A_420 = arith.addi %scan3A_404, %add3A_419 : i32
        %get3A_421 = arith.index_cast %add3A_418 : i32 to index
        %get3A_422 = arith.index_cast %add3A_420 : i32 to index
        %get3A_423 = tpu.vector_load %arg6[%get3A_421, %get3A_422] {strides = array<i32>} : memref<208x416xf32, #tpu.memory_space<vmem>>, vector<1x16xf32>,
        %get3A_424 = vector.shape_cast %get3A_423 : vector<1x16xf32> to vector<16xf32>
        %add3A_425 = arith.constant 1 : i32
        %add3A_426 = arith.addi %add3A_44, %add3A_425 : i32
        %add3A_427 = arith.constant 23 : i32
        %add3A_428 = arith.addi %add3A_426, %add3A_427 : i32
        %add3A_429 = arith.constant 16 : i32
        %add3A_430 = arith.addi %scan3A_405, %add3A_429 : i32
        %get3A_431 = arith.index_cast %add3A_428 : i32 to index
        %get3A_432 = arith.index_cast %add3A_430 : i32 to index
        %get3A_433 = tpu.vector_load %arg6[%get3A_431, %get3A_432] {strides = array<i32>} : memref<208x416xf32, #tpu.memory_space<vmem>>, vector<1x16xf32>,
        %get3A_434 = vector.shape_cast %get3A_433 : vector<1x16xf32> to vector<16xf32>
        %add3A_435 = arith.constant 2 : i32
        %add3A_436 = arith.addi %add3A_44, %add3A_435 : i32
        %add3A_437 = arith.constant 32 : i32
        %add3A_438 = arith.addi %scan3A_404, %add3A_437 : i32
        %add3A_439 = arith.constant 32 : i32
        %add3A_440 = arith.addi %scan3A_405, %add3A_439 : i32
        %mul3A_441 = arith.mulf %get3A_410, %get3A_416 : vector<16xf32>
        %add3A_442 = arith.addf %scan3A_402#3, %mul3A_441 : vector<16xf32>
        %mul3A_443 = arith.mulf %get3A_424, %get3A_434 : vector<16xf32>
        %add3A_444 = arith.addf %scan3A_402#4, %mul3A_443 : vector<16xf32>
        %scan3A_445 = arith.constant 1 : i32
        %add3A_446 = arith.constant 2 : i32
        %add3A_447 = arith.addi %add3A_44, %add3A_446 : i32
        %get3A_448 = arith.index_cast %add3A_447 : i32 to index
        %get3A_449 = arith.constant 400 : index
        %get3A_450 = tpu.vector_load %arg6[%get3A_448, %get3A_449] {strides = array<i32>} : memref<208x416xf32, #tpu.memory_space<vmem>>, vector<1x16xf32>,
        %get3A_451 = vector.shape_cast %get3A_450 : vector<1x16xf32> to vector<16xf32>
        %add3A_452 = arith.constant 2 : i32
        %add3A_453 = arith.addi %add3A_44, %add3A_452 : i32
        %add3A_454 = arith.constant 23 : i32
        %add3A_455 = arith.addi %add3A_453, %add3A_454 : i32
        %get3A_456 = arith.index_cast %add3A_455 : i32 to index
        %get3A_457 = arith.constant 32 : index
        %get3A_458 = tpu.vector_load %arg6[%get3A_456, %get3A_457] {strides = array<i32>} : memref<208x416xf32, #tpu.memory_space<vmem>>, vector<1x16xf32>,
        %get3A_459 = vector.shape_cast %get3A_458 : vector<1x16xf32> to vector<16xf32>
        %mul3A_460 = arith.mulf %get3A_451, %get3A_459 : vector<16xf32>
        %add3A_461 = arith.addf %add3A_395, %mul3A_460 : vector<16xf32>
        %scan3A_462 = arith.constant 384 : i32
        %scan3A_463 = arith.constant 0 : i32
        %scan3A_464 = arith.constant 0 : i32
        %get3A_465 = arith.index_cast %add3A_44 : i32 to index
        %get3A_466 = arith.index_cast %scan3A_462 : i32 to index
        %get3A_467 = tpu.vector_load %arg6[%get3A_465, %get3A_466] {strides = array<i32>} : memref<208x416xf32, #tpu.memory_space<vmem>>, vector<1x16xf32>,
        %get3A_468 = vector.shape_cast %get3A_467 : vector<1x16xf32> to vector<16xf32>
        %add3A_469 = arith.constant 24 : i32
        %add3A_470 = arith.addi %add3A_44, %add3A_469 : i32
        %get3A_471 = arith.index_cast %add3A_470 : i32 to index
        %get3A_472 = arith.index_cast %scan3A_463 : i32 to index
        %get3A_473 = tpu.vector_load %arg6[%get3A_471, %get3A_472] {strides = array<i32>} : memref<208x416xf32, #tpu.memory_space<vmem>>, vector<1x16xf32>,
        %get3A_474 = vector.shape_cast %get3A_473 : vector<1x16xf32> to vector<16xf32>
        %add3A_475 = arith.constant 1 : i32
        %add3A_476 = arith.addi %add3A_44, %add3A_475 : i32
        %add3A_477 = arith.constant 16 : i32
        %add3A_478 = arith.addi %scan3A_462, %add3A_477 : i32
        %get3A_479 = arith.index_cast %add3A_476 : i32 to index
        %get3A_480 = arith.index_cast %add3A_478 : i32 to index
        %get3A_481 = tpu.vector_load %arg6[%get3A_479, %get3A_480] {strides = array<i32>} : memref<208x416xf32, #tpu.memory_space<vmem>>, vector<1x16xf32>,
        %get3A_482 = vector.shape_cast %get3A_481 : vector<1x16xf32> to vector<16xf32>
        %add3A_483 = arith.constant 1 : i32
        %add3A_484 = arith.addi %add3A_44, %add3A_483 : i32
        %add3A_485 = arith.constant 24 : i32
        %add3A_486 = arith.addi %add3A_484, %add3A_485 : i32
        %add3A_487 = arith.constant 16 : i32
        %add3A_488 = arith.addi %scan3A_463, %add3A_487 : i32
        %get3A_489 = arith.index_cast %add3A_486 : i32 to index
        %get3A_490 = arith.index_cast %add3A_488 : i32 to index
        %get3A_491 = tpu.vector_load %arg6[%get3A_489, %get3A_490] {strides = array<i32>} : memref<208x416xf32, #tpu.memory_space<vmem>>, vector<1x16xf32>,
        %get3A_492 = vector.shape_cast %get3A_491 : vector<1x16xf32> to vector<16xf32>
        %add3A_493 = arith.constant 2 : i32
        %add3A_494 = arith.addi %add3A_44, %add3A_493 : i32
        %add3A_495 = arith.constant 32 : i32
        %add3A_496 = arith.addi %scan3A_462, %add3A_495 : i32
        %add3A_497 = arith.constant 32 : i32
        %add3A_498 = arith.addi %scan3A_463, %add3A_497 : i32
        %mul3A_499 = arith.mulf %get3A_468, %get3A_474 : vector<16xf32>
        %add3A_500 = arith.addf %add3A_442, %mul3A_499 : vector<16xf32>
        %mul3A_501 = arith.mulf %get3A_482, %get3A_492 : vector<16xf32>
        %add3A_502 = arith.addf %add3A_444, %mul3A_501 : vector<16xf32>
        %scan3A_503 = arith.constant 1 : i32
        %scan3A_504 = arith.constant 400 : i32
        %scan3A_505 = arith.constant 0 : i32
        %scan3A_506 = arith.constant 0 : i32
        %scan3A_507 = arith.constant 0 : i32
        %scan3A_508 = arith.addi %scan3A_506, %scan3A_507 : i32
        %scan3A_509 = arith.constant 0 : i32
        %add3A_510 = arith.constant 0 : i32
        %add3A_511 = arith.addi %add3A_44, %add3A_510 : i32
        %get3A_512 = arith.index_cast %add3A_511 : i32 to index
        %get3A_513 = arith.constant 400 : index
        %get3A_514 = tpu.vector_load %arg6[%get3A_512, %get3A_513] {strides = array<i32>} : memref<208x416xf32, #tpu.memory_space<vmem>>, vector<1x16xf32>,
        %get3A_515 = vector.shape_cast %get3A_514 : vector<1x16xf32> to vector<16xf32>
        %add3A_516 = arith.constant 0 : i32
        %add3A_517 = arith.addi %add3A_44, %add3A_516 : i32
        %add3A_518 = arith.constant 25 : i32
        %add3A_519 = arith.addi %add3A_517, %add3A_518 : i32
        %get3A_520 = arith.index_cast %add3A_519 : i32 to index
        %get3A_521 = arith.constant 0 : index
        %get3A_522 = tpu.vector_load %arg6[%get3A_520, %get3A_521] {strides = array<i32>} : memref<208x416xf32, #tpu.memory_space<vmem>>, vector<1x16xf32>,
        %get3A_523 = vector.shape_cast %get3A_522 : vector<1x16xf32> to vector<16xf32>
        %mul3A_524 = arith.mulf %get3A_515, %get3A_523 : vector<16xf32>
        %add3A_525 = arith.addf %add3A_461, %mul3A_524 : vector<16xf32>
        %add3A_526 = arith.addf %add3A_500, %add3A_502 : vector<16xf32>
        %add3A_527 = arith.addf %broadcast_in_dim3A_50, %add3A_525 : vector<16xf32>
        %add3A_528 = arith.addf %add3A_526, %add3A_527 : vector<16xf32>
        %iota3A = tpu.iota {dimensions = array<i32: 0>} : vector<16xi32>
        %xor3A = arith.constant 8 : i32
        %xor3A_529 = vector.broadcast %xor3A : i32 to vector<16xi32>
        %xor3A_530 = arith.xori %iota3A, %xor3A_529 : vector<16xi32>
        %broadcast_in_dim3A_531 = vector.shape_cast %xor3A_530 : vector<16xi32> to vector<16x1xi32>
        %gather3A = vector.shape_cast %broadcast_in_dim3A_531 : vector<16x1xi32> to vector<16xi32>
        %gather3A_532 = tpu.dynamic_gather %add3A_528[%gather3A] in [0] : vector<16xf32>, vector<16xi32> -> vector<16xf32>
        %add3A_533 = arith.addf %add3A_528, %gather3A_532 : vector<16xf32>
        %iota3A_534 = tpu.iota {dimensions = array<i32: 0>} : vector<16xi32>
        %xor3A_535 = arith.constant 4 : i32
        %xor3A_536 = vector.broadcast %xor3A_535 : i32 to vector<16xi32>
        %xor3A_537 = arith.xori %iota3A_534, %xor3A_536 : vector<16xi32>
        %broadcast_in_dim3A_538 = vector.shape_cast %xor3A_537 : vector<16xi32> to vector<16x1xi32>
        %gather3A_539 = vector.shape_cast %broadcast_in_dim3A_538 : vector<16x1xi32> to vector<16xi32>
        %gather3A_540 = tpu.dynamic_gather %add3A_533[%gather3A_539] in [0] : vector<16xf32>, vector<16xi32> -> vector<16xf32>
        %add3A_541 = arith.addf %add3A_533, %gather3A_540 : vector<16xf32>
        %iota3A_542 = tpu.iota {dimensions = array<i32: 0>} : vector<16xi32>
        %xor3A_543 = arith.constant 2 : i32
        %xor3A_544 = vector.broadcast %xor3A_543 : i32 to vector<16xi32>
        %xor3A_545 = arith.xori %iota3A_542, %xor3A_544 : vector<16xi32>
        %broadcast_in_dim3A_546 = vector.shape_cast %xor3A_545 : vector<16xi32> to vector<16x1xi32>
        %gather3A_547 = vector.shape_cast %broadcast_in_dim3A_546 : vector<16x1xi32> to vector<16xi32>
        %gather3A_548 = tpu.dynamic_gather %add3A_541[%gather3A_547] in [0] : vector<16xf32>, vector<16xi32> -> vector<16xf32>
        %add3A_549 = arith.addf %add3A_541, %gather3A_548 : vector<16xf32>
        %iota3A_550 = tpu.iota {dimensions = array<i32: 0>} : vector<16xi32>
        %xor3A_551 = arith.constant 1 : i32
        %xor3A_552 = vector.broadcast %xor3A_551 : i32 to vector<16xi32>
        %xor3A_553 = arith.xori %iota3A_550, %xor3A_552 : vector<16xi32>
        %broadcast_in_dim3A_554 = vector.shape_cast %xor3A_553 : vector<16xi32> to vector<16x1xi32>
        %gather3A_555 = vector.shape_cast %broadcast_in_dim3A_554 : vector<16x1xi32> to vector<16xi32>
        %gather3A_556 = tpu.dynamic_gather %add3A_549[%gather3A_555] in [0] : vector<16xf32>, vector<16xi32> -> vector<16xf32>
        %add3A_557 = arith.addf %add3A_549, %gather3A_556 : vector<16xf32>
        %mul3A_558 = arith.constant 4 : i32
        %mul3A_559 = arith.muli %scan3A_20, %mul3A_558 : i32
        %add3A_560 = arith.addi %mul3A_559, %scan3A_38 : i32
        %rem3A_561 = arith.constant 16 : i32
        %rem3A_562 = arith.remsi %add3A_560, %rem3A_561 : i32
        %iota3A_563 = tpu.iota {dimensions = array<i32: 0>} : vector<16xi32>
        %eq3A_564 = vector.broadcast %rem3A_562 : i32 to vector<16xi32>
        %eq3A_565 = arith.cmpi eq, %iota3A_563, %eq3A_564 : vector<16xi32>
        %jit3A = arith.constant 0.000000e+00 : f32
        %broadcast_in_dim3A_566 = vector.broadcast %jit3A : f32 to vector<16xf32>
        %select_n3A = arith.select %eq3A_565, %add3A_557, %broadcast_in_dim3A_566 : vector<16xi1>, vector<16xf32>
        %add3A_567 = arith.addf %scan3A_39, %select_n3A : vector<16xf32>
        %eq3A_568 = arith.constant 15 : i32
        %eq3A_569 = arith.cmpi eq, %rem3A_562, %eq3A_568 : i32
        %convert_element_type3A_570 = arith.extui %eq3A_569 : i1 to i32
        %cond3A_571 = arith.constant 0 : i32
        %cond3A_572 = arith.cmpi ne, %convert_element_type3A_570, %cond3A_571 : i32
        scf.if %cond3A_572 {
          %sub3A = arith.constant 15 : i32
          %sub3A_578 = arith.subi %add3A_560, %sub3A : i32
          %swap3A = arith.index_cast %sub3A_578 : i32 to index
          %swap3A_579 = tpu.vector_load %arg7[%swap3A] {strides = array<i32>} : memref<128xf32, #tpu.memory_space<vmem>>, vector<16xf32>,
          %swap3A_580 = vector.shape_cast %swap3A_579 : vector<16xf32> to vector<16xf32>
          %swap3A_581 = vector.shape_cast %add3A_567 : vector<16xf32> to vector<16xf32>
          tpu.vector_store %arg7[%swap3A], %swap3A_581 {strides = array<i32>} : memref<128xf32, #tpu.memory_space<vmem>>, vector<16xf32>,
        } else {
        }
        %eq3A_573 = arith.constant 15 : i32
        %eq3A_574 = arith.cmpi eq, %rem3A_562, %eq3A_573 : i32
        %broadcast_in_dim3A_575 = arith.constant 0.000000e+00 : f32
        %broadcast_in_dim3A_576 = vector.broadcast %broadcast_in_dim3A_575 : f32 to vector<16xf32>
        %select_n3A_577 = arith.select %eq3A_574, %broadcast_in_dim3A_576, %add3A_567 : vector<16xf32>
        scf.yield %select_n3A_577 : vector<16xf32>
      }
      %scan3A_37 = arith.constant 4 : i32
      scf.yield %scan3A_36 : vector<16xf32>
    }
    %scan3A_17 = arith.constant 32 : i32
    %mul3A_18 = arith.constant 128 : i32
    %mul3A_19 = arith.muli %add3A, %mul3A_18 : i32
    "tpu.region"() ({
      %run_scoped3A = tpu.sem_alloc : memref<!tpu.dma_semaphore, #tpu.memory_space<semaphore_mem>>
      %dma_start3A_20 = tpu.memref_slice %arg4[%mul3A_19] : memref<4096xf32, #tpu.memory_space<hbm>> -> memref<128xf32, #tpu.memory_space<hbm>>
      %dma_start3A_21 = tpu.memref_slice %arg4[%mul3A_19] : memref<4096xf32, #tpu.memory_space<hbm>> -> memref<128xf32, #tpu.memory_space<hbm>>
      tpu.enqueue_dma source(%arg7 : memref<128xf32, #tpu.memory_space<vmem>>) target(%dma_start3A_21 : memref<128xf32, #tpu.memory_space<hbm>>) target_semaphore(%run_scoped3A : memref<!tpu.dma_semaphore, #tpu.memory_space<semaphore_mem>>)
      %dma_wait3A = tpu.memref_slice %arg4[%mul3A_19] : memref<4096xf32, #tpu.memory_space<hbm>> -> memref<128xf32, #tpu.memory_space<hbm>>
      %dma_wait3A_22 = tpu.memref_slice %arg4[%mul3A_19] : memref<4096xf32, #tpu.memory_space<hbm>> -> memref<128xf32, #tpu.memory_space<hbm>>
      tpu.wait_dma2 semaphore(%run_scoped3A : memref<!tpu.dma_semaphore, #tpu.memory_space<semaphore_mem>>) src(%arg7 : memref<128xf32, #tpu.memory_space<vmem>>) dst(%dma_wait3A_22 : memref<128xf32, #tpu.memory_space<hbm>>)
      tpu.yield
    }) : () -> ()
    return
  }
}

</mosaic_0001>

<sc_bundles>
// kernel: kernel.3.cloned.1.call-start
scs
__scs_entry_jumppad:
0x0: {  	(pc) =	sbr.rel $0x88, $3  }
0x1: {  	(tag) =	ssettag $0x0;
	lr =	simm.s32 $0x1  }
0x2: {  	[smem:$0x3F9F] =	sst lr;
	_ =	strace $0xD0000000  }
0x3: {  	_ = 	snop  }
0x4: {  	_ = 	snop  }
0x5: {  	_ = 	snop  }
0x6: {  	_ = 	snop  }
0x7: {  	_ = 	snop  }
__scs_overlays_trampoline_lowered:
0x8: {  	[smem:$0x3FAE] =	sst s0  }
0x9: {  	[smem:$0x3FAF] =	sst s1  }
0xa: {  	[smem:$0x3FB0] =	sst s2  }
0xb: {  	[smem:$0x3FB1] =	sst s3  }
0xc: {  	[smem:$0x3FB2] =	sst s4  }
0xd: {  	[smem:$0x3FB3] =	sst s5  }
0xe: {  	[smem:$0x3FB4] =	sst s6  }
0xf: {  	[smem:$0x3FB5] =	sst s7  }
0x10: {  	[smem:$0x3FB6] =	sst s8  }
0x11: {  	[smem:$0x3FB7] =	sst s9;
	s0 =	simm.s32 @!p0 $0x0  }
0x12: {  	s1 =	sld [smem:$0x3F9D];
	s0 =	simm.s32 @p0 $0x1  }
0x13: {  	[smem:$0x3FB8] =	sst s0;
	s0 =	simm.s32 @!p1 $0x0  }
0x14: {  	s2 =	sld [smem:$0x3F9C];
	s0 =	simm.s32 @p1 $0x1  }
0x15: {  	[smem:$0x3FB9] =	sst s0;
	s0 =	simm.s32 @!p2 $0x0  }
0x16: {  	s3 =	sld [smem:$0x3FDB];
	s0 =	simm.s32 @p2 $0x1  }
0x17: {  	s4 =	simm.s32 $0x1BF5;
	[smem:$0x3FBB] =	sst s0  }
0x18: {  	s0 =	sld [smem:$0x3F9E];
	_ =	swait.ge [sflag:s4], $0x0  }
0x19: {  	s7 =	sld [smem:$0x3F9F]  }
0x1a: {  	s8 =	sadd.s32 $0xFFFFE003, lr  }
0x1b: {  	s9 =	sadd.s32 $0xFFFFFEF7, lr;
	s5 =	simm.s32 $0xFFFFFFFF;
	p2 =	slt.u32 s8, $0xFFFFF086  }
0x1c: {  	p1 =	slt.u32 s9, $0xF7A;
	s5 =	simm.s32 @!p2 $0x0  }
0x1d: {  	s5 =	simm.s32 @p1 $0x1;
	p0 =	seq.s32 s7, s2  }
0x1e: {  	s7 =	smul.u32 @!p0 $0xF7A, s2;
	p2 =	seq.s32 @!p0 s5, $0x0  }
0x1f: {  	s9 =	smul.u32 $0xF7A, s1;
	s8 =	simm.s32 @!p0 $0x1BF5;
	p2 =	por !p2, p0  }
0x20: {  	[sflag:s8] =	ssyncset.s32 @!p0 $0xFFFFF086;
	s6 =	sadd.s32 @!p0 s3, s7;
	s7 =	simm.s32 @!p0 $0x108  }
0x21: {  	s3 =	sadd.s32 s3, s9;
	s6 =	sadd.s32 @!p0 $0x88, s6;
	s7 =	simm.s32 @p2 $0x1082  }
0x22: {  	[simem:s7], [sflag:s8] =	dma.local @!p0 [hbm:s6], $0xF7A  }
0x23: {  	s9 =	sor.u32 $0xD0000000, s2;
	s6 =	simm.s32 $0x108;
	_ =	swait.ge @!p0 [sflag:s8], $0x0  }
0x24: {  	s3 =	sadd.s32 $0x88, s3;
	s6 =	simm.s32 @!p1 $0x1082;
	[sflag:s4] =	ssyncset.s32 $0xFFFFF086  }
0x25: {  	[simem:s6], [sflag:s4] =	dma.local [hbm:s3], $0xF7A  }
0x26: {  	[smem:$0x3F9F] =	sst s1;
	(tag) =	ssettag s2;
	_ =	strace s9  }
0x27: {  	s1 =	sld [smem:$0x3FAF]  }
0x28: {  	s2 =	sld [smem:$0x3FB0]  }
0x29: {  	s4 =	sld [smem:$0x3FB2]  }
0x2a: {  	p0 =	seq.s32 s5, $0x0;
	s5 =	sld [smem:$0x3FB3]  }
0x2b: {  	s6 =	sld [smem:$0x3FB4]  }
0x2c: {  	s7 =	sld [smem:$0x3FB5]  }
0x2d: {  	s3 =	simm.s32 $0x108;
	s8 =	sld [smem:$0x3FB6]  }
0x2e: {  	s3 =	simm.s32 @!p0 $0x1082;
	s9 =	sld [smem:$0x3FB7]  }
0x2f: {  	lr =	sadd.s32 s0, s3;
	s0 =	sld [smem:$0x3FAE]  }
0x30: {  	s3 =	sld [smem:$0x3FB1]  }
0x31: {  	[smem:$0x3FBA] =	sst s10  }
0x32: {  	s10 =	sld [smem:$0x3FB8];
	_ =	sdelay $0x3  }
0x33: {  	p0 =	seq.s32 s10, $0x1;
	s10 =	sld [smem:$0x3FBA];
	_ =	sdelay $0x3  }
0x34: {  	[smem:$0x3FBA] =	sst s10  }
0x35: {  	s10 =	sld [smem:$0x3FB9];
	_ =	sdelay $0x3  }
0x36: {  	p1 =	seq.s32 s10, $0x1;
	s10 =	sld [smem:$0x3FBA];
	_ =	sdelay $0x3  }
0x37: {  	[smem:$0x3FBA] =	sst s10  }
0x38: {  	s10 =	sld [smem:$0x3FBB]  }
0x39: {  	_ = 	snop;
	(pc) =	sbr.ind lr, $3  }
0x3a: {  	_ = 	snop  }
0x3b: {  	_ = 	snop  }
0x3c: {  	p2 =	seq.s32 s10, $0x1;
	s10 =	sld [smem:$0x3FBA]  }
0x3d: {  	_ =	shalt  }
0x3e: {  	_ =	shalt  }
0x3f: {  	_ =	shalt  }
0x40: {  	_ =	shalt  }
0x41: {  	_ =	shalt  }
0x42: {  	_ =	shalt  }
0x43: {  	_ =	shalt  }
0x44: {  	_ =	shalt  }
0x45: {  	_ =	shalt  }
0x46: {  	_ =	shalt  }
0x47: {  	_ =	shalt  }
0x48: {  	_ =	shalt  }
0x49: {  	_ =	shalt  }
0x4a: {  	_ =	shalt  }
0x4b: {  	_ =	shalt  }
0x4c: {  	_ =	shalt  }
0x4d: {  	_ =	shalt  }
0x4e: {  	_ =	shalt  }
0x4f: {  	_ =	shalt  }
0x50: {  	_ =	shalt  }
0x51: {  	_ =	shalt  }
0x52: {  	_ =	shalt  }
0x53: {  	_ =	shalt  }
0x54: {  	_ =	shalt  }
0x55: {  	_ =	shalt  }
0x56: {  	_ =	shalt  }
0x57: {  	_ =	shalt  }
0x58: {  	_ =	shalt  }
0x59: {  	_ =	shalt  }
0x5a: {  	_ =	shalt  }
0x5b: {  	_ =	shalt  }
0x5c: {  	_ =	shalt  }
0x5d: {  	_ =	shalt  }
0x5e: {  	_ =	shalt  }
0x5f: {  	_ =	shalt  }
0x60: {  	_ =	shalt  }
0x61: {  	_ =	shalt  }
0x62: {  	_ =	shalt  }
0x63: {  	_ =	shalt  }
0x64: {  	_ =	shalt  }
0x65: {  	_ =	shalt  }
0x66: {  	_ =	shalt  }
0x67: {  	_ =	shalt  }
0x68: {  	_ =	shalt  }
0x69: {  	_ =	shalt  }
0x6a: {  	_ =	shalt  }
0x6b: {  	_ =	shalt  }
0x6c: {  	_ =	shalt  }
0x6d: {  	_ =	shalt  }
0x6e: {  	_ =	shalt  }
0x6f: {  	_ =	shalt  }
0x70: {  	_ =	shalt  }
0x71: {  	_ =	shalt  }
0x72: {  	_ =	shalt  }
0x73: {  	_ =	shalt  }
0x74: {  	_ =	shalt  }
0x75: {  	_ =	shalt  }
0x76: {  	_ =	shalt  }
0x77: {  	_ =	shalt  }
0x78: {  	_ =	shalt  }
0x79: {  	_ =	shalt  }
0x7a: {  	_ =	shalt  }
0x7b: {  	_ =	shalt  }
0x7c: {  	_ =	shalt  }
0x7d: {  	_ =	shalt  }
0x7e: {  	_ =	shalt  }
0x7f: {  	_ =	shalt  }
0x80: {  	_ =	shalt  }
0x81: {  	_ =	shalt  }
0x82: {  	_ =	shalt  }
0x83: {  	_ =	shalt  }
0x84: {  	_ =	shalt  }
0x85: {  	_ =	shalt  }
0x86: {  	_ =	shalt  }
0x87: {  	_ =	shalt  }
.Lfunc_end0:
.L_simem_size_0:
called_computation.1_lowered:
.L_overlay_start_0:
0x88: {  	s2 =	sld [smem:$0x3FD9]  }
0x89: {  	s3 =	sld [smem:$0x3FFE];
	_ =	sdelay $0x1  }
0x8a: {  	s1 =	srdreg.scid  }
0x8b: {  	s0 =	sand.u32 $0x1, s1  }
0x8c: {  	s17 =	sshll.u32 s0, $0xA;
	s2 =	sadd.s32 s3, s2  }
0x8d: {  	s2 =	sadd.s32 s2, s17  }
0x8e: {  	[smem:$0x3FC6] =	sst s2  }
0x8f: {  	_ = 	snop  }
0x90: {  	s2 =	sld [smem:$0x3FD0];
	(tm) =	ssettm $0x1  }
0x91: {  	s18 =	sld [smem:$0x3FFB];
	_ =	sdelay $0x3  }
0x92: {  	_ =	strace s18  }
0x93: {  	s3 =	sld [smem:$0x3FFC];
	_ =	sdelay $0x3  }
0x94: {  	_ =	strace s3  }
0x95: {  	s3 =	sld [smem:$0x3FFD];
	_ =	sdelay $0x3  }
0x96: {  	_ =	strace s3  }
0x97: {  	_ =	strace $0x8FFFFFFF  }
0x98: {  	s19 =	sld [smem:$0x3FDB];
	_ =	sdelay $0x1  }
0x99: {  	s4 =	simm.s32 $_scs_section_size  }
0x9a: {  	s5 =	simm.s32 $_size__tile_overlayer_lowered;
	s6 =	simm.s32 $_tile_overlayer_lowered  }
0x9b: {  	s22 =	simm.s32 $0x1BFF;
	s21 =	sshll.u32 s6, $0x1;
	s3 =	sadd.s32 s4, s19  }
0x9c: {  	s7 =	simm.s32 $0x0;
	s20 =	sshll.u32 s5, $0x1;
	s5 =	sadd.s32 s21, s3  }
0x9d: {  	[timem:s7], [sflag:s22] =	dma.local [hbm:s5], s20  }
0x9e: {  	_ =	swait.ge [sflag:s22], s20  }
0x9f: {  	s4 =	ssub.s32 $0x0, s20;
	[sflag:s22] =	ssyncset.done $0x0  }
0xa0: {  	[sflag:s22] =	ssyncadd.s32 s4;
	_ =	sdelay $0x1  }
0xa1: {  	s23 =	simm.s32 $0x1B8B  }
0xa2: {  	_ =	swait.ge [sflag:s23], $0x1  }
0xa3: {  	[sflag:s23] =	ssyncset.done $0x0  }
0xa4: {  	s25 =	simm.s32 $0x1B8E;
	s24 =	sld [smem:$0x3FFE];
	[sflag:s23] =	ssyncadd.s32 $0xFFFFFFFF  }
0xa5: {  	s26 =	simm.s32 $execute0_lowered;
	[smem:$0x3FD2] =	sst s25  }
0xa6: {  	s5 =	sshll.u32 s26, $0x1;
	_ =	strace $0x80000049;
	[dreg:$0x1] =	wrdreg $0xFFFFFFFF  }
0xa7: {  	s28 =	simm.s32 $_size_execute0_lowered;
	s3 =	sadd.s32 s3, s5;
	[dreg:$0x0] =	wrdreg $0x0  }
0xa8: {  	s5 =	sshll.u32 s28, $0x1;
	[dreg:$0x2] =	wrdreg s3  }
0xa9: {  	[dreg:$0x3] =	wrdreg s5  }
0xaa: {  	[dreg:$0x4] =	wrdreg $0xC0  }
0xab: {  	_ =	task [dreg:s7], $0x5FFFF  }
0xac: {  	[dreg:$0x1] =	wrdreg $0xFFFFFFFF  }
0xad: {  	[dreg:$0x0] =	wrdreg $0x60  }
0xae: {  	[dreg:$0x2] =	wrdreg s24  }
0xaf: {  	[dreg:$0x3] =	wrdreg s2  }
0xb0: {  	[dreg:$0x4] =	wrdreg $0x9  }
0xb1: {  	_ =	task.clear_ibuf [dreg:s7], $0x5FFFF;
	_ =	strace $0x90000049  }
0xb2: {  	s29 =	simm.s32 $0x9;
	_ =	strace $0x8000004B  }
0xb3: {  	_ =	swait.ge [sflag:s29], $0x1  }
0xb4: {  	[sflag:s29] =	ssyncadd.s32 $0xFFFFFFFF  }
0xb5: {  	_ =	strace $0x9000004B  }
0xb6: {  	_ =	sfence  }
0xb7: {  	s30 =	sld [smem:$0x0];
	_ =	sdelay $0x2  }
0xb8: {  	s31 =	sshll.u32 s1, $0xD;
	s1 =	sshrl.u32 s1, $0x2  }
0xb9: {  	s3 =	sand.u32 $0x4000, s31;
	s1 =	sadd.s32 s1, s30  }
0xba: {  	s0 =	sor.u32 s3, s0;
	s1 =	sshll.u32 s1, $0x11  }
0xbb: {  	s0 =	sor.u32 s1, s0  }
0xbc: {  	s0 =	sadd.s32 $0x8F2B, s0  }
0xbd: {  	[sflag:s0] =	ssyncadd.remote.s32 $0x1  }
0xbe: {  	_ =	sfence.sel $0xFFFF  }
0xbf: {  	[dreg:$0x0] =	wrdreg $0xFFFFFFFF;
	(pc) =	sbr.abs _section_cstart, $3  }
0xc0: {  	[dreg:$0x1] =	wrdreg $0xFFFFFFFF  }
0xc1: {  	_ =	task.clear_ibuf [dreg:s7], $0x2FFFF;
	_ =	strace $0x9FFFFFFF  }
0xc2: {  	(tm) =	ssettm $0x7FFFFFFF  }
0xc3: {  	_ =	shalt  }
tec
execute0_lowered:
.L_overlay_start_1:
0x0: {  	(tag) =	ssettag $0x1  }
0x1: {  	v0 =	vimm.s32 $0xFEDCBA98;
	v1 =	vimm.s32 $0x76543210;
	v2 =	vimm.s32 $0xBA98FEDC  }
0x2: {  	v3 =	vimm.s32 $0x32107654;
	v4 =	vimm.s32 $0xDCFE98BA;
	v5 =	vimm.s32 $0x54761032  }
0x3: {  	v6 =	vimm.s32 $0xEFCDAB89;
	v7 =	vimm.s32 $0x67452301;
	v0 =	vunpack.c.l.s4.s8 v0  }
0x4: {  	v1 =	vunpack.c.l.s4.s8 v1;
	v2 =	vunpack.c.l.s4.s8 v2;
	v3 =	vunpack.c.l.s4.s8 v3  }
0x5: {  	s1 =	srdreg.scid;
	s4 =	rddreg [dreg:$0x0];
	v4 =	vunpack.c.l.s4.s8 v4;
	v5 =	vunpack.c.l.s4.s8 v5;
	v6 =	vunpack.c.l.s4.s8 v6  }
0x6: {  	s0 =	stileid.u32;
	s6 =	rddreg [dreg:$0x1];
	s9 =	simm.s32 $0xD00;
	v7 =	vunpack.c.l.s4.s8 v7;
	v2 =	vunpack.c.0.s8.s32 v2;
	v3 =	vunpack.c.0.s8.s32 v3  }
0x7: {  	s10 =	simm.s32 $0x15F00;
	s5 =	sand.u32 $0x1, s1;
	s2 =	sshll.u32 s0, $0x1;
	v0 =	vunpack.c.0.s8.s32 v0;
	v4 =	vunpack.c.0.s8.s32 v4;
	v5 =	vunpack.c.0.s8.s32 v5  }
0x8: {  	s11 =	simm.s32 $0x0;
	s1 =	simm.s32 $0x0;
	s7 =	sor.u32 s5, s2;
	v6 =	vunpack.c.0.s8.s32 v6;
	v7 =	vunpack.c.0.s8.s32 v7;
	v61 =	vcombine.low v3, v2  }
0x9: {  	s3 =	sadd.s32 $0x61E600, s4;
	[smem:$0x7FF] =	sst s1;
	v1 =	vunpack.c.0.s8.s32 v1;
	s8 =	smul.u32 $0x1A0, s7;
	v62 =	vcombine.low v5, v4  }
0xa: {  	s2 =	rddreg [dreg:$0x2];
	s5 =	ssub.s32 $0x2, s5;
	_ =	strace $0x8000004A;
	v0 =	vand.u32 $0xF, v0;
	v63 =	vcombine.low v7, v6;
	[tilespmem:$0x1FFD0] =	vst v61  }
0xb: {  	s31 =	sshrl.u32 s5, $0x1;
	s7 =	sshll.u32 s7, $0x4;
	s4 =	sadd.s32 s8, s4;
	v0 =	vcombine.low v0, v1;
	[tilespmem:$0x1FFE0] =	vst v62  }
0xc: {  	s8 =	ssub.s32 s5, s31;
	s5 =	sadd.s32 s6, s7;
	s7 =	simm.s32 $0x3;
	[tilespmem:$0x1FFF0] =	vst v63  }
0xd: {  	s4 =	sadd.s32 $0x61B200, s4;
	s6 =	smax.u32 s8, $0x1;
	s8 =	simm.s32 $0x68;
	[tilespmem:$0x1FFC0] =	vst v0  }
.LBB2_1:
0xe: {  	[tilespmem:s1], [sflag:$0x3] =	stream.linear.gather [hbm4b:s4+s1], $0xD00, $0x38;
	[tilespmem:$0x15F80] =	vst v63  }
0xf: {  	_ =	swait.ge [sflag:s7], $0xD00  }
0x10: {  	[sflag:s7] =	ssyncset.done $0x0  }
0x11: {  	s12 =	simm.s32 $0x0;
	[sflag:s7] =	ssyncadd.s32 $0xFFFFF300  }
0x12: {  	v0 =	vimm.f32 $0.0e+00;
	[tilespmem:s9], [sflag:$0x1] =	stream.indirect.gather [hbm4b:s3+s8], $0x1A0, s1, s8, $0xb8;
	[tilespmem:$0x15F80] =	vst v63  }
.LBB2_3:
0x13: {  	s31 =	sand.u32 $0x1, s12  }
0x14: {  	s14 =	smov.u32 s12;
	p0 =	seq.s32 s31, $0x1  }
0x15: {  	s18 =	simm.s32 $0x11F0;
	s19 =	simm.s32 $0x1390;
	p1 =	seq.s32 @p0 s14, $0x1F  }
0x16: {  	s12 =	sadd.s32 $0x1, s14;
	s13 =	simm.s32 @p0 $0x2;
	p2 =	por p1, !p0  }
0x17: {  	s20 =	simm.s32 $0x1530;
	_ =	swait.ge @p0 [sflag:s13], $0xA900;
	s15 =	smul.u32 @!p2 $0x1A0, s12  }
0x18: {  	s17 =	simm.s32 @!p0 $0xB600;
	[sflag:s13] =	ssyncset.done @p0 $0x0;
	s16 =	simm.s32 @!p2 $0xD00  }
0x19: {  	[sflag:s13] =	ssyncadd.s32 @p0 $0xFFFF5700;
	s13 =	sshra.s32 @!p2 s15, $0x2;
	s15 =	simm.s32 @!p2 $0x68  }
0x1a: {  	[tilespmem:s16], [sflag:$0x1] =	stream.indirect.gather @!p2 [hbm4b:s3+s15], $0x1A0, s13, s15, $0xb8;
	[tilespmem:$0x15F80] =	vst v63  }
0x1b: {  	p1 =	por !p1, !p0;
	s15 =	simm.s32 @!p0 $0x1;
	s13 =	simm.s32 @p0 $0x68  }
0x1c: {  	s16 =	smul.u32 @!p0 $0x1A0, s12;
	_ =	swait.ge @!p0 [sflag:s15], $0xA900;
	s13 =	simm.s32 @p1 $0x68  }
0x1d: {  	s14 =	sshll.u32 s14, $0x2;
	[sflag:s15] =	ssyncset.done @!p0 $0x0;
	s13 =	simm.s32 @!p0 $0x0  }
0x1e: {  	[sflag:s15] =	ssyncadd.s32 @!p0 $0xFFFF5700;
	s15 =	sshra.s32 @!p0 s16, $0x2;
	s16 =	simm.s32 @!p0 $0x68  }
0x1f: {  	v1 =	vmov s14;
	[tilespmem:s17], [sflag:$0x2] =	stream.indirect.gather @!p0 [hbm4b:s3+s16], $0x1A0, s15, s16, $0xb8;
	[tilespmem:$0x15F80] =	vst v63  }
0x20: {  	[tilespmem:$0x1FFB0] =	vst v1;
	s15 =	smul.u32 $0x680, s13;
	s16 =	simm.s32 $0x0;
	s17 =	simm.s32 $0xEC0  }
.LBB2_4:
0x21: {  	_ = 	snop  }
0x22: {  	s21 =	sshrl.u32 s15, $0x2  }
0x23: {  	s22 =	sadd.s32 s21, s17  }
0x24: {  	[tilespmem:$0x1FFA0] =	vst v0;
	v0 =	vld [tilespmem:s22+$0x0]  }
0x25: {  	v2 =	vld [tilespmem:s22+$0x190]  }
0x26: {  	v4 =	vld [tilespmem:s22+$0xFFFFFE50]  }
0x27: {  	v6 =	vld [tilespmem:s22+$0xFFFFFFE0]  }
0x28: {  	s22 =	sadd.s32 $0x360, s17  }
0x29: {  	s25 =	sadd.s32 s21, s22  }
0x2a: {  	v1 =	vld [tilespmem:s25+$0x0]  }
0x2b: {  	s23 =	smul.u32 $0x1A, s16;
	v5 =	vld [tilespmem:s25+$0x190];
	v0 =	vmul.f32 v2, v0  }
0x2c: {  	v3 =	vld [tilespmem:s25+$0xFFFFFE50];
	v2 =	vimm.f32 $0.0e+00;
	v8 =	vmul.f32 v6, v4  }
0x2d: {  	s24 =	simm.s32 $0xA;
	s23 =	sadd.s32 s13, s23;
	v7 =	vld [tilespmem:s25+$0xFFFFFFE0];
	v4 =	vadd.f32 v0, v2  }
.LBB2_5:
0x2e: {  	s22 =	sadd.s32 $0x360, s22;
	v2 =	vadd.f32 v8, v2;
	p0 =	sne.s32 s24, $0x1  }
.Ltmp0:
0x2f: {  	s24 =	sadd.s32 $0xFFFFFFFF, s24;
	s25 =	sadd.s32 s21, s22;
	(pc) =	sbr.rel @p0 .LBB2_5-.Ltmp0, $4  }
0x30: {  	v0 =	vmul.f32 v5, v1;
	v1 =	vld [tilespmem:s25+$0x0]  }
0x31: {  	v5 =	vld [tilespmem:s25+$0x190]  }
0x32: {  	v8 =	vmul.f32 v7, v3;
	v3 =	vld [tilespmem:s25+$0xFFFFFE50];
	v4 =	vadd.f32 v0, v4  }
0x33: {  	v7 =	vld [tilespmem:s25+$0xFFFFFFE0]  }
0x34: {  	s22 =	smul.u32 $0x680, s23;
	_ =	sdelay $0x1  }
0x35: {  	v0 =	vmov s21;
	s21 =	sshra.s32 s22, $0x2  }
0x36: {  	v6 =	vld [tilespmem:s21+$0x3590];
	_ =	sdelay $0x4  }
0x37: {  	[tilespmem:$0x1FF80] =	vst v6;
	v6 =	vld [tilespmem:s21+$0x3720];
	_ =	sdelay $0x4  }
0x38: {  	[tilespmem:$0x1FF90] =	vst v6;
	v6 =	vld.idx.msk [tilespmem:v0+s18+$0xFFFFFCE0 ss:$0x1], $0xffff  }
0x39: {  	v1 =	vmul.f32 v5, v1;
	v5 =	vld.idx.msk [tilespmem:v0+s18+$0x0 ss:$0x1], $0xffff  }
0x3a: {  	v8 =	vadd.f32 v8, v2;
	v3 =	vmul.f32 v7, v3;
	v7 =	vld.idx.msk [tilespmem:v0+s18+$0xFFFFFE50 ss:$0x1], $0xffff  }
0x3b: {  	v2 =	vadd.f32 v1, v4;
	v4 =	vld.idx.msk [tilespmem:v0+s18+$0xFFFFFB30 ss:$0x1], $0xffff  }
0x3c: {  	s23 =	sadd.s32 $0x360, s18;
	s22 =	simm.s32 $0xB;
	v3 =	vadd.f32 v3, v8  }
.LBB2_7:
0x3d: {  	v1 =	vmov v6;
	v6 =	vld.idx.msk [tilespmem:v0+s23+$0xFFFFFCE0 ss:$0x1], $0xffff;
	p0 =	sne.s32 s22, $0x1  }
.Ltmp1:
0x3e: {  	s22 =	sadd.s32 $0xFFFFFFFF, s22;
	v1 =	vmul.f32 v5, v1;
	v5 =	vld.idx.msk [tilespmem:v0+s23+$0x0 ss:$0x1], $0xffff;
	(pc) =	sbr.rel @p0 .LBB2_7-.Ltmp1, $3  }
0x3f: {  	v8 =	vmov v7;
	v7 =	vld.idx.msk [tilespmem:v0+s23+$0xFFFFFE50 ss:$0x1], $0xffff  }
0x40: {  	v8 =	vmul.f32 v8, v4;
	v4 =	vld.idx.msk [tilespmem:v0+s23+$0xFFFFFB30 ss:$0x1], $0xffff;
	v2 =	vadd.f32 v1, v2;
	_ =	sdelay $0x1  }
0x41: {  	s23 =	sadd.s32 $0x360, s23;
	v3 =	vadd.f32 v8, v3  }
0x42: {  	_ =	sdelay $0x3  }
0x43: {  	v1 =	vld.idx.msk [tilespmem:v0+s19+$0xFFFFFB50 ss:$0x1], $0xffff  }
0x44: {  	v6 =	vmul.f32 v5, v6;
	v7 =	vmul.f32 v7, v4;
	v4 =	vld.idx.msk [tilespmem:v0+s19+$0x0 ss:$0x1], $0xffff  }
0x45: {  	v5 =	vld.idx.msk [tilespmem:v0+s19+$0xFFFFFE50 ss:$0x1], $0xffff  }
0x46: {  	v2 =	vadd.f32 v6, v2;
	v6 =	vld.idx.msk [tilespmem:v0+s19+$0xFFFFF9A0 ss:$0x1], $0xffff  }
0x47: {  	s22 =	simm.s32 $0xA;
	s23 =	sadd.s32 $0x360, s19;
	v3 =	vadd.f32 v7, v3  }
.LBB2_9:
0x48: {  	v7 =	vmov v1;
	v1 =	vld.idx.msk [tilespmem:v0+s23+$0xFFFFFB50 ss:$0x1], $0xffff;
	p0 =	sne.s32 s22, $0x1  }
.Ltmp2:
0x49: {  	s22 =	sadd.s32 $0xFFFFFFFF, s22;
	v7 =	vmul.f32 v4, v7;
	v4 =	vld.idx.msk [tilespmem:v0+s23+$0x0 ss:$0x1], $0xffff;
	(pc) =	sbr.rel @p0 .LBB2_9-.Ltmp2, $3  }
0x4a: {  	v8 =	vmov v5;
	v5 =	vld.idx.msk [tilespmem:v0+s23+$0xFFFFFE50 ss:$0x1], $0xffff  }
0x4b: {  	v8 =	vmul.f32 v8, v6;
	v6 =	vld.idx.msk [tilespmem:v0+s23+$0xFFFFF9A0 ss:$0x1], $0xffff;
	v2 =	vadd.f32 v7, v2;
	_ =	sdelay $0x1  }
0x4c: {  	s23 =	sadd.s32 $0x360, s23;
	v3 =	vadd.f32 v8, v3  }
0x4d: {  	_ =	sdelay $0x1  }
0x4e: {  	v7 =	vld [tilespmem:s21+$0x3250]  }
0x4f: {  	v54 =	vld [tilespmem:s21+$0x3700]  }
0x50: {  	v61 =	vld.idx.msk [tilespmem:v0+s20+$0xFFFFF9C0 ss:$0x1], $0xffff  }
0x51: {  	v60 =	vld.idx.msk [tilespmem:v0+s20+$0x0 ss:$0x1], $0xffff  }
0x52: {  	v1 =	vmul.f32 v4, v1;
	v58 =	vld.idx.msk [tilespmem:v0+s20+$0xFFFFFE50 ss:$0x1], $0xffff;
	v55 =	vmul.f32 v5, v6  }
0x53: {  	v57 =	vld.idx.msk [tilespmem:v0+s20+$0xFFFFF810 ss:$0x1], $0xffff;
	[tilespmem:$0x1FF60] =	vst v7  }
0x54: {  	s22 =	simm.s32 $0xA;
	s23 =	sadd.s32 $0x360, s20;
	v62 =	vadd.f32 v1, v2;
	v56 =	vadd.f32 v55, v3;
	[tilespmem:$0x1FF70] =	vst v54  }
.LBB2_11:
0x55: {  	v1 =	vmov v61;
	v61 =	vld.idx.msk [tilespmem:v0+s23+$0xFFFFF9C0 ss:$0x1], $0xffff;
	p0 =	sne.s32 s22, $0x1  }
.Ltmp3:
0x56: {  	s22 =	sadd.s32 $0xFFFFFFFF, s22;
	v1 =	vmul.f32 v60, v1;
	v60 =	vld.idx.msk [tilespmem:v0+s23+$0x0 ss:$0x1], $0xffff;
	(pc) =	sbr.rel @p0 .LBB2_11-.Ltmp3, $3  }
0x57: {  	v2 =	vmov v58;
	v58 =	vld.idx.msk [tilespmem:v0+s23+$0xFFFFFE50 ss:$0x1], $0xffff  }
0x58: {  	v2 =	vmul.f32 v2, v57;
	v57 =	vld.idx.msk [tilespmem:v0+s23+$0xFFFFF810 ss:$0x1], $0xffff;
	v62 =	vadd.f32 v1, v62;
	_ =	sdelay $0x1  }
0x59: {  	s23 =	sadd.s32 $0x360, s23;
	v56 =	vadd.f32 v2, v56  }
0x5a: {  	v63 =	vld [tilespmem:s21+$0x1C90];
	_ =	sdelay $0x4  }
0x5b: {  	[tilespmem:$0x1EF10] =	vst v63;
	v63 =	vld [tilespmem:s21+$0x25F0];
	_ =	sdelay $0x4  }
0x5c: {  	[tilespmem:$0x1EF20] =	vst v63;
	v63 =	vld [tilespmem:s21+$0x1E40];
	_ =	sdelay $0x4  }
0x5d: {  	[tilespmem:$0x1EF30] =	vst v63;
	v63 =	vld [tilespmem:s21+$0x27A0];
	_ =	sdelay $0x4  }
0x5e: {  	[tilespmem:$0x1EF40] =	vst v63;
	v63 =	vld [tilespmem:s21+$0x1FF0];
	_ =	sdelay $0x4  }
0x5f: {  	[tilespmem:$0x1EF50] =	vst v63;
	v63 =	vld [tilespmem:s21+$0x2950];
	_ =	sdelay $0x4  }
0x60: {  	[tilespmem:$0x1EF60] =	vst v63;
	v63 =	vld [tilespmem:s21+$0x21A0];
	_ =	sdelay $0x4  }
0x61: {  	[tilespmem:$0x1EF70] =	vst v63;
	v63 =	vld [tilespmem:s21+$0x2B00];
	_ =	sdelay $0x4  }
0x62: {  	[tilespmem:$0x1EF80] =	vst v63;
	v63 =	vld [tilespmem:s21+$0x2350];
	_ =	sdelay $0x4  }
0x63: {  	[tilespmem:$0x1EF90] =	vst v63;
	v63 =	vld [tilespmem:s21+$0x2CB0];
	_ =	sdelay $0x4  }
0x64: {  	[tilespmem:$0x1EFA0] =	vst v63;
	v63 =	vld [tilespmem:s21+$0x2500];
	_ =	sdelay $0x4  }
0x65: {  	[tilespmem:$0x1EFB0] =	vst v63;
	v63 =	vld [tilespmem:s21+$0x2E60];
	_ =	sdelay $0x4  }
0x66: {  	[tilespmem:$0x1EFC0] =	vst v63;
	v63 =	vld [tilespmem:s21+$0x26B0];
	_ =	sdelay $0x4  }
0x67: {  	[tilespmem:$0x1EFD0] =	vst v63;
	v63 =	vld [tilespmem:s21+$0x3010];
	_ =	sdelay $0x4  }
0x68: {  	[tilespmem:$0x1EFE0] =	vst v63;
	v63 =	vld [tilespmem:s21+$0x2860];
	_ =	sdelay $0x4  }
0x69: {  	[tilespmem:$0x1EFF0] =	vst v63;
	v63 =	vld [tilespmem:s21+$0x31C0];
	_ =	sdelay $0x4  }
0x6a: {  	[tilespmem:$0x1F000] =	vst v63;
	v63 =	vld [tilespmem:s21+$0x2A10];
	_ =	sdelay $0x4  }
0x6b: {  	[tilespmem:$0x1F010] =	vst v63;
	v63 =	vld [tilespmem:s21+$0x3370];
	_ =	sdelay $0x4  }
0x6c: {  	[tilespmem:$0x1F020] =	vst v63;
	v63 =	vld [tilespmem:s21+$0x2BC0];
	_ =	sdelay $0x4  }
0x6d: {  	[tilespmem:$0x1F030] =	vst v63;
	v63 =	vld [tilespmem:s21+$0x3520];
	_ =	sdelay $0x4  }
0x6e: {  	[tilespmem:$0x1F040] =	vst v63;
	v63 =	vld [tilespmem:s21+$0x2D70];
	_ =	sdelay $0x4  }
0x6f: {  	[tilespmem:$0x1F050] =	vst v63;
	v63 =	vld [tilespmem:s21+$0x36D0];
	_ =	sdelay $0x4  }
0x70: {  	[tilespmem:$0x1F060] =	vst v63;
	v63 =	vld [tilespmem:s21+$0xD70];
	_ =	sdelay $0x4  }
0x71: {  	[tilespmem:$0x1F070] =	vst v63;
	v63 =	vld [tilespmem:s21+$0x1860];
	_ =	sdelay $0x4  }
0x72: {  	[tilespmem:$0x1F080] =	vst v63;
	v63 =	vld [tilespmem:s21+$0xF20];
	_ =	sdelay $0x4  }
0x73: {  	[tilespmem:$0x1F090] =	vst v63;
	v63 =	vld [tilespmem:s21+$0x1A10];
	_ =	sdelay $0x4  }
0x74: {  	[tilespmem:$0x1F0A0] =	vst v63;
	v63 =	vld [tilespmem:s21+$0x10D0];
	_ =	sdelay $0x4  }
0x75: {  	[tilespmem:$0x1F0B0] =	vst v63;
	v63 =	vld [tilespmem:s21+$0x1BC0];
	_ =	sdelay $0x4  }
0x76: {  	[tilespmem:$0x1F0C0] =	vst v63;
	v63 =	vld [tilespmem:s21+$0x1280];
	_ =	sdelay $0x4  }
0x77: {  	[tilespmem:$0x1F0D0] =	vst v63;
	v63 =	vld [tilespmem:s21+$0x1D70];
	_ =	sdelay $0x4  }
0x78: {  	[tilespmem:$0x1F0E0] =	vst v63;
	v63 =	vld [tilespmem:s21+$0x1430];
	_ =	sdelay $0x4  }
0x79: {  	[tilespmem:$0x1F0F0] =	vst v63;
	v63 =	vld [tilespmem:s21+$0x1F20];
	_ =	sdelay $0x4  }
0x7a: {  	[tilespmem:$0x1F100] =	vst v63;
	v63 =	vld [tilespmem:s21+$0x15E0];
	_ =	sdelay $0x4  }
0x7b: {  	[tilespmem:$0x1F110] =	vst v63;
	v63 =	vld [tilespmem:s21+$0x20D0];
	_ =	sdelay $0x4  }
0x7c: {  	[tilespmem:$0x1F120] =	vst v63;
	v63 =	vld [tilespmem:s21+$0x1790];
	_ =	sdelay $0x4  }
0x7d: {  	[tilespmem:$0x1F130] =	vst v63;
	v63 =	vld [tilespmem:s21+$0x2280];
	_ =	sdelay $0x4  }
0x7e: {  	[tilespmem:$0x1F140] =	vst v63;
	v63 =	vld [tilespmem:s21+$0x1940];
	_ =	sdelay $0x4  }
0x7f: {  	[tilespmem:$0x1F150] =	vst v63;
	v63 =	vld [tilespmem:s21+$0x2430];
	_ =	sdelay $0x4  }
0x80: {  	[tilespmem:$0x1F160] =	vst v63;
	v63 =	vld [tilespmem:s21+$0x1AF0];
	_ =	sdelay $0x4  }
0x81: {  	[tilespmem:$0x1F170] =	vst v63;
	v63 =	vld [tilespmem:s21+$0x25E0];
	_ =	sdelay $0x4  }
0x82: {  	[tilespmem:$0x1F180] =	vst v63;
	v63 =	vld [tilespmem:s21+$0x1CA0];
	_ =	sdelay $0x4  }
0x83: {  	[tilespmem:$0x1F190] =	vst v63;
	v63 =	vld [tilespmem:s21+$0x2790];
	_ =	sdelay $0x4  }
0x84: {  	[tilespmem:$0x1F1A0] =	vst v63;
	v63 =	vld [tilespmem:s21+$0x1E50];
	_ =	sdelay $0x4  }
0x85: {  	[tilespmem:$0x1F1B0] =	vst v63;
	v63 =	vld [tilespmem:s21+$0x2940];
	_ =	sdelay $0x4  }
0x86: {  	[tilespmem:$0x1F1C0] =	vst v63;
	v63 =	vld [tilespmem:s21+$0x2000];
	_ =	sdelay $0x4  }
0x87: {  	[tilespmem:$0x1F1D0] =	vst v63;
	v63 =	vld [tilespmem:s21+$0x2AF0];
	_ =	sdelay $0x4  }
0x88: {  	[tilespmem:$0x1F1E0] =	vst v63;
	v63 =	vld [tilespmem:s21+$0x21B0];
	_ =	sdelay $0x4  }
0x89: {  	[tilespmem:$0x1F1F0] =	vst v63;
	v63 =	vld [tilespmem:s21+$0x2CA0];
	_ =	sdelay $0x4  }
0x8a: {  	[tilespmem:$0x1F200] =	vst v63;
	v63 =	vld [tilespmem:s21+$0x2360];
	_ =	sdelay $0x4  }
0x8b: {  	[tilespmem:$0x1F210] =	vst v63;
	v63 =	vld [tilespmem:s21+$0x2E50];
	_ =	sdelay $0x4  }
0x8c: {  	[tilespmem:$0x1F220] =	vst v63;
	v63 =	vld [tilespmem:s21+$0x2510];
	_ =	sdelay $0x4  }
0x8d: {  	[tilespmem:$0x1F230] =	vst v63;
	v63 =	vld [tilespmem:s21+$0x3000];
	_ =	sdelay $0x4  }
0x8e: {  	[tilespmem:$0x1F240] =	vst v63;
	v63 =	vld [tilespmem:s21+$0x26C0];
	_ =	sdelay $0x4  }
0x8f: {  	[tilespmem:$0x1F250] =	vst v63;
	v63 =	vld [tilespmem:s21+$0x31B0];
	_ =	sdelay $0x4  }
0x90: {  	[tilespmem:$0x1F260] =	vst v63;
	v63 =	vld [tilespmem:s21+$0x2870];
	_ =	sdelay $0x4  }
0x91: {  	[tilespmem:$0x1F270] =	vst v63;
	v63 =	vld [tilespmem:s21+$0x3360];
	_ =	sdelay $0x4  }
0x92: {  	[tilespmem:$0x1F280] =	vst v63;
	v63 =	vld [tilespmem:s21+$0x2A20];
	_ =	sdelay $0x4  }
0x93: {  	[tilespmem:$0x1F290] =	vst v63;
	v63 =	vld [tilespmem:s21+$0x3510];
	_ =	sdelay $0x4  }
0x94: {  	[tilespmem:$0x1F2A0] =	vst v63;
	v63 =	vld [tilespmem:s21+$0x2BD0];
	_ =	sdelay $0x4  }
0x95: {  	[tilespmem:$0x1FEB0] =	vst v63;
	v63 =	vld [tilespmem:s21+$0x36C0];
	_ =	sdelay $0x4  }
0x96: {  	[tilespmem:$0x1FEC0] =	vst v63;
	v63 =	vld [tilespmem:s21+$0xD80];
	_ =	sdelay $0x4  }
0x97: {  	[tilespmem:$0x1F2B0] =	vst v63;
	v63 =	vld [tilespmem:s21+$0x1A00];
	_ =	sdelay $0x4  }
0x98: {  	[tilespmem:$0x1F2C0] =	vst v63;
	v63 =	vld [tilespmem:s21+$0xF30];
	_ =	sdelay $0x4  }
0x99: {  	[tilespmem:$0x1F2D0] =	vst v63;
	v63 =	vld [tilespmem:s21+$0x1BB0];
	_ =	sdelay $0x4  }
0x9a: {  	[tilespmem:$0x1F2E0] =	vst v63;
	v63 =	vld [tilespmem:s21+$0x10E0];
	_ =	sdelay $0x4  }
0x9b: {  	[tilespmem:$0x1F2F0] =	vst v63;
	v63 =	vld [tilespmem:s21+$0x1D60];
	_ =	sdelay $0x4  }
0x9c: {  	[tilespmem:$0x1F300] =	vst v63;
	v63 =	vld [tilespmem:s21+$0x1290];
	_ =	sdelay $0x4  }
0x9d: {  	[tilespmem:$0x1F310] =	vst v63;
	v63 =	vld [tilespmem:s21+$0x1F10];
	_ =	sdelay $0x4  }
0x9e: {  	[tilespmem:$0x1F320] =	vst v63;
	v63 =	vld [tilespmem:s21+$0x1440];
	_ =	sdelay $0x4  }
0x9f: {  	[tilespmem:$0x1F330] =	vst v63;
	v63 =	vld [tilespmem:s21+$0x20C0];
	_ =	sdelay $0x4  }
0xa0: {  	[tilespmem:$0x1F340] =	vst v63;
	v63 =	vld [tilespmem:s21+$0x15F0];
	_ =	sdelay $0x4  }
0xa1: {  	[tilespmem:$0x1F350] =	vst v63;
	v63 =	vld [tilespmem:s21+$0x2270];
	_ =	sdelay $0x4  }
0xa2: {  	[tilespmem:$0x1F360] =	vst v63;
	v63 =	vld [tilespmem:s21+$0x17A0];
	_ =	sdelay $0x4  }
0xa3: {  	[tilespmem:$0x1F370] =	vst v63;
	v63 =	vld [tilespmem:s21+$0x2420];
	_ =	sdelay $0x4  }
0xa4: {  	[tilespmem:$0x1F380] =	vst v63;
	v63 =	vld [tilespmem:s21+$0x1950];
	_ =	sdelay $0x4  }
0xa5: {  	[tilespmem:$0x1F390] =	vst v63;
	v63 =	vld [tilespmem:s21+$0x25D0];
	_ =	sdelay $0x4  }
0xa6: {  	[tilespmem:$0x1F3A0] =	vst v63;
	v63 =	vld [tilespmem:s21+$0x1B00];
	_ =	sdelay $0x4  }
0xa7: {  	[tilespmem:$0x1F3B0] =	vst v63;
	v63 =	vld [tilespmem:s21+$0x2780];
	_ =	sdelay $0x4  }
0xa8: {  	[tilespmem:$0x1F3C0] =	vst v63;
	v63 =	vld [tilespmem:s21+$0x1CB0];
	_ =	sdelay $0x4  }
0xa9: {  	[tilespmem:$0x1F3D0] =	vst v63;
	v63 =	vld [tilespmem:s21+$0x2930];
	_ =	sdelay $0x4  }
0xaa: {  	[tilespmem:$0x1F3E0] =	vst v63;
	v63 =	vld [tilespmem:s21+$0x1E60];
	_ =	sdelay $0x4  }
0xab: {  	[tilespmem:$0x1F3F0] =	vst v63;
	v63 =	vld [tilespmem:s21+$0x2AE0];
	_ =	sdelay $0x4  }
0xac: {  	[tilespmem:$0x1F400] =	vst v63;
	v63 =	vld [tilespmem:s21+$0x2010];
	_ =	sdelay $0x4  }
0xad: {  	[tilespmem:$0x1F410] =	vst v63;
	v63 =	vld [tilespmem:s21+$0x2C90];
	_ =	sdelay $0x4  }
0xae: {  	[tilespmem:$0x1F420] =	vst v63;
	v63 =	vld [tilespmem:s21+$0x21C0];
	_ =	sdelay $0x4  }
0xaf: {  	[tilespmem:$0x1F430] =	vst v63;
	v63 =	vld [tilespmem:s21+$0x2E40];
	_ =	sdelay $0x4  }
0xb0: {  	[tilespmem:$0x1F440] =	vst v63;
	v63 =	vld [tilespmem:s21+$0x2370];
	_ =	sdelay $0x4  }
0xb1: {  	[tilespmem:$0x1F450] =	vst v63;
	v63 =	vld [tilespmem:s21+$0x2FF0];
	_ =	sdelay $0x4  }
0xb2: {  	[tilespmem:$0x1F460] =	vst v63;
	v63 =	vld [tilespmem:s21+$0x2520];
	_ =	sdelay $0x4  }
0xb3: {  	[tilespmem:$0x1F470] =	vst v63;
	v63 =	vld [tilespmem:s21+$0x31A0];
	_ =	sdelay $0x4  }
0xb4: {  	[tilespmem:$0x1F480] =	vst v63;
	v63 =	vld [tilespmem:s21+$0x26D0];
	_ =	sdelay $0x4  }
0xb5: {  	[tilespmem:$0x1F490] =	vst v63;
	v63 =	vld [tilespmem:s21+$0x3350];
	_ =	sdelay $0x4  }
0xb6: {  	[tilespmem:$0x1F4A0] =	vst v63;
	v63 =	vld [tilespmem:s21+$0x2880];
	_ =	sdelay $0x4  }
0xb7: {  	[tilespmem:$0x1F4B0] =	vst v63;
	v63 =	vld [tilespmem:s21+$0x3500];
	_ =	sdelay $0x4  }
0xb8: {  	[tilespmem:$0x1F4C0] =	vst v63;
	v63 =	vld [tilespmem:s21+$0x2A30];
	_ =	sdelay $0x4  }
0xb9: {  	[tilespmem:$0x1F4D0] =	vst v63;
	v63 =	vld [tilespmem:s21+$0x36B0];
	_ =	sdelay $0x4  }
0xba: {  	[tilespmem:$0x1F4E0] =	vst v63;
	v63 =	vld [tilespmem:s21+$0xD90];
	_ =	sdelay $0x4  }
0xbb: {  	[tilespmem:$0x1F4F0] =	vst v63;
	v63 =	vld [tilespmem:s21+$0x1BA0];
	_ =	sdelay $0x4  }
0xbc: {  	[tilespmem:$0x1F500] =	vst v63;
	v63 =	vld [tilespmem:s21+$0xF40];
	_ =	sdelay $0x4  }
0xbd: {  	[tilespmem:$0x1F510] =	vst v63;
	v63 =	vld [tilespmem:s21+$0x1D50];
	_ =	sdelay $0x4  }
0xbe: {  	[tilespmem:$0x1F520] =	vst v63;
	v63 =	vld [tilespmem:s21+$0x10F0];
	_ =	sdelay $0x4  }
0xbf: {  	[tilespmem:$0x1F530] =	vst v63;
	v63 =	vld [tilespmem:s21+$0x1F00];
	_ =	sdelay $0x4  }
0xc0: {  	[tilespmem:$0x1F540] =	vst v63;
	v63 =	vld [tilespmem:s21+$0x12A0];
	_ =	sdelay $0x4  }
0xc1: {  	[tilespmem:$0x1F550] =	vst v63;
	v63 =	vld [tilespmem:s21+$0x20B0];
	_ =	sdelay $0x4  }
0xc2: {  	[tilespmem:$0x1F560] =	vst v63;
	v63 =	vld [tilespmem:s21+$0x1450];
	_ =	sdelay $0x4  }
0xc3: {  	[tilespmem:$0x1F570] =	vst v63;
	v63 =	vld [tilespmem:s21+$0x2260];
	_ =	sdelay $0x4  }
0xc4: {  	[tilespmem:$0x1F580] =	vst v63;
	v63 =	vld [tilespmem:s21+$0x1600];
	_ =	sdelay $0x4  }
0xc5: {  	[tilespmem:$0x1F590] =	vst v63;
	v63 =	vld [tilespmem:s21+$0x2410];
	_ =	sdelay $0x4  }
0xc6: {  	[tilespmem:$0x1F5A0] =	vst v63;
	v63 =	vld [tilespmem:s21+$0x17B0];
	_ =	sdelay $0x4  }
0xc7: {  	[tilespmem:$0x1F5B0] =	vst v63;
	v63 =	vld [tilespmem:s21+$0x25C0];
	_ =	sdelay $0x4  }
0xc8: {  	[tilespmem:$0x1F5C0] =	vst v63;
	v63 =	vld [tilespmem:s21+$0x1960];
	_ =	sdelay $0x4  }
0xc9: {  	[tilespmem:$0x1F5D0] =	vst v63;
	v63 =	vld [tilespmem:s21+$0x2770];
	_ =	sdelay $0x4  }
0xca: {  	[tilespmem:$0x1F5E0] =	vst v63;
	v63 =	vld [tilespmem:s21+$0x1B10];
	_ =	sdelay $0x4  }
0xcb: {  	[tilespmem:$0x1F5F0] =	vst v63;
	v63 =	vld [tilespmem:s21+$0x2920];
	_ =	sdelay $0x4  }
0xcc: {  	[tilespmem:$0x1F600] =	vst v63;
	v63 =	vld [tilespmem:s21+$0x1CC0];
	_ =	sdelay $0x4  }
0xcd: {  	[tilespmem:$0x1F610] =	vst v63;
	v63 =	vld [tilespmem:s21+$0x2AD0];
	_ =	sdelay $0x4  }
0xce: {  	[tilespmem:$0x1F620] =	vst v63;
	v63 =	vld [tilespmem:s21+$0x1E70];
	_ =	sdelay $0x4  }
0xcf: {  	[tilespmem:$0x1F630] =	vst v63;
	v63 =	vld [tilespmem:s21+$0x2C80];
	_ =	sdelay $0x4  }
0xd0: {  	[tilespmem:$0x1F640] =	vst v63;
	v63 =	vld [tilespmem:s21+$0x2020];
	_ =	sdelay $0x4  }
0xd1: {  	[tilespmem:$0x1F650] =	vst v63;
	v63 =	vld [tilespmem:s21+$0x2E30];
	_ =	sdelay $0x4  }
0xd2: {  	[tilespmem:$0x1F660] =	vst v63;
	v63 =	vld [tilespmem:s21+$0x21D0];
	_ =	sdelay $0x4  }
0xd3: {  	[tilespmem:$0x1F670] =	vst v63;
	v63 =	vld [tilespmem:s21+$0x2FE0];
	_ =	sdelay $0x4  }
0xd4: {  	[tilespmem:$0x1F680] =	vst v63;
	v63 =	vld [tilespmem:s21+$0x2380];
	_ =	sdelay $0x4  }
0xd5: {  	[tilespmem:$0x1F690] =	vst v63;
	v63 =	vld [tilespmem:s21+$0x3190];
	_ =	sdelay $0x4  }
0xd6: {  	[tilespmem:$0x1F6A0] =	vst v63;
	v63 =	vld [tilespmem:s21+$0x2530];
	_ =	sdelay $0x4  }
0xd7: {  	[tilespmem:$0x1F6B0] =	vst v63;
	v63 =	vld [tilespmem:s21+$0x3340];
	_ =	sdelay $0x4  }
0xd8: {  	[tilespmem:$0x1F6C0] =	vst v63;
	v63 =	vld [tilespmem:s21+$0x26E0];
	_ =	sdelay $0x4  }
0xd9: {  	[tilespmem:$0x1F6D0] =	vst v63;
	v63 =	vld [tilespmem:s21+$0x34F0];
	_ =	sdelay $0x4  }
0xda: {  	[tilespmem:$0x1F6E0] =	vst v63;
	v63 =	vld [tilespmem:s21+$0x2890];
	_ =	sdelay $0x4  }
0xdb: {  	[tilespmem:$0x1FED0] =	vst v63;
	v63 =	vld [tilespmem:s21+$0x36A0];
	_ =	sdelay $0x4  }
0xdc: {  	[tilespmem:$0x1FEE0] =	vst v63;
	v63 =	vld [tilespmem:s21+$0xDA0];
	_ =	sdelay $0x4  }
0xdd: {  	[tilespmem:$0x1F6F0] =	vst v63;
	v63 =	vld [tilespmem:s21+$0x1D40];
	_ =	sdelay $0x4  }
0xde: {  	[tilespmem:$0x1F700] =	vst v63;
	v63 =	vld [tilespmem:s21+$0xF50];
	_ =	sdelay $0x4  }
0xdf: {  	[tilespmem:$0x1F710] =	vst v63;
	v63 =	vld [tilespmem:s21+$0x1EF0];
	_ =	sdelay $0x4  }
0xe0: {  	[tilespmem:$0x1F720] =	vst v63;
	v63 =	vld [tilespmem:s21+$0x1100];
	_ =	sdelay $0x4  }
0xe1: {  	[tilespmem:$0x1F730] =	vst v63;
	v63 =	vld [tilespmem:s21+$0x20A0];
	_ =	sdelay $0x4  }
0xe2: {  	[tilespmem:$0x1F740] =	vst v63;
	v63 =	vld [tilespmem:s21+$0x12B0];
	_ =	sdelay $0x4  }
0xe3: {  	[tilespmem:$0x1F750] =	vst v63;
	v63 =	vld [tilespmem:s21+$0x2250];
	_ =	sdelay $0x4  }
0xe4: {  	[tilespmem:$0x1F760] =	vst v63;
	v63 =	vld [tilespmem:s21+$0x1460];
	_ =	sdelay $0x4  }
0xe5: {  	[tilespmem:$0x1F770] =	vst v63;
	v63 =	vld [tilespmem:s21+$0x2400];
	_ =	sdelay $0x4  }
0xe6: {  	[tilespmem:$0x1F780] =	vst v63;
	v63 =	vld [tilespmem:s21+$0x1610];
	_ =	sdelay $0x4  }
0xe7: {  	[tilespmem:$0x1F790] =	vst v63;
	v63 =	vld [tilespmem:s21+$0x25B0];
	_ =	sdelay $0x4  }
0xe8: {  	[tilespmem:$0x1F7A0] =	vst v63;
	v63 =	vld [tilespmem:s21+$0x17C0];
	_ =	sdelay $0x4  }
0xe9: {  	[tilespmem:$0x1F7B0] =	vst v63;
	v63 =	vld [tilespmem:s21+$0x2760];
	_ =	sdelay $0x4  }
0xea: {  	[tilespmem:$0x1F7C0] =	vst v63;
	v63 =	vld [tilespmem:s21+$0x1970];
	_ =	sdelay $0x4  }
0xeb: {  	[tilespmem:$0x1F7D0] =	vst v63;
	v63 =	vld [tilespmem:s21+$0x2910];
	_ =	sdelay $0x4  }
0xec: {  	[tilespmem:$0x1F7E0] =	vst v63;
	v63 =	vld [tilespmem:s21+$0x1B20];
	_ =	sdelay $0x4  }
0xed: {  	[tilespmem:$0x1F7F0] =	vst v63;
	v63 =	vld [tilespmem:s21+$0x2AC0];
	_ =	sdelay $0x4  }
0xee: {  	[tilespmem:$0x1F800] =	vst v63;
	v63 =	vld [tilespmem:s21+$0x1CD0];
	_ =	sdelay $0x4  }
0xef: {  	[tilespmem:$0x1F810] =	vst v63;
	v63 =	vld [tilespmem:s21+$0x2C70];
	_ =	sdelay $0x4  }
0xf0: {  	[tilespmem:$0x1F820] =	vst v63;
	v63 =	vld [tilespmem:s21+$0x1E80];
	_ =	sdelay $0x4  }
0xf1: {  	[tilespmem:$0x1F830] =	vst v63;
	v63 =	vld [tilespmem:s21+$0x2E20];
	_ =	sdelay $0x4  }
0xf2: {  	[tilespmem:$0x1F840] =	vst v63;
	v63 =	vld [tilespmem:s21+$0x2030];
	_ =	sdelay $0x4  }
0xf3: {  	[tilespmem:$0x1F850] =	vst v63;
	v63 =	vld [tilespmem:s21+$0x2FD0];
	_ =	sdelay $0x4  }
0xf4: {  	[tilespmem:$0x1F860] =	vst v63;
	v63 =	vld [tilespmem:s21+$0x21E0];
	_ =	sdelay $0x3  }
0xf5: {  	v2 =	vld [tilespmem:s21+$0xD50]  }
0xf6: {  	[tilespmem:$0x1F870] =	vst v63;
	v63 =	vld [tilespmem:s21+$0x3180]  }
0xf7: {  	v0 =	vld [tilespmem:s21+$0x1520]  }
0xf8: {  	v4 =	vld [tilespmem:s21+$0xF00]  }
0xf9: {  	v1 =	vld [tilespmem:s21+$0x16D0]  }
0xfa: {  	v6 =	vld [tilespmem:s21+$0x10B0]  }
0xfb: {  	[tilespmem:$0x1F880] =	vst v63;
	v63 =	vld [tilespmem:s21+$0x2390]  }
0xfc: {  	v3 =	vld [tilespmem:s21+$0x1880]  }
0xfd: {  	v8 =	vld [tilespmem:s21+$0x1260]  }
0xfe: {  	v5 =	vld [tilespmem:s21+$0x1A30]  }
0xff: {  	v10 =	vld [tilespmem:s21+$0x1410]  }
0x100: {  	[tilespmem:$0x1F890] =	vst v63;
	v63 =	vld [tilespmem:s21+$0x3330]  }
0x101: {  	v7 =	vld [tilespmem:s21+$0x1BE0]  }
0x102: {  	v12 =	vld [tilespmem:s21+$0x15C0]  }
0x103: {  	v9 =	vld [tilespmem:s21+$0x1D90]  }
0x104: {  	v14 =	vld [tilespmem:s21+$0x1770]  }
0x105: {  	[tilespmem:$0x1F8A0] =	vst v63;
	v63 =	vld [tilespmem:s21+$0x2540]  }
0x106: {  	v11 =	vld [tilespmem:s21+$0x1F40]  }
0x107: {  	v16 =	vld [tilespmem:s21+$0x1920]  }
0x108: {  	v13 =	vld [tilespmem:s21+$0x20F0]  }
0x109: {  	v18 =	vld [tilespmem:s21+$0x1AD0]  }
0x10a: {  	[tilespmem:$0x1F8B0] =	vst v63;
	v63 =	vld [tilespmem:s21+$0x34E0]  }
0x10b: {  	v15 =	vld [tilespmem:s21+$0x22A0]  }
0x10c: {  	v20 =	vld [tilespmem:s21+$0x1C80]  }
0x10d: {  	v17 =	vld [tilespmem:s21+$0x2450]  }
0x10e: {  	v22 =	vld [tilespmem:s21+$0x1E30]  }
0x10f: {  	[tilespmem:$0x1F8C0] =	vst v63;
	v63 =	vld [tilespmem:s21+$0x26F0]  }
0x110: {  	v19 =	vld [tilespmem:s21+$0x2600]  }
0x111: {  	v24 =	vld [tilespmem:s21+$0x1FE0]  }
0x112: {  	v21 =	vld [tilespmem:s21+$0x27B0]  }
0x113: {  	v26 =	vld [tilespmem:s21+$0x2190]  }
0x114: {  	[tilespmem:$0x1F8D0] =	vst v63;
	v63 =	vld [tilespmem:s21+$0x3690]  }
0x115: {  	v23 =	vld [tilespmem:s21+$0x2960]  }
0x116: {  	v28 =	vld [tilespmem:s21+$0x2340]  }
0x117: {  	v25 =	vld [tilespmem:s21+$0x2B10]  }
0x118: {  	v30 =	vld [tilespmem:s21+$0x24F0]  }
0x119: {  	[tilespmem:$0x1F8E0] =	vst v63;
	v63 =	vld [tilespmem:s21+$0xDB0]  }
0x11a: {  	v27 =	vld [tilespmem:s21+$0x2CC0]  }
0x11b: {  	v32 =	vld [tilespmem:s21+$0x26A0]  }
0x11c: {  	v29 =	vld [tilespmem:s21+$0x2E70]  }
0x11d: {  	v34 =	vld [tilespmem:s21+$0x2850]  }
0x11e: {  	[tilespmem:$0x1F8F0] =	vst v63;
	v63 =	vld [tilespmem:s21+$0x1EE0]  }
0x11f: {  	v31 =	vld [tilespmem:s21+$0x3020]  }
0x120: {  	v36 =	vld [tilespmem:s21+$0x2A00]  }
0x121: {  	v33 =	vld [tilespmem:s21+$0x31D0]  }
0x122: {  	v40 =	vld [tilespmem:s21+$0x2BB0]  }
0x123: {  	[tilespmem:$0x1F900] =	vst v63;
	v63 =	vld [tilespmem:s21+$0xF60]  }
0x124: {  	v37 =	vld [tilespmem:s21+$0x3380]  }
0x125: {  	v42 =	vld [tilespmem:s21+$0x2D60]  }
0x126: {  	v41 =	vld [tilespmem:s21+$0x3530]  }
0x127: {  	v35 =	vld [tilespmem:s21+$0x2F10]  }
0x128: {  	[tilespmem:$0x1F910] =	vst v63;
	v63 =	vld [tilespmem:s21+$0x2090]  }
0x129: {  	v59 =	vld [tilespmem:s21+$0x36E0]  }
0x12a: {  	v38 =	vld [tilespmem:s21+$0xD60]  }
0x12b: {  	v43 =	vld [tilespmem:s21+$0xF10]  }
0x12c: {  	v39 =	vld [tilespmem:s21+$0x1870]  }
0x12d: {  	[tilespmem:$0x1F920] =	vst v63;
	v63 =	vld [tilespmem:s21+$0x1110]  }
0x12e: {  	v46 =	vld [tilespmem:s21+$0x10C0]  }
0x12f: {  	v44 =	vld [tilespmem:s21+$0x1A20]  }
0x130: {  	v48 =	vld [tilespmem:s21+$0x1270]  }
0x131: {  	v45 =	vld [tilespmem:s21+$0x1BD0]  }
0x132: {  	[tilespmem:$0x1F930] =	vst v63;
	v63 =	vld [tilespmem:s21+$0x2240]  }
0x133: {  	v50 =	vld [tilespmem:s21+$0x1420]  }
0x134: {  	v47 =	vld [tilespmem:s21+$0x1D80]  }
0x135: {  	v52 =	vld [tilespmem:s21+$0x15D0]  }
0x136: {  	v49 =	vld [tilespmem:s21+$0x1F30]  }
0x137: {  	[tilespmem:$0x1F940] =	vst v63;
	v63 =	vld [tilespmem:s21+$0x12C0]  }
0x138: {  	v54 =	vld [tilespmem:s21+$0x1780]  }
0x139: {  	v51 =	vld [tilespmem:s21+$0x20E0]  }
0x13a: {  	v53 =	vld [tilespmem:s21+$0x2290]  }
0x13b: {  	v55 =	vld [tilespmem:s21+$0x1AE0]  }
0x13c: {  	[tilespmem:$0x1F950] =	vst v63;
	v63 =	vld [tilespmem:s21+$0x23F0]  }
0x13d: {  	v57 =	vmul.f32 v58, v57;
	v58 =	vmul.f32 v60, v61;
	v60 =	vld [tilespmem:s21+$0x1E90]  }
0x13e: {  	[tilespmem:$0x1FE90] =	vst v35;
	v35 =	vld [tilespmem:s21+$0x16C0]  }
0x13f: {  	[tilespmem:$0x1FEA0] =	vst v59;
	v59 =	vld [tilespmem:s21+$0x1930]  }
0x140: {  	v56 =	vadd.f32 v57, v56;
	[tilespmem:$0x1EF00] =	vst v55;
	v55 =	vld [tilespmem:s21+$0x2440];
	v0 =	vmul.f32 v0, v2  }
0x141: {  	[tilespmem:$0x1F960] =	vst v63;
	v63 =	vld [tilespmem:s21+$0x1470]  }
0x142: {  	v2 =	vld [tilespmem:s21+$0x2FC0];
	v3 =	vmul.f32 v3, v6;
	v0 =	vadd.f32 v0, v56  }
0x143: {  	v6 =	vld [tilespmem:s21+$0x3170]  }
0x144: {  	v0 =	vadd.f32 v3, v0;
	v3 =	vmul.f32 v7, v10;
	v7 =	vld [tilespmem:s21+$0x3320]  }
0x145: {  	v10 =	vld [tilespmem:s21+$0xDC0]  }
0x146: {  	[tilespmem:$0x1F970] =	vst v63;
	v63 =	vld [tilespmem:s21+$0x25A0]  }
0x147: {  	v1 =	vmul.f32 v1, v4;
	[tilespmem:$0x1FA40] =	vst v2;
	v2 =	vadd.f32 v58, v62;
	v62 =	vld [tilespmem:s21+$0x3670]  }
0x148: {  	v0 =	vadd.f32 v3, v0;
	v3 =	vmul.f32 v11, v14;
	v11 =	vld [tilespmem:s21+$0x2080]  }
0x149: {  	v14 =	vld [tilespmem:s21+$0x1120];
	v1 =	vadd.f32 v1, v2;
	v2 =	vmul.f32 v5, v8  }
0x14a: {  	v5 =	vld [tilespmem:s21+$0x21F0]  }
0x14b: {  	v1 =	vadd.f32 v2, v1;
	v2 =	vmul.f32 v9, v12;
	[tilespmem:$0x1F980] =	vst v63;
	v63 =	vld [tilespmem:s21+$0x1620]  }
0x14c: {  	v8 =	vld [tilespmem:s21+$0x23A0];
	v0 =	vadd.f32 v3, v0;
	v3 =	vmul.f32 v15, v18  }
0x14d: {  	v18 =	vld [tilespmem:s21+$0x3680];
	v1 =	vadd.f32 v2, v1;
	v2 =	vmul.f32 v13, v16  }
0x14e: {  	v15 =	vld [tilespmem:s21+$0x23E0];
	v0 =	vadd.f32 v3, v0;
	v3 =	vmul.f32 v19, v22  }
0x14f: {  	v9 =	vld [tilespmem:s21+$0x34D0];
	v1 =	vadd.f32 v2, v1;
	v2 =	vmul.f32 v17, v20  }
0x150: {  	v0 =	vadd.f32 v3, v0;
	v3 =	vmul.f32 v23, v26;
	[tilespmem:$0x1F990] =	vst v63;
	v63 =	vld [tilespmem:s21+$0x2750]  }
0x151: {  	v12 =	vld [tilespmem:s21+$0xF70];
	v1 =	vadd.f32 v2, v1;
	v2 =	vmul.f32 v21, v24  }
0x152: {  	v19 =	vld [tilespmem:s21+$0x2740];
	v0 =	vadd.f32 v3, v0;
	v3 =	vmul.f32 v27, v30  }
0x153: {  	v22 =	vld [tilespmem:s21+$0x17E0];
	v1 =	vadd.f32 v2, v1;
	v2 =	vmul.f32 v25, v28  }
0x154: {  	v16 =	vld [tilespmem:s21+$0x2550];
	v0 =	vadd.f32 v3, v0;
	v3 =	vmul.f32 v31, v34  }
0x155: {  	v1 =	vadd.f32 v2, v1;
	v2 =	vmul.f32 v29, v32;
	[tilespmem:$0x1F9A0] =	vst v63;
	v63 =	vld [tilespmem:s21+$0x17D0]  }
0x156: {  	v13 =	vld [tilespmem:s21+$0x2230];
	v0 =	vadd.f32 v3, v0;
	v3 =	vmul.f32 v37, v40  }
0x157: {  	v23 =	vld [tilespmem:s21+$0x2AA0];
	v1 =	vadd.f32 v2, v1;
	v2 =	vmul.f32 v33, v36  }
0x158: {  	v26 =	vld [tilespmem:s21+$0x1B40];
	v0 =	vadd.f32 v3, v0;
	v3 =	vmul.f32 v35, v38  }
0x159: {  	v17 =	vld [tilespmem:s21+$0x2590];
	v1 =	vadd.f32 v2, v1;
	v2 =	vmul.f32 v41, v42  }
0x15a: {  	v0 =	vadd.f32 v3, v0;
	v3 =	vmul.f32 v44, v46;
	[tilespmem:$0x1F9B0] =	vst v63;
	v63 =	vld [tilespmem:s21+$0x2900]  }
0x15b: {  	[tilespmem:$0x1FF00] =	vst v18;
	v18 =	vld [tilespmem:s21+$0x1480];
	v1 =	vadd.f32 v2, v1;
	v2 =	vmul.f32 v39, v43  }
0x15c: {  	v20 =	vld [tilespmem:s21+$0x1630];
	v0 =	vadd.f32 v3, v0;
	v3 =	vmul.f32 v47, v50  }
0x15d: {  	v27 =	vld [tilespmem:s21+$0x2E00];
	v1 =	vadd.f32 v2, v1;
	v2 =	vmul.f32 v45, v48  }
0x15e: {  	v30 =	vld [tilespmem:s21+$0x1EA0];
	v0 =	vadd.f32 v3, v0  }
0x15f: {  	v3 =	vmul.f32 v51, v54;
	v1 =	vadd.f32 v2, v1;
	v2 =	vmul.f32 v49, v52;
	[tilespmem:$0x1F9C0] =	vst v63;
	v63 =	vld [tilespmem:s21+$0x1980]  }
0x160: {  	v21 =	vld [tilespmem:s21+$0x28F0]  }
0x161: {  	v0 =	vadd.f32 v3, v0;
	v3 =	vld [tilespmem:$0x1EF00];
	v1 =	vadd.f32 v2, v1;
	v2 =	vmul.f32 v53, v59  }
0x162: {  	v54 =	vld [tilespmem:$0x1EF20]  }
0x163: {  	v1 =	vadd.f32 v2, v1;
	v2 =	vld [tilespmem:$0x1EF10]  }
0x164: {  	[tilespmem:$0x1F9D0] =	vst v63;
	v63 =	vld [tilespmem:s21+$0x2AB0]  }
0x165: {  	v24 =	vld [tilespmem:s21+$0x1990]  }
0x166: {  	[tilespmem:$0x1FEF0] =	vst v16;
	v16 =	vld [tilespmem:s21+$0x12D0];
	v3 =	vmul.f32 v55, v3  }
0x167: {  	v55 =	vld [tilespmem:$0x1EF40]  }
0x168: {  	v0 =	vadd.f32 v3, v0;
	v3 =	vld [tilespmem:$0x1EF30]  }
0x169: {  	v2 =	vmul.f32 v54, v2;
	[tilespmem:$0x1F9E0] =	vst v63;
	v63 =	vld [tilespmem:s21+$0x1B30]  }
0x16a: {  	v56 =	vld [tilespmem:$0x1EF60]  }
0x16b: {  	v1 =	vadd.f32 v2, v1;
	v2 =	vld [tilespmem:$0x1EF50]  }
0x16c: {  	v31 =	vld [tilespmem:s21+$0x3160]  }
0x16d: {  	v57 =	vld [tilespmem:$0x1EF80];
	v3 =	vmul.f32 v55, v3  }
0x16e: {  	[tilespmem:$0x1F9F0] =	vst v63;
	v63 =	vld [tilespmem:s21+$0x2C60]  }
0x16f: {  	v0 =	vadd.f32 v3, v0;
	v3 =	vld [tilespmem:$0x1EF70]  }
0x170: {  	v34 =	vld [tilespmem:s21+$0x2200];
	v2 =	vmul.f32 v56, v2  }
0x171: {  	v58 =	vld [tilespmem:$0x1EFA0]  }
0x172: {  	v1 =	vadd.f32 v2, v1;
	v2 =	vld [tilespmem:$0x1EF90]  }
0x173: {  	[tilespmem:$0x1FA00] =	vst v63;
	v63 =	vld [tilespmem:s21+$0x1CE0]  }
0x174: {  	v25 =	vld [tilespmem:s21+$0x2C50];
	v3 =	vmul.f32 v57, v3  }
0x175: {  	v28 =	vld [tilespmem:s21+$0x1CF0]  }
0x176: {  	v0 =	vadd.f32 v3, v0;
	v3 =	vld [tilespmem:$0x1EFB0]  }
0x177: {  	v2 =	vmul.f32 v58, v2;
	v59 =	vld [tilespmem:$0x1EFC0]  }
0x178: {  	[tilespmem:$0x1FA10] =	vst v63;
	v63 =	vld [tilespmem:s21+$0x2E10]  }
0x179: {  	v1 =	vadd.f32 v2, v1;
	v2 =	vld [tilespmem:$0x1EFD0]  }
0x17a: {  	[tilespmem:$0x1FA30] =	vst v60;
	v60 =	vld [tilespmem:$0x1EFE0]  }
0x17b: {  	v29 =	vld [tilespmem:s21+$0x2FB0]  }
0x17c: {  	v32 =	vld [tilespmem:s21+$0x2050]  }
0x17d: {  	v3 =	vmul.f32 v59, v3;
	[tilespmem:$0x1FA20] =	vst v63;
	v63 =	vld [tilespmem:s21+$0x2040]  }
0x17e: {  	v35 =	vld [tilespmem:s21+$0x34C0]  }
0x17f: {  	v0 =	vadd.f32 v3, v0;
	v2 =	vmul.f32 v60, v2;
	v3 =	vld [tilespmem:$0x1EFF0]  }
0x180: {  	v61 =	vld [tilespmem:$0x1F000]  }
0x181: {  	v1 =	vadd.f32 v2, v1;
	v2 =	vld [tilespmem:$0x1F010]  }
0x182: {  	[tilespmem:$0x1FA50] =	vst v63;
	v63 =	vld [tilespmem:$0x1F020]  }
0x183: {  	v38 =	vld [tilespmem:s21+$0x2220]  }
0x184: {  	v36 =	vld [tilespmem:s21+$0xDD0]  }
0x185: {  	v33 =	vld [tilespmem:s21+$0x3310];
	v3 =	vmul.f32 v61, v3  }
0x186: {  	v49 =	vld [tilespmem:s21+$0x23B0]  }
0x187: {  	[tilespmem:$0x1FA60] =	vst v62;
	v0 =	vadd.f32 v3, v0;
	v3 =	vld [tilespmem:$0x1F030];
	v2 =	vmul.f32 v63, v2  }
0x188: {  	[tilespmem:$0x1FA80] =	vst v38;
	v37 =	vld [tilespmem:$0x1F040]  }
0x189: {  	[tilespmem:$0x1FA70] =	vst v36;
	v1 =	vadd.f32 v2, v1;
	v2 =	vld [tilespmem:$0x1F050]  }
0x18a: {  	v4 =	vld [tilespmem:$0x1F060];
	_ =	sdelay $0x4  }
0x18b: {  	v2 =	vmul.f32 v4, v2  }
0x18c: {  	v42 =	vld [tilespmem:$0x1F0A0]  }
0x18d: {  	v3 =	vmul.f32 v37, v3;
	v1 =	vadd.f32 v2, v1;
	v2 =	vld [tilespmem:$0x1F090];
	_ =	sdelay $0x1  }
0x18e: {  	v0 =	vadd.f32 v3, v0;
	v3 =	vld [tilespmem:$0x1F070]  }
0x18f: {  	v40 =	vld [tilespmem:$0x1F080];
	_ =	sdelay $0x1  }
0x190: {  	v2 =	vmul.f32 v42, v2  }
0x191: {  	v46 =	vld [tilespmem:$0x1F0E0]  }
0x192: {  	v1 =	vadd.f32 v2, v1;
	v2 =	vld [tilespmem:$0x1F0D0]  }
0x193: {  	v3 =	vmul.f32 v40, v3  }
0x194: {  	v44 =	vld [tilespmem:$0x1F0C0]  }
0x195: {  	v0 =	vadd.f32 v3, v0;
	v3 =	vld [tilespmem:$0x1F0B0];
	_ =	sdelay $0x1  }
0x196: {  	v2 =	vmul.f32 v46, v2  }
0x197: {  	v51 =	vld [tilespmem:$0x1F120]  }
0x198: {  	v1 =	vadd.f32 v2, v1;
	v2 =	vld [tilespmem:$0x1F110]  }
0x199: {  	v3 =	vmul.f32 v44, v3  }
0x19a: {  	v48 =	vld [tilespmem:$0x1F100]  }
0x19b: {  	v0 =	vadd.f32 v3, v0;
	v3 =	vld [tilespmem:$0x1F0F0];
	_ =	sdelay $0x1  }
0x19c: {  	v2 =	vmul.f32 v51, v2  }
0x19d: {  	v55 =	vld [tilespmem:$0x1F160]  }
0x19e: {  	v1 =	vadd.f32 v2, v1;
	v2 =	vld [tilespmem:$0x1F150]  }
0x19f: {  	v3 =	vmul.f32 v48, v3  }
0x1a0: {  	v53 =	vld [tilespmem:$0x1F140]  }
0x1a1: {  	v0 =	vadd.f32 v3, v0;
	v3 =	vld [tilespmem:$0x1F130];
	_ =	sdelay $0x1  }
0x1a2: {  	v2 =	vmul.f32 v55, v2  }
0x1a3: {  	v59 =	vld [tilespmem:$0x1F1A0]  }
0x1a4: {  	v1 =	vadd.f32 v2, v1;
	v2 =	vld [tilespmem:$0x1F190]  }
0x1a5: {  	v3 =	vmul.f32 v53, v3  }
0x1a6: {  	v57 =	vld [tilespmem:$0x1F180]  }
0x1a7: {  	v0 =	vadd.f32 v3, v0;
	v3 =	vld [tilespmem:$0x1F170];
	_ =	sdelay $0x1  }
0x1a8: {  	v2 =	vmul.f32 v59, v2  }
0x1a9: {  	v63 =	vld [tilespmem:$0x1F1E0]  }
0x1aa: {  	v1 =	vadd.f32 v2, v1;
	v2 =	vld [tilespmem:$0x1F1D0]  }
0x1ab: {  	v39 =	vld [tilespmem:s21+$0xF80];
	v3 =	vmul.f32 v57, v3  }
0x1ac: {  	v61 =	vld [tilespmem:$0x1F1C0]  }
0x1ad: {  	v0 =	vadd.f32 v3, v0;
	v3 =	vld [tilespmem:$0x1F1B0];
	_ =	sdelay $0x1  }
0x1ae: {  	v2 =	vmul.f32 v63, v2  }
0x1af: {  	[tilespmem:$0x1FA90] =	vst v39;
	v39 =	vld [tilespmem:$0x1F220]  }
0x1b0: {  	v1 =	vadd.f32 v2, v1;
	v2 =	vld [tilespmem:$0x1F210]  }
0x1b1: {  	v43 =	vld [tilespmem:s21+$0x1130];
	v3 =	vmul.f32 v61, v3  }
0x1b2: {  	v37 =	vld [tilespmem:$0x1F200]  }
0x1b3: {  	v0 =	vadd.f32 v3, v0;
	v3 =	vld [tilespmem:$0x1F1F0]  }
0x1b4: {  	v41 =	vld [tilespmem:s21+$0x23D0]  }
0x1b5: {  	v2 =	vmul.f32 v39, v2  }
0x1b6: {  	[tilespmem:$0x1FAB0] =	vst v43;
	v43 =	vld [tilespmem:$0x1F260]  }
0x1b7: {  	v1 =	vadd.f32 v2, v1;
	v2 =	vld [tilespmem:$0x1F250]  }
0x1b8: {  	v47 =	vld [tilespmem:s21+$0x12E0];
	v3 =	vmul.f32 v37, v3  }
0x1b9: {  	[tilespmem:$0x1FAA0] =	vst v41;
	v41 =	vld [tilespmem:$0x1F240]  }
0x1ba: {  	v0 =	vadd.f32 v3, v0;
	v3 =	vld [tilespmem:$0x1F230]  }
0x1bb: {  	v45 =	vld [tilespmem:s21+$0x2580]  }
0x1bc: {  	v2 =	vmul.f32 v43, v2  }
0x1bd: {  	[tilespmem:$0x1FAD0] =	vst v47;
	v47 =	vld [tilespmem:$0x1F2A0]  }
0x1be: {  	v1 =	vadd.f32 v2, v1;
	v2 =	vld [tilespmem:$0x1F290]  }
0x1bf: {  	v52 =	vld [tilespmem:s21+$0x1490];
	v3 =	vmul.f32 v41, v3  }
0x1c0: {  	[tilespmem:$0x1FAC0] =	vst v45;
	v45 =	vld [tilespmem:$0x1F280]  }
0x1c1: {  	v0 =	vadd.f32 v3, v0;
	v3 =	vld [tilespmem:$0x1F270]  }
0x1c2: {  	v50 =	vld [tilespmem:s21+$0x2730]  }
0x1c3: {  	v2 =	vmul.f32 v47, v2  }
0x1c4: {  	[tilespmem:$0x1FAF0] =	vst v52;
	v52 =	vld [tilespmem:$0x1F2E0]  }
0x1c5: {  	v1 =	vadd.f32 v2, v1;
	v2 =	vld [tilespmem:$0x1F2D0]  }
0x1c6: {  	v56 =	vld [tilespmem:s21+$0x1640];
	v3 =	vmul.f32 v45, v3  }
0x1c7: {  	[tilespmem:$0x1FAE0] =	vst v50;
	v50 =	vld [tilespmem:$0x1F2C0]  }
0x1c8: {  	v0 =	vadd.f32 v3, v0;
	v3 =	vld [tilespmem:$0x1F2B0]  }
0x1c9: {  	v54 =	vld [tilespmem:s21+$0x28E0]  }
0x1ca: {  	v2 =	vmul.f32 v52, v2  }
0x1cb: {  	[tilespmem:$0x1FB10] =	vst v56;
	v56 =	vld [tilespmem:$0x1F320]  }
0x1cc: {  	v1 =	vadd.f32 v2, v1;
	v2 =	vld [tilespmem:$0x1F310]  }
0x1cd: {  	v60 =	vld [tilespmem:s21+$0x17F0];
	v3 =	vmul.f32 v50, v3  }
0x1ce: {  	[tilespmem:$0x1FB00] =	vst v54;
	v54 =	vld [tilespmem:$0x1F300]  }
0x1cf: {  	v0 =	vadd.f32 v3, v0;
	v3 =	vld [tilespmem:$0x1F2F0]  }
0x1d0: {  	v58 =	vld [tilespmem:s21+$0x2A90]  }
0x1d1: {  	v2 =	vmul.f32 v56, v2  }
0x1d2: {  	[tilespmem:$0x1FB30] =	vst v60;
	v60 =	vld [tilespmem:$0x1F360]  }
0x1d3: {  	v1 =	vadd.f32 v2, v1;
	v2 =	vld [tilespmem:$0x1F350]  }
0x1d4: {  	v36 =	vld [tilespmem:s21+$0x19A0];
	v3 =	vmul.f32 v54, v3  }
0x1d5: {  	[tilespmem:$0x1FB20] =	vst v58;
	v58 =	vld [tilespmem:$0x1F340]  }
0x1d6: {  	v0 =	vadd.f32 v3, v0;
	v3 =	vld [tilespmem:$0x1F330]  }
0x1d7: {  	v62 =	vld [tilespmem:s21+$0x2C40]  }
0x1d8: {  	v2 =	vmul.f32 v60, v2  }
0x1d9: {  	[tilespmem:$0x1FB50] =	vst v36;
	v36 =	vld [tilespmem:$0x1F3A0]  }
0x1da: {  	v1 =	vadd.f32 v2, v1;
	v2 =	vld [tilespmem:$0x1F390]  }
0x1db: {  	v40 =	vld [tilespmem:s21+$0x1B50];
	v3 =	vmul.f32 v58, v3  }
0x1dc: {  	[tilespmem:$0x1FB40] =	vst v62;
	v62 =	vld [tilespmem:$0x1F380]  }
0x1dd: {  	v0 =	vadd.f32 v3, v0;
	v3 =	vld [tilespmem:$0x1F370]  }
0x1de: {  	v38 =	vld [tilespmem:s21+$0x2DF0]  }
0x1df: {  	v2 =	vmul.f32 v36, v2  }
0x1e0: {  	[tilespmem:$0x1FB70] =	vst v40;
	v40 =	vld [tilespmem:$0x1F3E0]  }
0x1e1: {  	v1 =	vadd.f32 v2, v1;
	v2 =	vld [tilespmem:$0x1F3D0]  }
0x1e2: {  	v44 =	vld [tilespmem:s21+$0x1D00];
	v3 =	vmul.f32 v62, v3  }
0x1e3: {  	[tilespmem:$0x1FB60] =	vst v38;
	v38 =	vld [tilespmem:$0x1F3C0]  }
0x1e4: {  	v0 =	vadd.f32 v3, v0;
	v3 =	vld [tilespmem:$0x1F3B0]  }
0x1e5: {  	v42 =	vld [tilespmem:s21+$0x2FA0]  }
0x1e6: {  	v2 =	vmul.f32 v40, v2  }
0x1e7: {  	[tilespmem:$0x1FB90] =	vst v44;
	v44 =	vld [tilespmem:$0x1F420]  }
0x1e8: {  	v1 =	vadd.f32 v2, v1;
	v2 =	vld [tilespmem:$0x1F410]  }
0x1e9: {  	v48 =	vld [tilespmem:s21+$0x1EB0];
	v3 =	vmul.f32 v38, v3  }
0x1ea: {  	[tilespmem:$0x1FB80] =	vst v42;
	v42 =	vld [tilespmem:$0x1F400]  }
0x1eb: {  	v0 =	vadd.f32 v3, v0;
	v3 =	vld [tilespmem:$0x1F3F0]  }
0x1ec: {  	v46 =	vld [tilespmem:s21+$0x3150]  }
0x1ed: {  	v2 =	vmul.f32 v44, v2  }
0x1ee: {  	[tilespmem:$0x1FBB0] =	vst v48;
	v48 =	vld [tilespmem:$0x1F460]  }
0x1ef: {  	v1 =	vadd.f32 v2, v1;
	v2 =	vld [tilespmem:$0x1F450]  }
0x1f0: {  	v53 =	vld [tilespmem:s21+$0x2060];
	v3 =	vmul.f32 v42, v3  }
0x1f1: {  	[tilespmem:$0x1FBA0] =	vst v46;
	v46 =	vld [tilespmem:$0x1F440]  }
0x1f2: {  	v0 =	vadd.f32 v3, v0;
	v3 =	vld [tilespmem:$0x1F430]  }
0x1f3: {  	v51 =	vld [tilespmem:s21+$0x3300]  }
0x1f4: {  	v2 =	vmul.f32 v48, v2  }
0x1f5: {  	[tilespmem:$0x1FBD0] =	vst v53;
	v53 =	vld [tilespmem:$0x1F4A0]  }
0x1f6: {  	v1 =	vadd.f32 v2, v1;
	v2 =	vld [tilespmem:$0x1F490]  }
0x1f7: {  	v57 =	vld [tilespmem:s21+$0x2210];
	v3 =	vmul.f32 v46, v3  }
0x1f8: {  	[tilespmem:$0x1FBC0] =	vst v51;
	v51 =	vld [tilespmem:$0x1F480]  }
0x1f9: {  	v0 =	vadd.f32 v3, v0;
	v3 =	vld [tilespmem:$0x1F470]  }
0x1fa: {  	v55 =	vld [tilespmem:s21+$0x34B0]  }
0x1fb: {  	v2 =	vmul.f32 v53, v2  }
0x1fc: {  	[tilespmem:$0x1FF10] =	vst v57;
	v57 =	vld [tilespmem:$0x1F4E0]  }
0x1fd: {  	v1 =	vadd.f32 v2, v1;
	v2 =	vld [tilespmem:$0x1F4D0]  }
0x1fe: {  	v61 =	vld [tilespmem:s21+$0xDE0];
	v3 =	vmul.f32 v51, v3  }
0x1ff: {  	[tilespmem:$0x1FBE0] =	vst v55;
	v55 =	vld [tilespmem:$0x1F4C0]  }
0x200: {  	v0 =	vadd.f32 v3, v0;
	v3 =	vld [tilespmem:$0x1F4B0]  }
0x201: {  	v59 =	vld [tilespmem:s21+$0x3660]  }
0x202: {  	v2 =	vmul.f32 v57, v2  }
0x203: {  	[tilespmem:$0x1FBF0] =	vst v61;
	v61 =	vld [tilespmem:$0x1F520]  }
0x204: {  	v1 =	vadd.f32 v2, v1;
	v2 =	vld [tilespmem:$0x1F510]  }
0x205: {  	v37 =	vld [tilespmem:s21+$0xF90];
	v3 =	vmul.f32 v55, v3  }
0x206: {  	[tilespmem:$0x1FF20] =	vst v59;
	v59 =	vld [tilespmem:$0x1F500]  }
0x207: {  	v0 =	vadd.f32 v3, v0;
	v3 =	vld [tilespmem:$0x1F4F0]  }
0x208: {  	v63 =	vld [tilespmem:s21+$0x23C0]  }
0x209: {  	v2 =	vmul.f32 v61, v2  }
0x20a: {  	[tilespmem:$0x1FC10] =	vst v37;
	v37 =	vld [tilespmem:$0x1F560]  }
0x20b: {  	v1 =	vadd.f32 v2, v1;
	v2 =	vld [tilespmem:$0x1F550]  }
0x20c: {  	v41 =	vld [tilespmem:s21+$0x1140];
	v3 =	vmul.f32 v59, v3  }
0x20d: {  	[tilespmem:$0x1FC00] =	vst v63;
	v63 =	vld [tilespmem:$0x1F540]  }
0x20e: {  	v0 =	vadd.f32 v3, v0;
	v3 =	vld [tilespmem:$0x1F530]  }
0x20f: {  	v39 =	vld [tilespmem:s21+$0x2570]  }
0x210: {  	v2 =	vmul.f32 v37, v2  }
0x211: {  	[tilespmem:$0x1FC30] =	vst v41;
	v41 =	vld [tilespmem:$0x1F5A0]  }
0x212: {  	v1 =	vadd.f32 v2, v1;
	v2 =	vld [tilespmem:$0x1F590]  }
0x213: {  	v45 =	vld [tilespmem:s21+$0x12F0];
	v3 =	vmul.f32 v63, v3  }
0x214: {  	[tilespmem:$0x1FC20] =	vst v39;
	v39 =	vld [tilespmem:$0x1F580]  }
0x215: {  	v0 =	vadd.f32 v3, v0;
	v3 =	vld [tilespmem:$0x1F570]  }
0x216: {  	v43 =	vld [tilespmem:s21+$0x2720]  }
0x217: {  	v2 =	vmul.f32 v41, v2  }
0x218: {  	[tilespmem:$0x1FC50] =	vst v45;
	v45 =	vld [tilespmem:$0x1F5E0]  }
0x219: {  	v1 =	vadd.f32 v2, v1;
	v2 =	vld [tilespmem:$0x1F5D0]  }
0x21a: {  	v50 =	vld [tilespmem:s21+$0x14A0];
	v3 =	vmul.f32 v39, v3  }
0x21b: {  	[tilespmem:$0x1FC40] =	vst v43;
	v43 =	vld [tilespmem:$0x1F5C0]  }
0x21c: {  	v0 =	vadd.f32 v3, v0;
	v3 =	vld [tilespmem:$0x1F5B0]  }
0x21d: {  	v47 =	vld [tilespmem:s21+$0x28D0]  }
0x21e: {  	v2 =	vmul.f32 v45, v2  }
0x21f: {  	[tilespmem:$0x1FC70] =	vst v50;
	v50 =	vld [tilespmem:$0x1F620]  }
0x220: {  	v1 =	vadd.f32 v2, v1;
	v2 =	vld [tilespmem:$0x1F610]  }
0x221: {  	v54 =	vld [tilespmem:s21+$0x1650];
	v3 =	vmul.f32 v43, v3  }
0x222: {  	[tilespmem:$0x1FC60] =	vst v47;
	v47 =	vld [tilespmem:$0x1F600]  }
0x223: {  	v0 =	vadd.f32 v3, v0;
	v3 =	vld [tilespmem:$0x1F5F0]  }
0x224: {  	v52 =	vld [tilespmem:s21+$0x2A80]  }
0x225: {  	v2 =	vmul.f32 v50, v2  }
0x226: {  	[tilespmem:$0x1FC90] =	vst v54;
	v54 =	vld [tilespmem:$0x1F660]  }
0x227: {  	v1 =	vadd.f32 v2, v1;
	v2 =	vld [tilespmem:$0x1F650]  }
0x228: {  	v58 =	vld [tilespmem:s21+$0x1800];
	v3 =	vmul.f32 v47, v3  }
0x229: {  	[tilespmem:$0x1FC80] =	vst v52;
	v52 =	vld [tilespmem:$0x1F640]  }
0x22a: {  	v0 =	vadd.f32 v3, v0;
	v3 =	vld [tilespmem:$0x1F630]  }
0x22b: {  	v56 =	vld [tilespmem:s21+$0x2C30]  }
0x22c: {  	v2 =	vmul.f32 v54, v2  }
0x22d: {  	[tilespmem:$0x1FCB0] =	vst v58;
	v58 =	vld [tilespmem:$0x1F6A0]  }
0x22e: {  	v1 =	vadd.f32 v2, v1;
	v2 =	vld [tilespmem:$0x1F690]  }
0x22f: {  	v62 =	vld [tilespmem:s21+$0x19B0];
	v3 =	vmul.f32 v52, v3  }
0x230: {  	[tilespmem:$0x1FCA0] =	vst v56;
	v56 =	vld [tilespmem:$0x1F680]  }
0x231: {  	v0 =	vadd.f32 v3, v0;
	v3 =	vld [tilespmem:$0x1F670]  }
0x232: {  	v60 =	vld [tilespmem:s21+$0x2DE0]  }
0x233: {  	v2 =	vmul.f32 v58, v2  }
0x234: {  	[tilespmem:$0x1FCD0] =	vst v62;
	v62 =	vld [tilespmem:$0x1F6E0]  }
0x235: {  	v1 =	vadd.f32 v2, v1;
	v2 =	vld [tilespmem:$0x1F6D0]  }
0x236: {  	v38 =	vld [tilespmem:s21+$0x1B60];
	v3 =	vmul.f32 v56, v3  }
0x237: {  	[tilespmem:$0x1FCC0] =	vst v60;
	v60 =	vld [tilespmem:$0x1F6C0]  }
0x238: {  	v0 =	vadd.f32 v3, v0;
	v3 =	vld [tilespmem:$0x1F6B0]  }
0x239: {  	v36 =	vld [tilespmem:s21+$0x2F90]  }
0x23a: {  	v2 =	vmul.f32 v62, v2  }
0x23b: {  	[tilespmem:$0x1FCF0] =	vst v38;
	v38 =	vld [tilespmem:$0x1F720]  }
0x23c: {  	v1 =	vadd.f32 v2, v1;
	v2 =	vld [tilespmem:$0x1F710]  }
0x23d: {  	v42 =	vld [tilespmem:s21+$0x1D10];
	v3 =	vmul.f32 v60, v3  }
0x23e: {  	[tilespmem:$0x1FCE0] =	vst v36;
	v36 =	vld [tilespmem:$0x1F700]  }
0x23f: {  	v0 =	vadd.f32 v3, v0;
	v3 =	vld [tilespmem:$0x1F6F0]  }
0x240: {  	v40 =	vld [tilespmem:s21+$0x3140]  }
0x241: {  	v2 =	vmul.f32 v38, v2  }
0x242: {  	[tilespmem:$0x1FD10] =	vst v42;
	v42 =	vld [tilespmem:$0x1F760]  }
0x243: {  	v1 =	vadd.f32 v2, v1;
	v2 =	vld [tilespmem:$0x1F750]  }
0x244: {  	v46 =	vld [tilespmem:s21+$0x1EC0];
	v3 =	vmul.f32 v36, v3  }
0x245: {  	[tilespmem:$0x1FD00] =	vst v40;
	v40 =	vld [tilespmem:$0x1F740]  }
0x246: {  	v0 =	vadd.f32 v3, v0;
	v3 =	vld [tilespmem:$0x1F730]  }
0x247: {  	v44 =	vld [tilespmem:s21+$0x32F0]  }
0x248: {  	v2 =	vmul.f32 v42, v2  }
0x249: {  	[tilespmem:$0x1FD30] =	vst v46;
	v46 =	vld [tilespmem:$0x1F7A0]  }
0x24a: {  	v1 =	vadd.f32 v2, v1;
	v2 =	vld [tilespmem:$0x1F790]  }
0x24b: {  	v51 =	vld [tilespmem:s21+$0x2070];
	v3 =	vmul.f32 v40, v3  }
0x24c: {  	[tilespmem:$0x1FD20] =	vst v44;
	v44 =	vld [tilespmem:$0x1F780]  }
0x24d: {  	v0 =	vadd.f32 v3, v0;
	v3 =	vld [tilespmem:$0x1F770]  }
0x24e: {  	v48 =	vld [tilespmem:s21+$0x34A0]  }
0x24f: {  	v2 =	vmul.f32 v46, v2  }
0x250: {  	[tilespmem:$0x1FD50] =	vst v51;
	v51 =	vld [tilespmem:$0x1F7E0]  }
0x251: {  	v1 =	vadd.f32 v2, v1;
	v2 =	vld [tilespmem:$0x1F7D0]  }
0x252: {  	v55 =	vld [tilespmem:s21+$0xDF0];
	v3 =	vmul.f32 v44, v3  }
0x253: {  	[tilespmem:$0x1FD40] =	vst v48;
	v48 =	vld [tilespmem:$0x1F7C0]  }
0x254: {  	v0 =	vadd.f32 v3, v0;
	v3 =	vld [tilespmem:$0x1F7B0]  }
0x255: {  	v53 =	vld [tilespmem:s21+$0x3650]  }
0x256: {  	v2 =	vmul.f32 v51, v2  }
0x257: {  	[tilespmem:$0x1FD70] =	vst v55;
	v55 =	vld [tilespmem:$0x1F820]  }
0x258: {  	v1 =	vadd.f32 v2, v1;
	v2 =	vld [tilespmem:$0x1F810]  }
0x259: {  	v59 =	vld [tilespmem:s21+$0xFA0];
	v3 =	vmul.f32 v48, v3  }
0x25a: {  	[tilespmem:$0x1FD60] =	vst v53;
	v53 =	vld [tilespmem:$0x1F800]  }
0x25b: {  	v0 =	vadd.f32 v3, v0;
	v3 =	vld [tilespmem:$0x1F7F0]  }
0x25c: {  	v57 =	vld [tilespmem:s21+$0x2560]  }
0x25d: {  	v2 =	vmul.f32 v55, v2  }
0x25e: {  	[tilespmem:$0x1FD90] =	vst v59;
	v59 =	vld [tilespmem:$0x1F860]  }
0x25f: {  	v1 =	vadd.f32 v2, v1;
	v2 =	vld [tilespmem:$0x1F850]  }
0x260: {  	v3 =	vmul.f32 v53, v3  }
0x261: {  	[tilespmem:$0x1FD80] =	vst v57;
	v57 =	vld [tilespmem:$0x1F840]  }
0x262: {  	v0 =	vadd.f32 v3, v0;
	v3 =	vld [tilespmem:$0x1F830]  }
0x263: {  	v61 =	vld [tilespmem:s21+$0x2710]  }
0x264: {  	v2 =	vmul.f32 v59, v2  }
0x265: {  	v62 =	vld [tilespmem:$0x1F8A0]  }
0x266: {  	v1 =	vadd.f32 v2, v1;
	v2 =	vld [tilespmem:$0x1F890]  }
0x267: {  	v3 =	vmul.f32 v57, v3  }
0x268: {  	[tilespmem:$0x1FDA0] =	vst v61;
	v61 =	vld [tilespmem:$0x1F880]  }
0x269: {  	v0 =	vadd.f32 v3, v0;
	v3 =	vld [tilespmem:$0x1F870]  }
0x26a: {  	v37 =	vld [tilespmem:s21+$0x28C0]  }
0x26b: {  	v2 =	vmul.f32 v62, v2  }
0x26c: {  	v38 =	vld [tilespmem:$0x1F8E0]  }
0x26d: {  	v1 =	vadd.f32 v2, v1;
	v2 =	vld [tilespmem:$0x1F8D0]  }
0x26e: {  	v3 =	vmul.f32 v61, v3  }
0x26f: {  	[tilespmem:$0x1FDC0] =	vst v37;
	v37 =	vld [tilespmem:$0x1F8C0]  }
0x270: {  	v0 =	vadd.f32 v3, v0;
	v3 =	vld [tilespmem:$0x1F8B0];
	_ =	sdelay $0x1  }
0x271: {  	v2 =	vmul.f32 v38, v2  }
0x272: {  	v42 =	vld [tilespmem:$0x1F920]  }
0x273: {  	v1 =	vadd.f32 v2, v1;
	v2 =	vld [tilespmem:$0x1F910]  }
0x274: {  	v3 =	vmul.f32 v37, v3  }
0x275: {  	v40 =	vld [tilespmem:$0x1F900]  }
0x276: {  	v0 =	vadd.f32 v3, v0;
	v3 =	vld [tilespmem:$0x1F8F0]  }
0x277: {  	v43 =	vld [tilespmem:s21+$0x14B0]  }
0x278: {  	v2 =	vmul.f32 v42, v2  }
0x279: {  	v44 =	vld [tilespmem:$0x1F960]  }
0x27a: {  	v1 =	vadd.f32 v2, v1;
	v2 =	vld [tilespmem:$0x1F950]  }
0x27b: {  	v3 =	vmul.f32 v40, v3  }
0x27c: {  	[tilespmem:$0x1FDF0] =	vst v43;
	v43 =	vld [tilespmem:$0x1F940]  }
0x27d: {  	v0 =	vadd.f32 v3, v0;
	v3 =	vld [tilespmem:$0x1F930]  }
0x27e: {  	v45 =	vld [tilespmem:s21+$0x2C20]  }
0x27f: {  	v2 =	vmul.f32 v44, v2  }
0x280: {  	v46 =	vld [tilespmem:$0x1F9A0]  }
0x281: {  	v1 =	vadd.f32 v2, v1;
	v2 =	vld [tilespmem:$0x1F990]  }
0x282: {  	v3 =	vmul.f32 v43, v3  }
0x283: {  	[tilespmem:$0x1FE00] =	vst v45;
	v45 =	vld [tilespmem:$0x1F980]  }
0x284: {  	v0 =	vadd.f32 v3, v0;
	v3 =	vld [tilespmem:$0x1F970]  }
0x285: {  	v47 =	vld [tilespmem:s21+$0x1660]  }
0x286: {  	v2 =	vmul.f32 v46, v2  }
0x287: {  	v48 =	vld [tilespmem:$0x1F9E0]  }
0x288: {  	v1 =	vadd.f32 v2, v1;
	v2 =	vld [tilespmem:$0x1F9D0]  }
0x289: {  	v3 =	vmul.f32 v45, v3  }
0x28a: {  	[tilespmem:$0x1FE10] =	vst v47;
	v47 =	vld [tilespmem:$0x1F9C0]  }
0x28b: {  	v0 =	vadd.f32 v3, v0;
	v3 =	vld [tilespmem:$0x1F9B0]  }
0x28c: {  	v50 =	vld [tilespmem:s21+$0x2DD0]  }
0x28d: {  	v2 =	vmul.f32 v48, v2  }
0x28e: {  	v51 =	vld [tilespmem:$0x1FA20]  }
0x28f: {  	v1 =	vadd.f32 v2, v1;
	v2 =	vld [tilespmem:$0x1FA10]  }
0x290: {  	v3 =	vmul.f32 v47, v3  }
0x291: {  	[tilespmem:$0x1FE20] =	vst v50;
	v50 =	vld [tilespmem:$0x1FA00]  }
0x292: {  	v0 =	vadd.f32 v3, v0;
	v3 =	vld [tilespmem:$0x1F9F0]  }
0x293: {  	v52 =	vld [tilespmem:s21+$0x1810]  }
0x294: {  	v2 =	vmul.f32 v51, v2;
	_ =	sdelay $0x1  }
0x295: {  	v1 =	vadd.f32 v2, v1;
	v2 =	vld [tilespmem:$0x1FA50]  }
0x296: {  	v3 =	vmul.f32 v50, v3  }
0x297: {  	[tilespmem:$0x1FE30] =	vst v52;
	v52 =	vld [tilespmem:$0x1FA40]  }
0x298: {  	v0 =	vadd.f32 v3, v0;
	v3 =	vld [tilespmem:$0x1FA30];
	_ =	sdelay $0x1  }
0x299: {  	v2 =	vmul.f32 v6, v2;
	_ =	sdelay $0x1  }
0x29a: {  	v1 =	vadd.f32 v2, v1;
	v2 =	vmul.f32 v9, v8  }
0x29b: {  	v3 =	vmul.f32 v52, v3  }
0x29c: {  	v1 =	vadd.f32 v2, v1;
	v2 =	vmul.f32 v13, v12  }
0x29d: {  	v0 =	vadd.f32 v3, v0;
	v3 =	vmul.f32 v7, v5  }
0x29e: {  	v1 =	vadd.f32 v2, v1;
	v2 =	vmul.f32 v17, v16  }
0x29f: {  	v0 =	vadd.f32 v3, v0;
	v3 =	vmul.f32 v11, v10  }
0x2a0: {  	v1 =	vadd.f32 v2, v1;
	v2 =	vmul.f32 v21, v20  }
0x2a1: {  	v0 =	vadd.f32 v3, v0;
	v3 =	vmul.f32 v15, v14  }
0x2a2: {  	v1 =	vadd.f32 v2, v1;
	v2 =	vmul.f32 v25, v24  }
0x2a3: {  	v0 =	vadd.f32 v3, v0;
	v3 =	vmul.f32 v19, v18  }
0x2a4: {  	v1 =	vadd.f32 v2, v1;
	v2 =	vmul.f32 v29, v28  }
0x2a5: {  	v0 =	vadd.f32 v3, v0;
	v3 =	vmul.f32 v23, v22  }
0x2a6: {  	v1 =	vadd.f32 v2, v1;
	v2 =	vmul.f32 v33, v32  }
0x2a7: {  	v0 =	vadd.f32 v3, v0;
	v3 =	vmul.f32 v27, v26  }
0x2a8: {  	v1 =	vadd.f32 v2, v1;
	v2 =	vld [tilespmem:$0x1FA60]  }
0x2a9: {  	v0 =	vadd.f32 v3, v0;
	v3 =	vmul.f32 v31, v30;
	_ =	sdelay $0x1  }
0x2aa: {  	v0 =	vadd.f32 v3, v0;
	v3 =	vmul.f32 v35, v34  }
0x2ab: {  	v16 =	vld [tilespmem:$0x1FA80]  }
0x2ac: {  	v0 =	vadd.f32 v3, v0;
	v3 =	vld [tilespmem:$0x1FA70];
	v2 =	vmul.f32 v2, v49  }
0x2ad: {  	v17 =	vld [tilespmem:$0x1FAA0]  }
0x2ae: {  	v1 =	vadd.f32 v2, v1;
	v2 =	vld [tilespmem:$0x1FA90];
	_ =	sdelay $0x2  }
0x2af: {  	v3 =	vmul.f32 v16, v3  }
0x2b0: {  	v18 =	vld [tilespmem:$0x1FAC0]  }
0x2b1: {  	v0 =	vadd.f32 v3, v0;
	v3 =	vld [tilespmem:$0x1FAB0];
	v2 =	vmul.f32 v17, v2  }
0x2b2: {  	v19 =	vld [tilespmem:$0x1FAE0]  }
0x2b3: {  	v1 =	vadd.f32 v2, v1;
	v2 =	vld [tilespmem:$0x1FAD0];
	_ =	sdelay $0x2  }
0x2b4: {  	v3 =	vmul.f32 v18, v3;
	_ =	sdelay $0x1  }
0x2b5: {  	v20 =	vmul.f32 v19, v2;
	v2 =	vadd.f32 v3, v0;
	v0 =	vld [tilespmem:$0x1FAF0]  }
0x2b6: {  	v3 =	vld [tilespmem:$0x1FB00];
	_ =	sdelay $0x2  }
0x2b7: {  	v63 =	vld [tilespmem:s21+$0x1150]  }
0x2b8: {  	v21 =	vld [tilespmem:$0x1FB20]  }
0x2b9: {  	v0 =	vmul.f32 v3, v0;
	v3 =	vld [tilespmem:$0x1FB10]  }
0x2ba: {  	v39 =	vld [tilespmem:s21+$0x1300]  }
0x2bb: {  	v41 =	vld [tilespmem:s21+$0x2A70]  }
0x2bc: {  	[tilespmem:$0x1FDB0] =	vst v63;
	v63 =	vld [tilespmem:s21+$0x32E0]  }
0x2bd: {  	v2 =	vadd.f32 v0, v2;
	v0 =	vld [tilespmem:$0x1FB30]  }
0x2be: {  	v22 =	vmul.f32 v21, v3;
	v3 =	vld [tilespmem:$0x1FB40]  }
0x2bf: {  	[tilespmem:$0x1FDD0] =	vst v39;
	v39 =	vld [tilespmem:s21+$0x1ED0]  }
0x2c0: {  	[tilespmem:$0x1FDE0] =	vst v41;
	v41 =	vld [tilespmem:s21+$0x3640];
	v1 =	vadd.f32 v20, v1  }
0x2c1: {  	v56 =	vld [tilespmem:s21+$0x19C0]  }
0x2c2: {  	v49 =	vadd.f32 v22, v1;
	v1 =	vld [tilespmem:$0x1FB50]  }
0x2c3: {  	v0 =	vmul.f32 v3, v0;
	v3 =	vld [tilespmem:$0x1FB60]  }
0x2c4: {  	[tilespmem:$0x1FF30] =	vst v39;
	v39 =	vld [tilespmem:s21+$0xFC0]  }
0x2c5: {  	[tilespmem:$0x1FF40] =	vst v41;
	v41 =	vld [tilespmem:s21+$0xE10]  }
0x2c6: {  	v54 =	vld [tilespmem:s21+$0x2F80]  }
0x2c7: {  	[tilespmem:$0x1FE50] =	vst v56;
	v56 =	vld [tilespmem:s21+$0x1310]  }
0x2c8: {  	v1 =	vmul.f32 v3, v1;
	v3 =	vadd.f32 v0, v2;
	v0 =	vld [tilespmem:$0x1FB70]  }
0x2c9: {  	v2 =	vld [tilespmem:$0x1FB80]  }
0x2ca: {  	v36 =	vld [tilespmem:s21+$0x1D20]  }
0x2cb: {  	v58 =	vld [tilespmem:s21+$0x3130]  }
0x2cc: {  	v60 =	vld [tilespmem:s21+$0x1B70]  }
0x2cd: {  	v23 =	vadd.f32 v1, v49;
	v1 =	vld [tilespmem:$0x1FBA0]  }
0x2ce: {  	v2 =	vmul.f32 v2, v0;
	v0 =	vld [tilespmem:$0x1FB90]  }
0x2cf: {  	[tilespmem:$0x1FE80] =	vst v36;
	v36 =	vld [tilespmem:s21+$0x2A50]  }
0x2d0: {  	[tilespmem:$0x1FE40] =	vst v54;
	v54 =	vld [tilespmem:s21+$0x14C0]  }
0x2d1: {  	[tilespmem:$0x1FE70] =	vst v60;
	v60 =	vld [tilespmem:s21+$0xFB0]  }
0x2d2: {  	[tilespmem:$0x1FE60] =	vst v58;
	v58 =	vld [tilespmem:s21+$0x1160]  }
0x2d3: {  	v0 =	vmul.f32 v1, v0;
	v1 =	vld [tilespmem:s21+$0x1B90]  }
0x2d4: {  	v36 =	vmul.f32 v36, v39;
	v39 =	vld [tilespmem:$0x1FF10]  }
0x2d5: {  	v57 =	vld [tilespmem:s21+$0x28B0]  }
0x2d6: {  	v53 =	vld [tilespmem:s21+$0x2C10]  }
0x2d7: {  	v3 =	vadd.f32 v2, v3;
	v2 =	vld [tilespmem:$0x1FBC0]  }
0x2d8: {  	[tilespmem:$0x1FF50] =	vst v1;
	v1 =	vld [tilespmem:$0x1FBB0]  }
0x2d9: {  	v55 =	vld [tilespmem:s21+$0x2A60]  }
0x2da: {  	v60 =	vmul.f32 v57, v60;
	v57 =	vld [tilespmem:s21+$0x14F0]  }
0x2db: {  	v61 =	vld [tilespmem:s21+$0xE00]  }
0x2dc: {  	v24 =	vld [tilespmem:$0x1FBE0]  }
0x2dd: {  	v1 =	vmul.f32 v2, v1;
	v2 =	vld [tilespmem:$0x1FBD0]  }
0x2de: {  	v59 =	vld [tilespmem:s21+$0x2700]  }
0x2df: {  	v62 =	vld [tilespmem:s21+$0x3490]  }
0x2e0: {  	v37 =	vld [tilespmem:s21+$0x1170]  }
0x2e1: {  	v1 =	vadd.f32 v1, v3;
	v3 =	vld [tilespmem:$0x1FC00]  }
0x2e2: {  	v4 =	vmul.f32 v24, v2;
	v2 =	vld [tilespmem:$0x1FBF0]  }
0x2e3: {  	v38 =	vld [tilespmem:s21+$0x28A0]  }
0x2e4: {  	v40 =	vld [tilespmem:s21+$0x3630]  }
0x2e5: {  	v43 =	vld [tilespmem:s21+$0x1D30]  }
0x2e6: {  	v8 =	vld [tilespmem:$0x1FC20]  }
0x2e7: {  	v3 =	vmul.f32 v3, v2;
	v2 =	vld [tilespmem:$0x1FC10]  }
0x2e8: {  	v38 =	vmul.f32 v38, v41;
	v41 =	vld [tilespmem:s21+$0x11D0]  }
0x2e9: {  	v42 =	vld [tilespmem:s21+$0x3480]  }
0x2ea: {  	v40 =	vmul.f32 v40, v43;
	v43 =	vld [tilespmem:s21+$0xFF0];
	v0 =	vadd.f32 v0, v23  }
0x2eb: {  	v1 =	vadd.f32 v3, v1;
	v3 =	vld [tilespmem:$0x1FC40]  }
0x2ec: {  	v0 =	vadd.f32 v4, v0;
	v4 =	vmul.f32 v8, v2;
	v2 =	vld [tilespmem:$0x1FC30]  }
0x2ed: {  	v45 =	vld [tilespmem:s21+$0x1B80]  }
0x2ee: {  	v44 =	vld [tilespmem:s21+$0x32D0]  }
0x2ef: {  	v46 =	vld [tilespmem:s21+$0x19D0]  }
0x2f0: {  	v9 =	vld [tilespmem:$0x1FC60]  }
0x2f1: {  	v3 =	vmul.f32 v3, v2;
	v2 =	vld [tilespmem:$0x1FC50]  }
0x2f2: {  	v42 =	vmul.f32 v42, v45;
	v45 =	vld [tilespmem:$0x1FF40]  }
0x2f3: {  	v47 =	vld [tilespmem:s21+$0x3120]  }
0x2f4: {  	v44 =	vmul.f32 v44, v46;
	v46 =	vld [tilespmem:s21+$0xE40]  }
0x2f5: {  	v1 =	vadd.f32 v3, v1;
	v3 =	vld [tilespmem:$0x1FC80]  }
0x2f6: {  	v0 =	vadd.f32 v4, v0;
	v4 =	vmul.f32 v9, v2;
	v2 =	vld [tilespmem:$0x1FC70]  }
0x2f7: {  	v48 =	vld [tilespmem:s21+$0x2F70]  }
0x2f8: {  	v50 =	vld [tilespmem:s21+$0x1820]  }
0x2f9: {  	v51 =	vld [tilespmem:s21+$0x2DC0]  }
0x2fa: {  	v10 =	vld [tilespmem:$0x1FCA0]  }
0x2fb: {  	v3 =	vmul.f32 v3, v2;
	v2 =	vld [tilespmem:$0x1FC90]  }
0x2fc: {  	v52 =	vld [tilespmem:s21+$0x1670]  }
0x2fd: {  	v7 =	vld [tilespmem:s21+$0xFE0]  }
0x2fe: {  	v5 =	vld [tilespmem:$0x1FE60]  }
0x2ff: {  	v1 =	vadd.f32 v3, v1;
	v3 =	vld [tilespmem:$0x1FCC0]  }
0x300: {  	v0 =	vadd.f32 v4, v0;
	v4 =	vmul.f32 v10, v2;
	v2 =	vld [tilespmem:$0x1FCB0]  }
0x301: {  	v11 =	vld [tilespmem:$0x1FCE0]  }
0x302: {  	v48 =	vmul.f32 v48, v52;
	v52 =	vld [tilespmem:s21+$0x2D80]  }
0x303: {  	v14 =	vld [tilespmem:s21+$0x3100]  }
0x304: {  	v15 =	vld [tilespmem:s21+$0x1690]  }
0x305: {  	v3 =	vmul.f32 v3, v2;
	v2 =	vld [tilespmem:$0x1FCD0]  }
0x306: {  	v6 =	vld [tilespmem:s21+$0x2BE0]  }
0x307: {  	v12 =	vld [tilespmem:$0x1FD20]  }
0x308: {  	v13 =	vld [tilespmem:$0x1FD60]  }
0x309: {  	v1 =	vadd.f32 v3, v1;
	v3 =	vld [tilespmem:$0x1FD00]  }
0x30a: {  	v0 =	vadd.f32 v4, v0;
	v4 =	vmul.f32 v11, v2;
	v2 =	vld [tilespmem:$0x1FCF0]  }
0x30b: {  	v27 =	vld [tilespmem:s21+$0x32C0]  }
0x30c: {  	v26 =	vld [tilespmem:s21+$0x19E0]  }
0x30d: {  	v31 =	vld [tilespmem:s21+$0x2F60]  }
0x30e: {  	v30 =	vld [tilespmem:s21+$0x1680]  }
0x30f: {  	v3 =	vmul.f32 v3, v2;
	v2 =	vld [tilespmem:$0x1FD10]  }
0x310: {  	v34 =	vld [tilespmem:s21+$0x2C00]  }
0x311: {  	v35 =	vld [tilespmem:s21+$0x1320]  }
0x312: {  	v25 =	vld [tilespmem:s21+$0x3470]  }
0x313: {  	v1 =	vadd.f32 v3, v1;
	v3 =	vld [tilespmem:$0x1FD40]  }
0x314: {  	v0 =	vadd.f32 v4, v0;
	v4 =	vmul.f32 v12, v2;
	v2 =	vld [tilespmem:$0x1FD30]  }
0x315: {  	v28 =	vld [tilespmem:s21+$0x3110]  }
0x316: {  	v29 =	vld [tilespmem:s21+$0x1830]  }
0x317: {  	v33 =	vld [tilespmem:s21+$0x14D0]  }
0x318: {  	v32 =	vld [tilespmem:s21+$0x2DB0]  }
0x319: {  	v3 =	vmul.f32 v3, v2;
	v2 =	vld [tilespmem:$0x1FD50]  }
0x31a: {  	v16 =	vld [tilespmem:s21+$0x2F50]  }
0x31b: {  	v28 =	vmul.f32 v28, v30;
	v30 =	vld [tilespmem:s21+$0x1500]  }
0x31c: {  	v31 =	vmul.f32 v31, v33;
	v33 =	vld [tilespmem:s21+$0x3260]  }
0x31d: {  	v1 =	vadd.f32 v3, v1;
	v3 =	vld [tilespmem:$0x1FD80]  }
0x31e: {  	v0 =	vadd.f32 v4, v0;
	v4 =	vmul.f32 v13, v2;
	v2 =	vld [tilespmem:$0x1FD70]  }
0x31f: {  	v32 =	vmul.f32 v32, v35;
	v35 =	vld [tilespmem:$0x1FF00]  }
0x320: {  	v17 =	vld [tilespmem:s21+$0x14E0]  }
0x321: {  	v18 =	vld [tilespmem:s21+$0x2DA0]  }
0x322: {  	v8 =	vld [tilespmem:$0x1FDA0]  }
0x323: {  	v3 =	vmul.f32 v3, v2;
	v2 =	vld [tilespmem:$0x1FD90]  }
0x324: {  	v19 =	vld [tilespmem:s21+$0x1330]  }
0x325: {  	v14 =	vmul.f32 v14, v17;
	v17 =	vld [tilespmem:s21+$0x30D0]  }
0x326: {  	v20 =	vld [tilespmem:s21+$0x2BF0]  }
0x327: {  	v1 =	vadd.f32 v3, v1;
	v3 =	vld [tilespmem:$0x1FDC0]  }
0x328: {  	v0 =	vadd.f32 v4, v0;
	v4 =	vmul.f32 v8, v2;
	v2 =	vld [tilespmem:$0x1FDB0]  }
0x329: {  	v16 =	vmul.f32 v16, v19;
	v19 =	vld [tilespmem:s21+$0x1000]  }
0x32a: {  	v21 =	vld [tilespmem:s21+$0x1180]  }
0x32b: {  	v22 =	vld [tilespmem:s21+$0x2A40]  }
0x32c: {  	v9 =	vld [tilespmem:$0x1FDE0]  }
0x32d: {  	v3 =	vmul.f32 v3, v2;
	v2 =	vld [tilespmem:$0x1FDD0]  }
0x32e: {  	v23 =	vld [tilespmem:s21+$0xFD0]  }
0x32f: {  	v18 =	vmul.f32 v18, v21;
	v21 =	vld [tilespmem:s21+$0x2F20]  }
0x330: {  	v49 =	vld [tilespmem:s21+$0x3620]  }
0x331: {  	v1 =	vadd.f32 v3, v1;
	v3 =	vld [tilespmem:$0x1FE00]  }
0x332: {  	v0 =	vadd.f32 v4, v0;
	v4 =	vmul.f32 v9, v2;
	v2 =	vld [tilespmem:$0x1FDF0]  }
0x333: {  	v20 =	vmul.f32 v20, v23;
	v23 =	vld [tilespmem:s21+$0xE50]  }
0x334: {  	v24 =	vld [tilespmem:s21+$0xE20]  }
0x335: {  	v10 =	vld [tilespmem:s21+$0x3460]  }
0x336: {  	v0 =	vadd.f32 v4, v0;
	v4 =	vld [tilespmem:$0x1FE20]  }
0x337: {  	v3 =	vmul.f32 v3, v2;
	v2 =	vld [tilespmem:$0x1FE10]  }
0x338: {  	v11 =	vld [tilespmem:s21+$0x19F0]  }
0x339: {  	v12 =	vld [tilespmem:s21+$0x32B0]  }
0x33a: {  	v13 =	vld [tilespmem:s21+$0x1840]  }
0x33b: {  	v8 =	vld [tilespmem:s21+$0x3610]  }
0x33c: {  	v1 =	vadd.f32 v3, v1;
	v3 =	vld [tilespmem:$0x1FE40];
	v4 =	vmul.f32 v4, v2  }
0x33d: {  	v2 =	vld [tilespmem:$0x1FE30]  }
0x33e: {  	v0 =	vadd.f32 v4, v0;
	v4 =	vld [tilespmem:$0x1FE50]  }
0x33f: {  	v12 =	vmul.f32 v12, v15;
	v15 =	vld [tilespmem:s21+$0x11B0]  }
0x340: {  	v10 =	vmul.f32 v10, v13;
	v13 =	vld [tilespmem:s21+$0x3280]  }
0x341: {  	v9 =	vld [tilespmem:s21+$0xE30]  }
0x342: {  	v8 =	vmul.f32 v8, v11;
	v11 =	vld [tilespmem:s21+$0x1360];
	v3 =	vmul.f32 v3, v2  }
0x343: {  	v2 =	vld [tilespmem:s21+$0x2D90];
	v4 =	vmul.f32 v5, v4  }
0x344: {  	v1 =	vadd.f32 v3, v1;
	v3 =	vld [tilespmem:$0x1FE70]  }
0x345: {  	v0 =	vadd.f32 v4, v0;
	v4 =	vld [tilespmem:$0x1FE80]  }
0x346: {  	v6 =	vmul.f32 v6, v9;
	v9 =	vld [tilespmem:s21+$0x3430]  }
0x347: {  	v5 =	vld [tilespmem:s21+$0x1190]  }
0x348: {  	v2 =	vmul.f32 v2, v7;
	v7 =	vld [tilespmem:s21+$0x1510]  }
0x349: {  	v3 =	vmul.f32 v63, v3;
	v63 =	vld [tilespmem:s21+$0x2F40]  }
0x34a: {  	v4 =	vmul.f32 v62, v4;
	v62 =	vld [tilespmem:s21+$0x1340]  }
0x34b: {  	v1 =	vadd.f32 v3, v1;
	v3 =	vmul.f32 v59, v61;
	v59 =	vld [tilespmem:s21+$0x30F0]  }
0x34c: {  	v61 =	vmul.f32 v53, v56;
	v53 =	vld [tilespmem:s21+$0x16A0];
	v0 =	vadd.f32 v4, v0  }
0x34d: {  	v56 =	vld [tilespmem:s21+$0x11A0]  }
0x34e: {  	v1 =	vadd.f32 v3, v1;
	v3 =	vmul.f32 v55, v58;
	v55 =	vld [tilespmem:s21+$0x32A0];
	v0 =	vadd.f32 v60, v0  }
0x34f: {  	v58 =	vld [tilespmem:s21+$0x30E0]  }
0x350: {  	v5 =	vmul.f32 v63, v5;
	v63 =	vld [tilespmem:s21+$0xE70];
	v4 =	vadd.f32 v61, v0  }
0x351: {  	v1 =	vadd.f32 v3, v1;
	v3 =	vmul.f32 v51, v54;
	v51 =	vld [tilespmem:s21+$0x3450]  }
0x352: {  	v54 =	vld [tilespmem:s21+$0x2F30];
	v4 =	vadd.f32 v48, v4  }
0x353: {  	v47 =	vmul.f32 v47, v50;
	v60 =	vld [tilespmem:s21+$0x1350];
	v3 =	vadd.f32 v3, v1  }
0x354: {  	v0 =	vld [tilespmem:s21+$0x1850];
	v4 =	vadd.f32 v44, v4  }
0x355: {  	v1 =	vld [tilespmem:s21+$0x3600];
	v3 =	vadd.f32 v47, v3  }
0x356: {  	v61 =	vld [tilespmem:s21+$0x3290];
	v4 =	vadd.f32 v40, v4  }
0x357: {  	v47 =	vld [tilespmem:$0x1FF60];
	v3 =	vadd.f32 v42, v3  }
0x358: {  	v34 =	vmul.f32 v34, v37;
	v48 =	vld [tilespmem:$0x1FF70];
	v4 =	vadd.f32 v36, v4  }
0x359: {  	v50 =	vmul.f32 v51, v53;
	v51 =	vmul.f32 v52, v46;
	v52 =	vld [tilespmem:$0x1FE90];
	v3 =	vadd.f32 v38, v3  }
0x35a: {  	v53 =	vld [tilespmem:$0x1FEA0];
	v4 =	vadd.f32 v32, v4  }
0x35b: {  	v54 =	vmul.f32 v54, v43;
	v43 =	vld [tilespmem:s21+$0x35C0];
	v3 =	vadd.f32 v34, v3  }
0x35c: {  	v25 =	vmul.f32 v25, v26;
	v46 =	vld [tilespmem:s21+$0xE80];
	v4 =	vadd.f32 v28, v4  }
0x35d: {  	v27 =	vmul.f32 v27, v29;
	v42 =	vld [tilespmem:$0x1FF90];
	v3 =	vadd.f32 v31, v3  }
0x35e: {  	v44 =	vmul.f32 v55, v57;
	v55 =	vmul.f32 v58, v56;
	v56 =	vld [tilespmem:$0x1FEB0];
	v4 =	vadd.f32 v25, v4  }
0x35f: {  	v22 =	vmul.f32 v22, v24;
	v57 =	vld [tilespmem:$0x1FEC0];
	v3 =	vadd.f32 v27, v3  }
0x360: {  	v58 =	vld [tilespmem:s21+$0x1370];
	v4 =	vadd.f32 v20, v4  }
0x361: {  	v40 =	vld [tilespmem:$0x1FF80];
	v3 =	vadd.f32 v22, v3  }
0x362: {  	v0 =	vmul.f32 v1, v0;
	v1 =	vld [tilespmem:s21+$0xE90];
	v4 =	vadd.f32 v16, v4  }
0x363: {  	v34 =	vld [tilespmem:s21+$0x16B0];
	v3 =	vadd.f32 v18, v3  }
0x364: {  	v36 =	vld [tilespmem:s21+$0x35F0];
	v4 =	vadd.f32 v12, v4  }
0x365: {  	v38 =	vmul.f32 v59, v62;
	v59 =	vmul.f32 v61, v60;
	v60 =	vld [tilespmem:s21+$0x35D0];
	v3 =	vadd.f32 v14, v3  }
0x366: {  	v61 =	vld [tilespmem:$0x1FED0];
	v4 =	vadd.f32 v8, v4;
	v8 =	vmul.f32 v42, v40  }
0x367: {  	v62 =	vld [tilespmem:$0x1FEE0];
	v3 =	vadd.f32 v10, v3  }
0x368: {  	v32 =	vld [tilespmem:s21+$0x3440];
	v2 =	vadd.f32 v2, v4;
	v4 =	vmul.f32 v48, v47;
	v8 =	vadd.f32 $0.0e+00, v8  }
0x369: {  	v24 =	vmul.f32 v36, v34;
	v34 =	vld [tilespmem:$0x1FEF0];
	v3 =	vadd.f32 v6, v3  }
0x36a: {  	v36 =	vld [tilespmem:s21+$0x1020];
	v4 =	vadd.f32 v4, v8;
	v8 =	vmul.f32 v53, v52  }
0x36b: {  	v18 =	vld [tilespmem:s21+$0x3270];
	v3 =	vadd.f32 v5, v3  }
0x36c: {  	v20 =	vld [tilespmem:s21+$0x11C0];
	v2 =	vadd.f32 v38, v2;
	v4 =	vadd.f32 v8, v4;
	v8 =	vmul.f32 v57, v56  }
0x36d: {  	v40 =	vld [tilespmem:$0x1FF20];
	v3 =	vadd.f32 v44, v3  }
0x36e: {  	v14 =	vld [tilespmem:s21+$0x1010];
	v2 =	vadd.f32 v50, v2;
	v4 =	vadd.f32 v8, v4;
	v8 =	vmul.f32 v62, v61  }
0x36f: {  	v44 =	vld [tilespmem:$0x1FF30];
	v3 =	vadd.f32 v51, v3  }
0x370: {  	v10 =	vld [tilespmem:s21+$0xE60];
	v2 =	vadd.f32 v54, v2;
	v4 =	vadd.f32 v8, v4;
	v8 =	vmul.f32 v35, v34  }
0x371: {  	v32 =	vmul.f32 v32, v30;
	v51 =	vld [tilespmem:$0x1FF50];
	v3 =	vadd.f32 v55, v3  }
0x372: {  	v12 =	vld [tilespmem:s21+$0x30C0];
	v2 =	vadd.f32 v59, v2;
	v4 =	vadd.f32 v8, v4;
	v8 =	vmul.f32 v40, v39  }
0x373: {  	v17 =	vmul.f32 v17, v19;
	v37 =	vmul.f32 v21, v23;
	v16 =	vld [tilespmem:s21+$0x3420];
	v3 =	vadd.f32 v32, v3  }
0x374: {  	v6 =	vld [tilespmem:s21+$0x35E0];
	v2 =	vadd.f32 v24, v2;
	v4 =	vadd.f32 v8, v4;
	v8 =	vmul.f32 v45, v44  }
0x375: {  	v42 =	vmul.f32 v13, v15;
	v47 =	vmul.f32 v9, v11;
	v38 =	vld [tilespmem:s21+$0x3410];
	v3 =	vadd.f32 v37, v3  }
0x376: {  	v52 =	vld [tilespmem:s21+$0x1030];
	v2 =	vadd.f32 v17, v2;
	v4 =	vadd.f32 v8, v4;
	v8 =	vmul.f32 v49, v51  }
0x377: {  	v48 =	vmul.f32 v12, v10;
	v50 =	vld [tilespmem:s21+$0x3400];
	v3 =	vadd.f32 v42, v3  }
0x378: {  	v53 =	vmul.f32 v18, v14;
	v57 =	vld [tilespmem:s21+$0x35A0];
	v2 =	vadd.f32 v47, v2;
	v4 =	vadd.f32 v8, v4  }
0x379: {  	v56 =	vmul.f32 v60, v58;
	v54 =	vld [tilespmem:s21+$0x35B0];
	v55 =	vmul.f32 v16, v20;
	v3 =	vadd.f32 v48, v3  }
0x37a: {  	v58 =	vmul.f32 v6, v7;
	v2 =	vadd.f32 v53, v2;
	v0 =	vadd.f32 v0, v4  }
0x37b: {  	v61 =	vmul.f32 v43, v41;
	v59 =	vmul.f32 v33, v63;
	v3 =	vadd.f32 v55, v3  }
0x37c: {  	v60 =	vmul.f32 v38, v36;
	v2 =	vadd.f32 v56, v2;
	v0 =	vadd.f32 v58, v0  }
0x37d: {  	v62 =	vmul.f32 v50, v46;
	v1 =	vmul.f32 v57, v1;
	v3 =	vadd.f32 v59, v3  }
0x37e: {  	v63 =	vmul.f32 v54, v52;
	v2 =	vadd.f32 v60, v2;
	v0 =	vadd.f32 v61, v0  }
0x37f: {  	v3 =	vadd.f32 v62, v3  }
0x380: {  	v2 =	vadd.f32 v63, v2;
	v0 =	vadd.f32 v1, v0;
	_ =	sdelay $0x1  }
0x381: {  	v1 =	vadd.f32 v2, v3;
	v0 =	vadd.f32 $0.0e+00, v0;
	_ =	sdelay $0x1  }
0x382: {  	v0 =	vadd.f32 v0, v1;
	v1 =	vld [tilespmem:$0x1FFC0];
	_ =	sdelay $0x4  }
0x383: {  	v1 =	vperm.xlane v0, v1;
	_ =	sdelay $0x1  }
0x384: {  	v0 =	vadd.f32 v0, v1;
	v1 =	vld [tilespmem:$0x1FFD0];
	_ =	sdelay $0x4  }
0x385: {  	v1 =	vperm.xlane v0, v1;
	_ =	sdelay $0x1  }
0x386: {  	v0 =	vadd.f32 v0, v1;
	v1 =	vld [tilespmem:$0x1FFE0];
	_ =	sdelay $0x4  }
0x387: {  	v1 =	vperm.xlane v0, v1;
	_ =	sdelay $0x1  }
0x388: {  	v0 =	vadd.f32 v0, v1;
	v1 =	vld [tilespmem:$0x1FFF0];
	_ =	sdelay $0x4  }
0x389: {  	s31 =	sadd.s32 s14, s16;
	v1 =	vperm.xlane v0, v1  }
0x38a: {  	s21 =	sand.u32 $0xF, s31  }
0x38b: {  	v2 =	vlaneseq.u32;
	v0 =	vadd.f32 v0, v1;
	v1 =	vmov s21  }
0x38c: {  	vm0 =	veq.s32 v1, v2;
	v1 =	vld [tilespmem:$0x1FFA0];
	_ =	sdelay $0x3  }
0x38d: {  	v0 =	vnsel vm0, $0x0, v0  }
0x38e: {  	v0 =	vadd.f32 v0, v1;
	v1 =	vld [tilespmem:$0x1FFB0];
	_ =	sdelay $0x6  }
0x38f: {  	p0 =	sne.s32 s21, $0xF  }
0x390: {  	[tilespmem:v1+s16+$0x15EF1 ss:$0x1] =	vst.idx.msk @!p0 $0xffff, v0;
	s16 =	sadd.s32 $0x1, s16  }
0x391: {  	p1 =	seq.s32 s16, $0x4  }
.Ltmp4:
0x392: {  	_ = 	snop;
	(pc) =	sbr.rel @!p1 .LBB2_4-.Ltmp4, $3  }
0x393: {  	_ =	sdelay $0x1  }
0x394: {  	s17 =	sadd.s32 $0x2A40, s17  }
0x395: {  	s18 =	sadd.s32 $0x2A40, s18;
	s19 =	sadd.s32 $0x2A40, s19;
	s20 =	sadd.s32 $0x2A40, s20;
	v0 =	vpsel !p0, $0x0, v0  }
0x396: {  	p0 =	seq.s32 s12, $0x20  }
.Ltmp5:
0x397: {  	_ = 	snop;
	(pc) =	sbr.rel @!p0 .LBB2_3-.Ltmp5, $1  }
0x398: {  	_ =	sdelay $0x3  }
0x399: {  	s11 =	sadd.s32 $0x1, s11  }
0x39a: {  	p0 =	sne.s32 s11, s6  }
.Ltmp6:
0x39b: {  	_ = 	snop;
	(pc) =	sbr.rel @p0 .LBB2_1-.Ltmp6, $4  }
0x39c: {  	[hbm4b:s5+s1] =	stream.linear.scatter [tilespmem:s10], [sflag:$0x3], $0x80, $0x38;
	[tilespmem:$0x15F80] =	vst v63  }
0x39d: {  	_ =	swait.ge [sflag:s7], $0x80  }
0x39e: {  	[sflag:s7] =	ssyncset.done $0x0  }
0x39f: {  	[sflag:s7] =	ssyncadd.s32 $0xFFFFFF80  }
0x3a0: {  	_ =	sfence.sel $0x180000  }
0x3a1: {  	[bflag:$0x0] =	sbarrier.arrive $0xFFFF  }
0x3a2: {  	p0 =	sne.s32 s0, $0x0;
	_ =	strace $0x9000004A  }
0x3a3: {  	s0 =	sadd.s32 @!p0 $0x100000, s2;
	[bflag:$0x2] =	sbarrier.arrive $0xFFFF  }
0x3a4: {  	[sflag:s0] =	ssyncadd.tile.s32 @!p0 $0x1;
	_ =	shalt  }
.Lfunc_end2:
_tile_overlayer_lowered:
.L_overlay_start_2:
0x3a5: {  	(tag) =	ssettag $0x2  }
0x3a6: {  	s0 =	rddreg [dreg:$0x0];
	s2 =	stileid.u32  }
0x3a7: {  	s1 =	rddreg [dreg:$0x1];
	p0 =	sne.s32 s2, $0x0  }
0x3a8: {  	s3 =	rddreg [dreg:$0x2];
	[bflag:$0x3] =	sbarrier.arrive $0xFFFF;
	s2 =	simm.s32 @!p0 $0x1C03  }
0x3a9: {  	[timem:s3], [sflag:s2] =	dma.local @!p0 [hbm:s0], s1  }
0x3aa: {  	s0 =	simm.s32 @!p0 $0x3  }
0x3ab: {  	_ =	swait.ge @!p0 [sflag:s0], s1  }
0x3ac: {  	s1 =	ssub.s32 @!p0 $0x0, s1;
	[sflag:s0] =	ssyncset.done @!p0 $0x0  }
0x3ad: {  	[sflag:s0] =	ssyncadd.s32 @!p0 s1  }
0x3ae: {  	[bflag:$0x3] =	sbarrier.arrive $0xFFFF  }
0x3af: {  	_ =	shalt  }

// kernel: sparse-core-data-format-call.cloned.1.call-start
scs
called_computation_lowered:
.L_overlay_start_0:
0x0: {  	s2 =	sld [smem:$0x3FD9]  }
0x1: {  	s3 =	sld [smem:$0x3FFE];
	_ =	sdelay $0x1  }
0x2: {  	s1 =	srdreg.scid  }
0x3: {  	s0 =	sand.u32 $0x1, s1  }
0x4: {  	s18 =	sshll.u32 s0, $0xA;
	s2 =	sadd.s32 s3, s2  }
0x5: {  	s2 =	sadd.s32 s2, s18  }
0x6: {  	[smem:$0x3FC6] =	sst s2  }
0x7: {  	_ = 	snop  }
0x8: {  	s2 =	sld [smem:$0x3FC8];
	(tm) =	ssettm $0x1  }
0x9: {  	s19 =	sld [smem:$0x3FFB];
	_ =	sdelay $0x3  }
0xa: {  	_ =	strace s19  }
0xb: {  	s3 =	sld [smem:$0x3FFC];
	_ =	sdelay $0x3  }
0xc: {  	_ =	strace s3  }
0xd: {  	s3 =	sld [smem:$0x3FFD];
	_ =	sdelay $0x3  }
0xe: {  	_ =	strace s3  }
0xf: {  	_ =	strace $0x8FFFFFFF  }
0x10: {  	s20 =	sld [smem:$0x3FDB];
	_ =	sdelay $0x1  }
0x11: {  	s4 =	simm.s32 $_scs_section_size  }
0x12: {  	s5 =	simm.s32 $_size__tile_overlayer_lowered;
	s6 =	simm.s32 $_tile_overlayer_lowered  }
0x13: {  	s23 =	simm.s32 $0x1BFF;
	s22 =	sshll.u32 s6, $0x1;
	s3 =	sadd.s32 s4, s20  }
0x14: {  	s7 =	simm.s32 $0x0;
	s21 =	sshll.u32 s5, $0x1;
	s5 =	sadd.s32 s22, s3  }
0x15: {  	[timem:s7], [sflag:s23] =	dma.local [hbm:s5], s21  }
0x16: {  	_ =	swait.ge [sflag:s23], s21  }
0x17: {  	s4 =	ssub.s32 $0x0, s21;
	[sflag:s23] =	ssyncset.done $0x0  }
0x18: {  	[sflag:s23] =	ssyncadd.s32 s4;
	_ =	sdelay $0x1  }
0x19: {  	s24 =	simm.s32 $0x1B8B  }
0x1a: {  	_ =	swait.ge [sflag:s24], $0x1  }
0x1b: {  	[sflag:s24] =	ssyncset.done $0x0  }
0x1c: {  	s26 =	simm.s32 $0x1B8E;
	s25 =	sld [smem:$0x3FFE];
	[sflag:s24] =	ssyncadd.s32 $0xFFFFFFFF  }
0x1d: {  	s27 =	simm.s32 $execute0_lowered;
	[smem:$0x3FD2] =	sst s26  }
0x1e: {  	s5 =	sshll.u32 s27, $0x1;
	_ =	strace $0x80000046;
	[dreg:$0x1] =	wrdreg $0xFFFFFFFF  }
0x1f: {  	s28 =	simm.s32 $_size_execute0_lowered;
	s3 =	sadd.s32 s3, s5;
	[dreg:$0x0] =	wrdreg $0x0  }
0x20: {  	s5 =	sshll.u32 s28, $0x1;
	[dreg:$0x2] =	wrdreg s3  }
0x21: {  	[dreg:$0x3] =	wrdreg s5  }
0x22: {  	[dreg:$0x4] =	wrdreg $0xC0  }
0x23: {  	_ =	task [dreg:s7], $0x5FFFF  }
0x24: {  	[dreg:$0x1] =	wrdreg $0xFFFFFFFF  }
0x25: {  	[dreg:$0x0] =	wrdreg $0x60  }
0x26: {  	[dreg:$0x2] =	wrdreg s2  }
0x27: {  	[dreg:$0x3] =	wrdreg s25  }
0x28: {  	[dreg:$0x4] =	wrdreg $0x9  }
0x29: {  	_ =	task.clear_ibuf [dreg:s7], $0x5FFFF;
	_ =	strace $0x90000046  }
0x2a: {  	s29 =	simm.s32 $0x9;
	_ =	strace $0x80000048  }
0x2b: {  	_ =	swait.ge [sflag:s29], $0x1  }
0x2c: {  	[sflag:s29] =	ssyncadd.s32 $0xFFFFFFFF  }
0x2d: {  	_ =	strace $0x90000048  }
0x2e: {  	_ =	sfence  }
0x2f: {  	s30 =	sld [smem:$0x0];
	_ =	sdelay $0x2  }
0x30: {  	s31 =	sshll.u32 s1, $0xD;
	s1 =	sshrl.u32 s1, $0x2  }
0x31: {  	s3 =	sand.u32 $0x4000, s31;
	s1 =	sadd.s32 s1, s30  }
0x32: {  	s0 =	sor.u32 s3, s0;
	s1 =	sshll.u32 s1, $0x11  }
0x33: {  	s0 =	sor.u32 s1, s0  }
0x34: {  	s0 =	sadd.s32 $0x8F2B, s0  }
0x35: {  	[sflag:s0] =	ssyncadd.remote.s32 $0x1  }
0x36: {  	_ =	sfence.sel $0xFFFF  }
0x37: {  	[dreg:$0x0] =	wrdreg $0xFFFFFFFF;
	(pc) =	sbr.abs _section_cstart, $3  }
0x38: {  	[dreg:$0x1] =	wrdreg $0xFFFFFFFF  }
0x39: {  	_ =	task.clear_ibuf [dreg:s7], $0x2FFFF;
	_ =	strace $0x9FFFFFFF  }
0x3a: {  	(tm) =	ssettm $0x7FFFFFFF  }
0x3b: {  	_ =	shalt  }
tec
execute0_lowered:
.L_overlay_start_1:
0x0: {  	(tag) =	ssettag $0x1  }
0x1: {  	s3 =	stileid.u32;
	s0 =	srdreg.scid  }
0x2: {  	s1 =	rddreg [dreg:$0x1];
	_ =	strace $0x80000047;
	s29 =	simm.s32 $0x1  }
0x3: {  	s31 =	simm.s32 $0x2;
	s10 =	simm.s32 $0x0;
	s9 =	simm.s32 $0x0  }
0x4: {  	s2 =	sshll.u32 s3, $0x5;
	s0 =	sshll.u32 s0, $0x9;
	s1 =	sadd.s32 $0xA00, s1  }
0x5: {  	s28 =	sshll.u32 s3, $0x7;
	s0 =	sor.u32 s2, s0;
	[dreg:$0x3] =	wrdreg s1  }
.Ltmp0:
0x6: {  	s13 =	sand.u32 $0x180, s28;
	s11 =	sand.u32 $0x380, s0;
	(pc) =	sbr.rel .LBB1_1-.Ltmp0, $4  }
0x7: {  	s8 =	simm.s32 $0x0;
	[dreg:$0x6] =	wrdreg s13;
	s30 =	ssub.s32 $0x18680, s11  }
0x8: {  	s12 =	simm.s32 $0x0;
	[dreg:$0x4] =	wrdreg s11;
	s1 =	sshrl.u32 s30, $0xA  }
0x9: {  	[sflag:s29] =	ssyncpa.u1 $0x0;
	[dreg:$0x5] =	wrdreg s1;
	s7 =	sor.u32 $0x2, s1  }
0xa: {  	s14 =	simm.s32 $0x0;
	[sflag:s31] =	ssyncpa.u1 $0x0;
	[dreg:$0x7] =	wrdreg s7  }
.LBB1_12:
0xb: {  	s8 =	rddreg [dreg:$0x8]  }
0xc: {  	s5 =	rddreg [dreg:$0xc]  }
0xd: {  	s1 =	sshll.u32 s12, $0x3;
	s24 =	rddreg [dreg:$0xb]  }
0xe: {  	s4 =	smov.u32 s12;
	s27 =	sand.u32 $0x78, s12;
	s29 =	rddreg [dreg:$0x3]  }
0xf: {  	s28 =	sand.u32 $0x7, s12;
	s31 =	simm.s32 $0x1000;
	s7 =	rddreg [dreg:$0x7]  }
0x10: {  	s9 =	rddreg [dreg:$0x9];
	s0 =	sshll.u32 s8, $0x9;
	s1 =	sand.u32 $0xFFFFFC00, s1  }
0x11: {  	s2 =	sshll.u32 s8, $0x7;
	p0 =	sgt.s32 s8, $0x18620;
	s0 =	sand.u32 $0xFFFFF000, s0  }
0x12: {  	s23 =	sand.u32 $0x200, s2;
	s0 =	sadd.s32 s1, s0;
	s1 =	smov.u32 s8  }
0x13: {  	s2 =	sand.u32 $0x180, s2;
	s0 =	sor.u32 s23, s0;
	s1 =	simm.s32 @!p0 $0x18620  }
0x14: {  	p0 =	sgt.s32 s12, $0x180;
	s0 =	sshrl.u32 s0, $0x9;
	s1 =	sadd.s32 s5, s1  }
0x15: {  	s4 =	simm.s32 @!p0 $0x180;
	s3 =	smulhi.u32 $0xA7C5AD, s0;
	s25 =	sadd.s32 $0xFFFE79E0, s1  }
0x16: {  	s4 =	sadd.s32 s24, s4;
	s1 =	ssub.s32 $0x186A0, s1;
	p0 =	sgt.s32 s25, $0x7F  }
0x17: {  	s26 =	sadd.s32 $0xFFFFFE80, s4;
	s4 =	ssub.s32 $0x200, s4;
	s3 =	sshrl.u32 s3, $0x8  }
0x18: {  	s1 =	simm.s32 @p0 $0x0;
	p0 =	sgt.s32 s26, $0x7F;
	s3 =	smul.u32 $0x186A0, s3  }
0x19: {  	s10 =	rddreg [dreg:$0xa];
	s2 =	sor.u32 s27, s2;
	s4 =	simm.s32 @p0 $0x0  }
0x1a: {  	s2 =	sshrl.u32 s2, $0x3;
	s1 =	smul.u32 s4, s1;
	s0 =	ssub.s32 s0, s3  }
0x1b: {  	s2 =	sadd.s32 s29, s2;
	s3 =	sshll.u32 s28, $0x12;
	s0 =	sshll.u32 s0, $0x6  }
0x1c: {  	s1 =	sand.u32 $0x3FFFFFFF, s1;
	s30 =	sor.u32 $0x400, s3;
	s0 =	sadd.s32 s0, s2  }
0x1d: {  	[hbm4b:s0+s30] =	stream.strided.scatter [tilespmem:s18], [sflag:$0x2], s1, s31, s30, $0x20;
	[tilespmem:$0x10100] =	vst v63  }
.LBB1_13:
0x1e: {  	p0 =	slt.u32 s14, $0x2  }
0x1f: {  	s1 =	smov.u32 s10;
	s2 =	smov.u32 s9;
	p1 =	sgt.s32 @!p0 s10, $0x18620  }
0x20: {  	s0 =	sshra.s32 @!p0 s10, $0x1F;
	p2 =	sgt.s32 @!p0 s9, $0x180;
	s3 =	sshra.s32 @!p0 s9, $0x1F  }
0x21: {  	p1 =	por !p1, p0;
	s0 =	sand.u32 @!p0 s0, s10;
	p2 =	por !p2, p0  }
0x22: {  	s3 =	sand.u32 @!p0 s3, s9;
	s1 =	simm.s32 @p1 $0x18620;
	s2 =	simm.s32 @p2 $0x180  }
0x23: {  	s0 =	ssub.s32 @!p0 s1, s0;
	s1 =	ssub.s32 @!p0 s2, s3  }
0x24: {  	s2 =	sadd.s32 @!p0 $0xFFFE79E0, s0;
	s3 =	sadd.s32 @!p0 $0xFFFFFE80, s1  }
0x25: {  	s0 =	ssub.s32 @!p0 $0x186A0, s0;
	p1 =	sgt.s32 @!p0 s2, $0x7F;
	p2 =	sgt.s32 @!p0 s3, $0x7F  }
0x26: {  	s1 =	ssub.s32 @!p0 $0x200, s1;
	p1 =	por !p1, p0;
	p2 =	por !p2, p0  }
0x27: {  	s0 =	simm.s32 @!p1 $0x0;
	s1 =	simm.s32 @!p2 $0x0  }
0x28: {  	s0 =	smul.u32 @!p0 s1, s0  }
0x29: {  	s4 =	smov.u32 s13  }
0x2a: {  	s2 =	simm.s32 @!p0 $0x2;
	s1 =	sadd.s32 $0x400, s11;
	s0 =	sand.u32 @!p0 $0x3FFFFFFF, s0  }
0x2b: {  	s3 =	sadd.s32 $0x200, s13;
	p1 =	sgt.s32 s1, $0x1869F;
	_ =	swait.ge @!p0 [sflag:s2], s0  }
0x2c: {  	s4 =	smov.u32 @p1 s3;
	s3 =	rddreg [dreg:$0x4]  }
0x2d: {  	s1 =	smov.u32 @p1 s3;
	p1 =	sgt.s32 s4, $0x19F;
	s3 =	rddreg [dreg:$0x6]  }
0x2e: {  	s4 =	smov.u32 @p1 s3;
	p1 =	sne.s32 s14, s7  }
.Ltmp1:
0x2f: {  	_ = 	snop;
	(pc) =	sbr.rel @!p1 .LBB1_14-.Ltmp1, $4  }
0x30: {  	s10 =	smov.u32 s8  }
0x31: {  	s9 =	smov.u32 s12;
	s0 =	ssub.s32 @!p0 $0x0, s0;
	[sflag:s2] =	ssyncset.done @!p0 $0x0  }
0x32: {  	s8 =	smov.u32 s11;
	s12 =	smov.u32 s13;
	[sflag:s2] =	ssyncadd.s32 @!p0 s0  }
0x33: {  	s14 =	sadd.s32 $0x1, s14;
	s11 =	smov.u32 s1;
	s13 =	smov.u32 s4  }
.LBB1_1:
0x34: {  	s0 =	rddreg [dreg:$0x5]  }
0x35: {  	p0 =	sgt.u32 s14, s0  }
0x36: {  	s0 =	sshrl.u32 @!p0 s13, $0x3  }
0x37: {  	s1 =	sshll.u32 @!p0 s11, $0x3;
	s0 =	smul.u32 @!p0 $0xC3800, s0  }
0x38: {  	s5 =	smov.u32 s11;
	s2 =	sshll.u32 @!p0 s13, $0x7;
	s1 =	sand.u32 @!p0 $0xFFFFFC00, s1  }
0x39: {  	s3 =	sand.u32 @!p0 $0x7F, s11;
	s0 =	sadd.s32 @!p0 s0, s1;
	s1 =	sand.u32 @!p0 $0x380, s2  }
0x3a: {  	p1 =	sgt.s32 @!p0 s13, $0x120;
	s4 =	sshra.s32 @!p0 s13, $0x1F;
	s0 =	sor.u32 @!p0 s1, s0  }
0x3b: {  	s6 =	sshra.s32 @!p0 s11, $0x1F;
	p1 =	por !p1, p0;
	s1 =	smulhi.u32 @!p0 $0xA79C7B17, s0  }
0x3c: {  	s4 =	sand.u32 @!p0 s4, s13;
	s0 =	sor.u32 @!p0 s3, s0;
	s3 =	smov.u32 s13  }
0x3d: {  	s3 =	simm.s32 @p1 $0x120;
	p1 =	sgt.s32 @!p0 s11, $0x18680;
	s1 =	sshrl.u32 @!p0 s1, $0x10  }
0x3e: {  	p1 =	por !p1, p0;
	s3 =	ssub.s32 @!p0 s3, s4;
	s2 =	smul.u32 @!p0 $0x4EC5, s1  }
0x3f: {  	s4 =	sand.u32 @!p0 s6, s11;
	s6 =	smulhi.u32 @!p0 $0xA79C7B17, s0;
	s5 =	simm.s32 @p1 $0x18680  }
0x40: {  	s4 =	ssub.s32 @!p0 s5, s4;
	s5 =	sadd.s32 @!p0 $0xFFFFFEE0, s3;
	s2 =	sshrl.u32 @!p0 s2, $0x17  }
0x41: {  	p1 =	sgt.s32 @!p0 s5, $0x7F;
	s5 =	sshrl.u32 @!p0 s6, $0x10;
	s2 =	smul.u32 @!p0 $0x1A0, s2  }
0x42: {  	s3 =	ssub.s32 @!p0 $0x1A0, s3;
	s5 =	smul.u32 @!p0 $0x18700, s5  }
0x43: {  	p1 =	por !p1, p0;
	s1 =	ssub.s32 @!p0 s1, s2;
	s2 =	sadd.s32 @!p0 $0xFFFE7980, s4  }
0x44: {  	s3 =	simm.s32 @!p1 $0x0;
	s4 =	ssub.s32 @!p0 $0x18700, s4;
	p2 =	sgt.s32 @!p0 s2, $0x7F  }
0x45: {  	s0 =	ssub.s32 @!p0 s0, s5;
	s1 =	sand.u32 @!p0 $0xFFFF, s1;
	p2 =	por !p2, p0  }
0x46: {  	s2 =	sxor.u32 @!p0 $0xFFFFFFFF, s14;
	s1 =	smul.u32 @!p0 $0x30E0, s1;
	s4 =	simm.s32 @!p2 $0x0  }
0x47: {  	s5 =	rddreg [dreg:$0x0];
	s2 =	sshll.u32 @!p0 s2, $0xE;
	s3 =	smul.u32 @!p0 s3, s4  }
0x48: {  	s2 =	sand.u32 @!p0 $0x4000, s2;
	s4 =	sshrl.u32 @!p0 s0, $0x3;
	s0 =	sand.u32 @!p0 $0x7, s0  }
0x49: {  	s4 =	sadd.s32 @!p0 s5, s4;
	s0 =	sshll.u32 @!p0 s0, $0x12;
	s3 =	sand.u32 @!p0 $0x3FFFFFFF, s3  }
0x4a: {  	s1 =	sadd.s32 @!p0 s1, s4;
	s0 =	sor.u32 @!p0 $0x400, s0;
	s4 =	simm.s32 @!p0 $0xC3800  }
0x4b: {  	[tilespmem:s2], [sflag:$0x1] =	stream.strided.gather @!p0 [hbm4b:s1+s0], s3, s4, s0, $0x38;
	[tilespmem:$0x10100] =	vst v63  }
0x4c: {  	p0 =	seq.s32 s14, $0x0  }
0x4d: {  	p1 =	sge.u32 @!p0 s14, s7  }
0x4e: {  	p0 =	por p0, p1  }
.Ltmp2:
0x4f: {  	_ = 	snop;
	(pc) =	sbr.rel @p0 .LBB1_13-.Ltmp2, $1  }
0x50: {  	_ =	sdelay $0x3  }
0x51: {  	s0 =	ssub.s32 $0x0, s12;
	s1 =	sshra.s32 s12, $0x1F;
	p0 =	sgt.s32 s12, $0x120  }
0x52: {  	s2 =	smov.u32 s12;
	s25 =	ssub.s32 $0x0, s8;
	s26 =	sshra.s32 s8, $0x1F  }
0x53: {  	s3 =	smov.u32 s8;
	s2 =	simm.s32 @!p0 $0x120;
	p0 =	sgt.s32 s8, $0x18680  }
0x54: {  	s4 =	sand.u32 s0, s1;
	s1 =	sand.u32 s25, s26;
	s3 =	simm.s32 @!p0 $0x18680  }
0x55: {  	s2 =	sadd.s32 s4, s2;
	[dreg:$0xc] =	wrdreg s1;
	s1 =	sadd.s32 s1, s3  }
0x56: {  	s27 =	sadd.s32 $0xFFFFFEE0, s2;
	s2 =	ssub.s32 $0x1A0, s2;
	s28 =	sadd.s32 $0xFFFE7980, s1  }
0x57: {  	p0 =	sgt.s32 s27, $0x7F;
	s0 =	ssub.s32 $0x18700, s1;
	p1 =	sgt.s32 s28, $0x7F  }
0x58: {  	s2 =	simm.s32 @p0 $0x0;
	s0 =	simm.s32 @p1 $0x0  }
0x59: {  	s29 =	smul.u32 s2, s0;
	s2 =	sadd.s32 $0x80, s12  }
0x5a: {  	p0 =	slt.s32 s2, $0x1A0  }
0x5b: {  	s2 =	simm.s32 @!p0 $0x1A0  }
0x5c: {  	[dreg:$0xa] =	wrdreg s10;
	s20 =	ssub.s32 s2, s12  }
0x5d: {  	[dreg:$0x9] =	wrdreg s9;
	p0 =	slt.s32 s20, $0x1  }
.Ltmp3:
0x5e: {  	[dreg:$0x8] =	wrdreg s8;
	s30 =	simm.s32 $0x1;
	(pc) =	sbr.rel @p0 .LBB1_12-.Ltmp3, $4  }
0x5f: {  	[dreg:$0xb] =	wrdreg s4;
	s0 =	sand.u32 $0x1, s14;
	s1 =	sand.u32 $0x3FFFFFFF, s29  }
0x60: {  	s31 =	smul.u32 $0x4080, s0;
	_ =	swait.ge [sflag:s30], s1  }
0x61: {  	s1 =	ssub.s32 $0x0, s1;
	[sflag:s30] =	ssyncset.done $0x0  }
0x62: {  	s18 =	sor.u32 $0x8000, s31;
	[sflag:s30] =	ssyncadd.s32 s1  }
0x63: {  	s2 =	rddreg [dreg:$0x8]  }
0x64: {  	s1 =	sadd.s32 $0x80, s2  }
0x65: {  	p0 =	slt.s32 s1, $0x186A0  }
.Ltmp4:
0x66: {  	s1 =	simm.s32 @!p0 $0x186A0;
	(pc) =	sbr.rel .LBB1_4-.Ltmp4, $4  }
0x67: {  	s23 =	sshll.u32 s0, $0xE;
	s1 =	ssub.s32 s1, s2  }
0x68: {  	s25 =	simm.s32 $0x0;
	s26 =	simm.s32 $0x400;
	s1 =	sadd.s32 $0xF, s1  }
0x69: {  	s21 =	sand.u32 $0xFFFFFFF0, s1;
	s22 =	sand.u32 $0xFFFFFF00, s1;
	s31 =	sshll.u32 s1, $0x3  }
0x6a: {  	p0 =	slt.s32 s1, $0x100;
	s24 =	sand.u32 $0xFFFFF800, s31;
	p1 =	sge.s32 s22, s21  }
.LBB1_11:
0x6b: {  	s25 =	sadd.s32 $0x1, s25  }
0x6c: {  	p2 =	sne.s32 s25, s20  }
.Ltmp5:
0x6d: {  	_ = 	snop;
	(pc) =	sbr.rel @!p2 .LBB1_12-.Ltmp5, $2  }
0x6e: {  	_ =	sdelay $0x2  }
0x6f: {  	s26 =	sadd.s32 $0x80, s26  }
.LBB1_4:
.Ltmp6:
0x70: {  	(pc) =	sbr.rel @p0 .LBB1_8-.Ltmp6, $2  }
0x71: {  	_ =	sdelay $0x2  }
0x72: {  	s27 =	sshll.u32 s25, $0x7;
	s28 =	sand.u32 $0x7F, s25  }
0x73: {  	s2 =	sshll.u32 s25, $0x3  }
0x74: {  	s5 =	sand.u32 $0x380, s27;
	s4 =	sshrl.u32 s2, $0x7  }
0x75: {  	s1 =	sadd.s32 $0x800, s2;
	s6 =	sadd.s32 $0x1000, s2;
	s19 =	sadd.s32 s5, s23  }
0x76: {  	s7 =	sadd.s32 $0x1800, s2;
	s10 =	sadd.s32 $0x2800, s2;
	s17 =	sadd.s32 $0x3000, s2  }
0x77: {  	s2 =	sadd.s32 $0x3800, s2;
	s0 =	sand.u32 $0x78, s4;
	s1 =	sshrl.u32 s1, $0x7  }
0x78: {  	s6 =	sshrl.u32 s6, $0x7;
	s15 =	sshrl.u32 s10, $0x7;
	s2 =	sshrl.u32 s2, $0x7  }
0x79: {  	v0 =	vmov s19;
	s19 =	sand.u32 $0x3C00, s26;
	s3 =	smul.u32 $0x204, s0;
	s1 =	sand.u32 $0x78, s1  }
0x7a: {  	s5 =	sand.u32 $0x78, s6;
	s6 =	sshrl.u32 s7, $0x7;
	s1 =	smul.u32 $0x204, s1  }
0x7b: {  	s0 =	sxor.u32 $0x40, s0;
	s7 =	sshrl.u32 s17, $0x7;
	s5 =	smul.u32 $0x204, s5  }
0x7c: {  	s2 =	sand.u32 $0x78, s2;
	s0 =	smul.u32 $0x204, s0;
	s3 =	sshrl.u32 s3, $0x2  }
0x7d: {  	s8 =	sand.u32 $0x78, s6;
	s10 =	smul.u32 $0x204, s2;
	s3 =	sadd.s32 s3, s18  }
0x7e: {  	s1 =	sshrl.u32 s1, $0x2;
	s9 =	sshrl.u32 s5, $0x2;
	s0 =	sshrl.u32 s0, $0x2  }
0x7f: {  	s5 =	sand.u32 $0x78, s7;
	s7 =	sadd.s32 $0x20, s4;
	s6 =	sshrl.u32 s10, $0x2  }
0x80: {  	s1 =	sadd.s32 s1, s18;
	s29 =	sadd.s32 s28, s3;
	s3 =	sadd.s32 s9, s18  }
0x81: {  	s16 =	sadd.s32 s0, s18;
	s5 =	smul.u32 $0x204, s5;
	s30 =	sadd.s32 s28, s1  }
0x82: {  	s1 =	smul.u32 $0x204, s8;
	s31 =	sadd.s32 s28, s3;
	s3 =	sand.u32 $0x78, s15  }
0x83: {  	s7 =	sand.u32 $0x78, s7;
	s8 =	sadd.s32 $0x10, s4;
	s3 =	smul.u32 $0x204, s3  }
0x84: {  	s5 =	sshrl.u32 s5, $0x2;
	s15 =	sand.u32 $0x78, s8;
	s8 =	sadd.s32 $0x30, s4  }
0x85: {  	s1 =	sshrl.u32 s1, $0x2;
	s17 =	smul.u32 $0x204, s15;
	s15 =	sadd.s32 $0x60, s4  }
0x86: {  	s1 =	sadd.s32 s1, s18;
	s3 =	sshrl.u32 s3, $0x2;
	s15 =	sand.u32 $0x78, s15  }
0x87: {  	s0 =	sadd.s32 s28, s1;
	s1 =	sadd.s32 s28, s16;
	s3 =	sadd.s32 s3, s18  }
0x88: {  	s16 =	sadd.s32 s5, s18;
	s5 =	sshrl.u32 s17, $0x2;
	s15 =	smul.u32 $0x204, s15  }
0x89: {  	s9 =	sadd.s32 s28, s3;
	s2 =	sadd.s32 s28, s16;
	s3 =	sadd.s32 s6, s18  }
0x8a: {  	s6 =	smul.u32 $0x204, s7;
	s7 =	sand.u32 $0x78, s8;
	s8 =	sadd.s32 $0x50, s4  }
0x8b: {  	s4 =	sadd.s32 $0x70, s4;
	s7 =	smul.u32 $0x204, s7;
	s8 =	sand.u32 $0x78, s8  }
0x8c: {  	s5 =	sadd.s32 s5, s18;
	s4 =	sand.u32 $0x78, s4;
	s8 =	smul.u32 $0x204, s8  }
0x8d: {  	v1 =	vld.idx.msk [tilespmem:v0+s19+$0x0 ss:$0x1], $0xffff;
	s15 =	sshrl.u32 s15, $0x2;
	s6 =	sshrl.u32 s6, $0x2;
	s4 =	smul.u32 $0x204, s4  }
0x8e: {  	s15 =	sadd.s32 s15, s18;
	s7 =	sshrl.u32 s7, $0x2;
	s6 =	sadd.s32 s6, s18  }
0x8f: {  	s16 =	sadd.s32 s7, s18;
	s7 =	sadd.s32 s28, s5;
	s5 =	sadd.s32 s28, s6  }
0x90: {  	s8 =	sshrl.u32 s8, $0x2;
	s4 =	sshrl.u32 s4, $0x2;
	s6 =	sadd.s32 s28, s16  }
0x91: {  	s8 =	sadd.s32 s8, s18;
	s10 =	sadd.s32 s4, s18;
	s16 =	sadd.s32 $0xFFFFFC00, s26  }
0x92: {  	[tilespmem:s29+$0x0 ss:$0x81] =	vst.msk $0xffff, v1;
	v1 =	vld.idx.msk [tilespmem:v0+s19+$0x20 ss:$0x1], $0xffff;
	s4 =	sadd.s32 s28, s8;
	s8 =	sadd.s32 s28, s15;
	s15 =	sand.u32 $0x3C00, s16  }
0x93: {  	v2 =	vld.idx.msk [tilespmem:v0+s15+$0x70 ss:$0x1], $0xffff  }
0x94: {  	v3 =	vld.idx.msk [tilespmem:v0+s15+$0x0 ss:$0x1], $0xffff  }
0x95: {  	v4 =	vld.idx.msk [tilespmem:v0+s15+$0x10 ss:$0x1], $0xffff  }
0x96: {  	v5 =	vld.idx.msk [tilespmem:v0+s15+$0x20 ss:$0x1], $0xffff  }
0x97: {  	s3 =	sadd.s32 s28, s3;
	v6 =	vld.idx.msk [tilespmem:v0+s15+$0x30 ss:$0x1], $0xffff  }
0x98: {  	v7 =	vld.idx.msk [tilespmem:v0+s15+$0x40 ss:$0x1], $0xffff;
	[tilespmem:s3+$0x0 ss:$0x81] =	vst.msk $0xffff, v2  }
0x99: {  	v8 =	vld.idx.msk [tilespmem:v0+s15+$0x50 ss:$0x1], $0xffff;
	[tilespmem:s29+$0x0 ss:$0x81] =	vst.msk $0xffff, v3  }
0x9a: {  	p2 =	sgt.s32 s22, $0x100;
	v9 =	vld.idx.msk [tilespmem:v0+s15+$0x60 ss:$0x1], $0xffff;
	[tilespmem:s30+$0x0 ss:$0x81] =	vst.msk $0xffff, v4  }
.Ltmp7:
0x9b: {  	v4 =	vld.idx.msk [tilespmem:v0+s19+$0x10 ss:$0x1], $0xffff;
	[tilespmem:s31+$0x0 ss:$0x81] =	vst.msk $0xffff, v5;
	(pc) =	sbr.rel @!p2 .LBB1_7-.Ltmp7, $4  }
0x9c: {  	[tilespmem:s0+$0x0 ss:$0x81] =	vst.msk $0xffff, v6;
	v2 =	vld.idx.msk [tilespmem:v0+s19+$0x30 ss:$0x1], $0xffff  }
0x9d: {  	[tilespmem:s1+$0x0 ss:$0x81] =	vst.msk $0xffff, v7;
	v3 =	vld.idx.msk [tilespmem:v0+s19+$0x40 ss:$0x1], $0xffff  }
0x9e: {  	[tilespmem:s9+$0x0 ss:$0x81] =	vst.msk $0xffff, v8;
	v5 =	vld.idx.msk [tilespmem:v0+s19+$0x50 ss:$0x1], $0xffff  }
0x9f: {  	s17 =	sadd.s32 s28, s10;
	s16 =	sadd.s32 $0x800, s26;
	s15 =	simm.s32 $0x100;
	[tilespmem:s2+$0x0 ss:$0x81] =	vst.msk $0xffff, v9;
	v6 =	vld.idx.msk [tilespmem:v0+s19+$0x60 ss:$0x1], $0xffff  }
.LBB1_6:
0xa0: {  	s10 =	sadd.s32 $0xFFFFFC00, s16;
	s15 =	sadd.s32 $0x100, s15;
	[tilespmem:s7+$0x0 ss:$0x81] =	vst.msk $0xffff, v4;
	v4 =	vld.idx.msk [tilespmem:v0+s19+$0x70 ss:$0x1], $0xffff;
	s19 =	sand.u32 $0x3C00, s16  }
0xa1: {  	s10 =	sand.u32 $0x3C00, s10;
	v7 =	vld.idx.msk [tilespmem:v0+s19+$0x0 ss:$0x1], $0xffff;
	p2 =	slt.s32 s15, s22;
	[tilespmem:s5+$0x0 ss:$0x81] =	vst.msk $0xffff, v1  }
0xa2: {  	v1 =	vld.idx.msk [tilespmem:v0+s10+$0x70 ss:$0x1], $0xffff;
	[tilespmem:s6+$0x0 ss:$0x81] =	vst.msk $0xffff, v2  }
0xa3: {  	v2 =	vld.idx.msk [tilespmem:v0+s10+$0x0 ss:$0x1], $0xffff;
	[tilespmem:s1+$0x0 ss:$0x81] =	vst.msk $0xffff, v3  }
0xa4: {  	v3 =	vld.idx.msk [tilespmem:v0+s10+$0x10 ss:$0x1], $0xffff;
	[tilespmem:s4+$0x0 ss:$0x81] =	vst.msk $0xffff, v5  }
0xa5: {  	v5 =	vld.idx.msk [tilespmem:v0+s10+$0x20 ss:$0x1], $0xffff;
	[tilespmem:s8+$0x0 ss:$0x81] =	vst.msk $0xffff, v6  }
0xa6: {  	v6 =	vld.idx.msk [tilespmem:v0+s10+$0x30 ss:$0x1], $0xffff;
	[tilespmem:s17+$0x0 ss:$0x81] =	vst.msk $0xffff, v4  }
0xa7: {  	v8 =	vld.idx.msk [tilespmem:v0+s10+$0x40 ss:$0x1], $0xffff;
	[tilespmem:s29+$0x0 ss:$0x81] =	vst.msk $0xffff, v7  }
0xa8: {  	v7 =	vld.idx.msk [tilespmem:v0+s10+$0x50 ss:$0x1], $0xffff;
	[tilespmem:s3+$0x0 ss:$0x81] =	vst.msk $0xffff, v1  }
0xa9: {  	[tilespmem:s29+$0x0 ss:$0x81] =	vst.msk $0xffff, v2;
	v9 =	vld.idx.msk [tilespmem:v0+s10+$0x60 ss:$0x1], $0xffff  }
0xaa: {  	[tilespmem:s30+$0x0 ss:$0x81] =	vst.msk $0xffff, v3;
	v4 =	vld.idx.msk [tilespmem:v0+s19+$0x10 ss:$0x1], $0xffff  }
.Ltmp8:
0xab: {  	[tilespmem:s31+$0x0 ss:$0x81] =	vst.msk $0xffff, v5;
	v1 =	vld.idx.msk [tilespmem:v0+s19+$0x20 ss:$0x1], $0xffff;
	(pc) =	sbr.rel @p2 .LBB1_6-.Ltmp8, $4  }
0xac: {  	[tilespmem:s0+$0x0 ss:$0x81] =	vst.msk $0xffff, v6;
	v2 =	vld.idx.msk [tilespmem:v0+s19+$0x30 ss:$0x1], $0xffff  }
0xad: {  	[tilespmem:s1+$0x0 ss:$0x81] =	vst.msk $0xffff, v8;
	v3 =	vld.idx.msk [tilespmem:v0+s19+$0x40 ss:$0x1], $0xffff  }
0xae: {  	[tilespmem:s9+$0x0 ss:$0x81] =	vst.msk $0xffff, v7;
	v5 =	vld.idx.msk [tilespmem:v0+s19+$0x50 ss:$0x1], $0xffff  }
0xaf: {  	s16 =	sadd.s32 $0x800, s16;
	[tilespmem:s2+$0x0 ss:$0x81] =	vst.msk $0xffff, v9;
	v6 =	vld.idx.msk [tilespmem:v0+s19+$0x60 ss:$0x1], $0xffff  }
.LBB1_7:
0xb0: {  	_ =	sdelay $0x2  }
0xb1: {  	[tilespmem:s7+$0x0 ss:$0x81] =	vst.msk $0xffff, v4  }
0xb2: {  	v0 =	vld.idx.msk [tilespmem:v0+s19+$0x70 ss:$0x1], $0xffff;
	[tilespmem:s5+$0x0 ss:$0x81] =	vst.msk $0xffff, v1  }
0xb3: {  	[tilespmem:s6+$0x0 ss:$0x81] =	vst.msk $0xffff, v2  }
0xb4: {  	[tilespmem:s1+$0x0 ss:$0x81] =	vst.msk $0xffff, v3  }
0xb5: {  	[tilespmem:s4+$0x0 ss:$0x81] =	vst.msk $0xffff, v5  }
0xb6: {  	[tilespmem:s8+$0x0 ss:$0x81] =	vst.msk $0xffff, v6  }
0xb7: {  	[tilespmem:s17+$0x0 ss:$0x81] =	vst.msk $0xffff, v0  }
.LBB1_8:
.Ltmp9:
0xb8: {  	(pc) =	sbr.rel @p1 .LBB1_11-.Ltmp9, $1  }
0xb9: {  	_ =	sdelay $0x3  }
0xba: {  	s1 =	sand.u32 $0x380, s27;
	s0 =	sshrl.u32 s25, $0x4;
	s2 =	sadd.s32 s28, s18  }
0xbb: {  	s3 =	smov.u32 s24;
	s4 =	smov.u32 s22;
	s1 =	sadd.s32 s1, s23  }
.LBB1_10:
0xbc: {  	s5 =	sand.u32 $0x3C00, s3  }
0xbd: {  	s5 =	sadd.s32 s27, s5  }
0xbe: {  	s5 =	sand.u32 $0x3C00, s5  }
0xbf: {  	s6 =	sand.u32 $0x70, s4;
	s30 =	sadd.s32 s4, s0;
	s5 =	sadd.s32 s5, s1  }
0xc0: {  	s4 =	sadd.s32 $0x10, s4;
	s31 =	sand.u32 $0x78, s30;
	s5 =	sadd.s32 s6, s5  }
0xc1: {  	p2 =	slt.s32 s4, s21;
	v0 =	vld [tilespmem:s5+$0x0];
	s5 =	smul.u32 $0x204, s31  }
.Ltmp10:
0xc2: {  	_ = 	snop;
	(pc) =	sbr.rel @p2 .LBB1_10-.Ltmp10, $4  }
0xc3: {  	_ = 	snop  }
0xc4: {  	s5 =	sshrl.u32 s5, $0x2  }
0xc5: {  	s5 =	sadd.s32 s5, s2  }
0xc6: {  	s3 =	sadd.s32 $0x80, s3;
	[tilespmem:s5+$0x0 ss:$0x81] =	vst.msk $0xffff, v0  }
.Ltmp11:
0xc7: {  	_ = 	snop;
	(pc) =	sbr.rel .LBB1_11-.Ltmp11, $1  }
0xc8: {  	_ =	sdelay $0x3  }
.LBB1_14:
0xc9: {  	_ =	sfence.sel $0x180000  }
0xca: {  	s0 =	simm.s32 $0x1;
	[bflag:$0x0] =	sbarrier.arrive $0xFFFF  }
0xcb: {  	s30 =	simm.s32 $0x2;
	[sflag:s0] =	ssyncpa.u1 $0x1  }
0xcc: {  	[sflag:s30] =	ssyncpa.u1 $0x1  }
0xcd: {  	_ =	strace $0x90000047  }
0xce: {  	s31 =	stileid.u32;
	[bflag:$0x2] =	sbarrier.arrive $0xFFFF  }
0xcf: {  	p0 =	sne.s32 s31, $0x0;
	s0 =	rddreg [dreg:$0x2]  }
0xd0: {  	s0 =	sadd.s32 @!p0 $0x100000, s0  }
0xd1: {  	[sflag:s0] =	ssyncadd.tile.s32 @!p0 $0x1;
	_ =	shalt  }
.Lfunc_end1:
_tile_overlayer_lowered:
.L_overlay_start_2:
0xd2: {  	(tag) =	ssettag $0x2  }
0xd3: {  	s0 =	rddreg [dreg:$0x0];
	s2 =	stileid.u32  }
0xd4: {  	s1 =	rddreg [dreg:$0x1];
	p0 =	sne.s32 s2, $0x0  }
0xd5: {  	s3 =	rddreg [dreg:$0x2];
	[bflag:$0x3] =	sbarrier.arrive $0xFFFF;
	s2 =	simm.s32 @!p0 $0x1C01  }
0xd6: {  	[timem:s3], [sflag:s2] =	dma.local @!p0 [hbm:s0], s1  }
0xd7: {  	s0 =	simm.s32 @!p0 $0x1  }
0xd8: {  	_ =	swait.ge @!p0 [sflag:s0], s1  }
0xd9: {  	s1 =	ssub.s32 @!p0 $0x0, s1;
	[sflag:s0] =	ssyncset.done @!p0 $0x0  }
0xda: {  	[sflag:s0] =	ssyncadd.s32 @!p0 s1  }
0xdb: {  	[bflag:$0x3] =	sbarrier.arrive $0xFFFF  }
0xdc: {  	_ =	shalt  }

</sc_bundles>
